<compile_context>
chip_gen: v7x
topology: tpu7x:2x2x1
jax: 0.10.2.dev20260603
libtpu: 0.0.44.dev20260713+nightly
codegen_flags: <defaults>
</compile_context>

<pallas_src>
import functools
import jax
import jax.numpy as jnp
from jax import lax
from jax.experimental import pallas as pl
from jax.experimental.pallas import tpu as pltpu
from jax.experimental.pallas import tpu_sc as plsc

N = 100000
E = 1600000
GROUPS = 12800
E_PAD = GROUPS * 128
CG = 8
GPW1 = 400
NCH1 = 50
GPT2 = 800
NCH2 = 100
ZROWS = 6256
NACC = 100096

BLK = 2000


def _sc_scratch():
    return [
        pltpu.VMEM_SHARED((NACC, 16), jnp.float32),
        pltpu.VMEM((CG, 128), jnp.int32),
        pltpu.VMEM((CG, 128), jnp.int32),
        pltpu.VMEM((CG, 128, 16), jnp.float32),
        pltpu.SemaphoreType.DMA,
        pltpu.SemaphoreType.DMA,
    ]


_mesh = plsc.VectorSubcoreMesh(core_axis_name="c", subcore_axis_name="s")


@functools.partial(
    pl.kernel,
    out_type=jax.ShapeDtypeStruct((2, NACC, 16), jnp.float32),
    mesh=_mesh,
    scratch_types=_sc_scratch(),
    compiler_params=pltpu.CompilerParams(use_tc_tiling_on_sc=False),
)
def _sage_agg1(xpad_hbm, src_hbm, dst_hbm, zeros_hbm, out_hbm,
               acc, idxs, idxd, rows, gsem, ssem):
    c = lax.axis_index("c")
    s = lax.axis_index("s")
    w = s * 2 + c
    pltpu.sync_copy(zeros_hbm, acc.at[pl.ds(s * ZROWS, ZROWS)])
    plsc.subcore_barrier()

    def chunk(k, carry):
        gbase = w * GPW1 + k * CG
        pltpu.sync_copy(src_hbm.at[pl.ds(gbase, CG)], idxs)
        pltpu.sync_copy(dst_hbm.at[pl.ds(gbase, CG)], idxd)
        descs = [pltpu.async_copy(xpad_hbm.at[idxs.at[g]], rows.at[g], gsem)
                 for g in range(CG)]
        for d in descs:
            d.wait()
        descs = [pltpu.async_copy(rows.at[g], acc.at[idxd.at[g]], ssem, add=True)
                 for g in range(CG)]
        for d in descs:
            d.wait()
        return carry

    lax.fori_loop(0, NCH1, chunk, 0)
    plsc.subcore_barrier()
    pltpu.sync_copy(acc.at[pl.ds(s * ZROWS, ZROWS)],
                    out_hbm.at[c, pl.ds(s * ZROWS, ZROWS)])


@functools.partial(
    pl.kernel,
    out_type=jax.ShapeDtypeStruct((2, NACC, 16), jnp.float32),
    mesh=_mesh,
    scratch_types=_sc_scratch(),
    compiler_params=pltpu.CompilerParams(use_tc_tiling_on_sc=False),
)
def _sage_agg2(p0_hbm, p1_hbm, src_hbm, dst_hbm, zeros_hbm, out_hbm,
               acc, idxs, idxd, rows, gsem, ssem):
    c = lax.axis_index("c")
    s = lax.axis_index("s")
    pltpu.sync_copy(zeros_hbm, acc.at[pl.ds(s * ZROWS, ZROWS)])
    plsc.subcore_barrier()

    def chunk(k, carry):
        gbase = s * GPT2 + k * CG
        pltpu.sync_copy(src_hbm.at[pl.ds(gbase, CG)], idxs)
        pltpu.sync_copy(dst_hbm.at[pl.ds(gbase, CG)], idxd)

        @pl.when(c == 0)
        def _():
            descs = [pltpu.async_copy(p0_hbm.at[idxs.at[g]], rows.at[g], gsem)
                     for g in range(CG)]
            for d in descs:
                d.wait()

        @pl.when(c == 1)
        def _():
            descs = [pltpu.async_copy(p1_hbm.at[idxs.at[g]], rows.at[g], gsem)
                     for g in range(CG)]
            for d in descs:
                d.wait()

        descs = [pltpu.async_copy(rows.at[g], acc.at[idxd.at[g]], ssem, add=True)
                 for g in range(CG)]
        for d in descs:
            d.wait()
        return carry

    lax.fori_loop(0, NCH2, chunk, 0)
    plsc.subcore_barrier()
    pltpu.sync_copy(acc.at[pl.ds(s * ZROWS, ZROWS)],
                    out_hbm.at[c, pl.ds(s * ZROWS, ZROWS)])


def _tc1_body(agg_ref, x_ref, w1l_ref, w1r_ref, b1_ref, w2l_ref, w2r_ref,
              p0_ref, p1_ref, hr_ref, rdeg_ref):
    aggs = agg_ref[0] + agg_ref[1]
    rd = 1.0 / jnp.clip(aggs[:, 11:12], 1.0, None)
    mean = aggs * rd
    h = jnp.maximum(
        jnp.dot(mean, w1l_ref[...], preferred_element_type=jnp.float32)
        + jnp.dot(x_ref[...], w1r_ref[...], preferred_element_type=jnp.float32)
        + b1_ref[...][None, :], 0.0)
    p = jnp.dot(h, w2l_ref[...], preferred_element_type=jnp.float32)
    p0_ref[...] = p[:, :16]
    p1_ref[...] = p[:, 16:]
    hr_ref[...] = jnp.dot(h, w2r_ref[...], preferred_element_type=jnp.float32)
    rdeg_ref[...] = rd


def _tc2_body(agg_ref, hr_ref, rdeg_ref, b2_ref, wc_ref, bc_ref,
              logits_ref, emb_ref):
    a = jnp.concatenate([agg_ref[0], agg_ref[1]], axis=1)
    emb = jnp.maximum(a * rdeg_ref[...] + hr_ref[...] + b2_ref[...][None, :], 0.0)
    emb_ref[...] = emb
    logits_ref[...] = (
        jnp.dot(emb, wc_ref[...], preferred_element_type=jnp.float32)
        + bc_ref[...][None, :])


def kernel(x, edge_index, W1_l, W1_r, b1, W2_l, W2_r, b2, Wc, bc):
    src = edge_index[0].astype(jnp.int32)
    dst = edge_index[1].astype(jnp.int32)
    pad_e = E_PAD - E
    src2d = jnp.concatenate(
        [src, jnp.zeros((pad_e,), jnp.int32)]).reshape(GROUPS, 128)
    dst2d = jnp.concatenate(
        [dst, jnp.full((pad_e,), N, jnp.int32)]).reshape(GROUPS, 128)
    xpad = jnp.concatenate(
        [x, jnp.ones((N, 1), jnp.float32), jnp.zeros((N, 4), jnp.float32)],
        axis=1)
    w1l_p = jnp.pad(W1_l, ((0, 5), (0, 0)))
    w1r_p = jnp.pad(W1_r, ((0, 5), (0, 0)))
    zinit = jnp.zeros((ZROWS, 16), jnp.float32)

    agg1 = _sage_agg1(xpad, src2d, dst2d, zinit)

    grid = N // BLK
    p0, p1, hr, rdeg = pl.pallas_call(
        _tc1_body,
        grid=(grid,),
        in_specs=[
            pl.BlockSpec((2, BLK, 16), lambda i: (0, i, 0)),
            pl.BlockSpec((BLK, 16), lambda i: (i, 0)),
            pl.BlockSpec((16, 64), lambda i: (0, 0)),
            pl.BlockSpec((16, 64), lambda i: (0, 0)),
            pl.BlockSpec((64,), lambda i: (0,)),
            pl.BlockSpec((64, 32), lambda i: (0, 0)),
            pl.BlockSpec((64, 32), lambda i: (0, 0)),
        ],
        out_specs=[
            pl.BlockSpec((BLK, 16), lambda i: (i, 0)),
            pl.BlockSpec((BLK, 16), lambda i: (i, 0)),
            pl.BlockSpec((BLK, 32), lambda i: (i, 0)),
            pl.BlockSpec((BLK, 1), lambda i: (i, 0)),
        ],
        out_shape=[
            jax.ShapeDtypeStruct((N, 16), jnp.float32),
            jax.ShapeDtypeStruct((N, 16), jnp.float32),
            jax.ShapeDtypeStruct((N, 32), jnp.float32),
            jax.ShapeDtypeStruct((N, 1), jnp.float32),
        ],
    )(agg1, xpad, w1l_p, w1r_p, b1, W2_l, W2_r)

    agg2 = _sage_agg2(p0, p1, src2d, dst2d, zinit)

    logits, emb = pl.pallas_call(
        _tc2_body,
        grid=(grid,),
        in_specs=[
            pl.BlockSpec((2, BLK, 16), lambda i: (0, i, 0)),
            pl.BlockSpec((BLK, 32), lambda i: (i, 0)),
            pl.BlockSpec((BLK, 1), lambda i: (i, 0)),
            pl.BlockSpec((32,), lambda i: (0,)),
            pl.BlockSpec((32, 3), lambda i: (0, 0)),
            pl.BlockSpec((3,), lambda i: (0,)),
        ],
        out_specs=[
            pl.BlockSpec((BLK, 3), lambda i: (i, 0)),
            pl.BlockSpec((BLK, 32), lambda i: (i, 0)),
        ],
        out_shape=[
            jax.ShapeDtypeStruct((N, 3), jnp.float32),
            jax.ShapeDtypeStruct((N, 32), jnp.float32),
        ],
    )(agg2, hr, rdeg, b2, Wc, bc)

    return (logits, emb)

# --- scband reference (transcript-rebuilt; emitter-appended) ---
"""Pipeline reference for scband-graph-sagewith-embeddings-35296041239118 (READ-ONLY COPY).

The authoritative reference and input builder live on the scoring server;
editing this copy changes nothing except your own understanding.
"""

import jax, jax.numpy as jnp
import numpy as np

N = 100000
E = 1600000
IN_C = 11
HID = 64
EMB = 32
OUT = 3

def setup_inputs(seed: int = 0) -> dict:
    key = jax.random.key(seed)
    ks = jax.random.split(key, 12)
    x = jax.random.normal(ks[0], (N, IN_C), dtype=jnp.float32)
    edge_index = jax.random.randint(ks[1], (2, E), 0, N)
    def glorot(k, fan_in, fan_out):
        s = np.sqrt(6.0 / (fan_in + fan_out)).astype(np.float32)
        return jax.random.uniform(k, (fan_in, fan_out), dtype=jnp.float32, minval=-s, maxval=s)
    W1_l = glorot(ks[2], IN_C, HID)
    W1_r = glorot(ks[3], IN_C, HID)
    b1 = jnp.zeros((HID,), dtype=jnp.float32)
    W2_l = glorot(ks[4], HID, EMB)
    W2_r = glorot(ks[5], HID, EMB)
    b2 = jnp.zeros((EMB,), dtype=jnp.float32)
    Wc = glorot(ks[6], EMB, OUT)
    bc = jnp.zeros((OUT,), dtype=jnp.float32)
    return {"x": x, "edge_index": edge_index, "W1_l": W1_l, "W1_r": W1_r, "b1": b1,
            "W2_l": W2_l, "W2_r": W2_r, "b2": b2, "Wc": Wc, "bc": bc}

def _sage_conv(x, edge_index, W_l, W_r, b):
    # PyG SAGEConv with mean aggregation:
    #   out = lin_l(mean_{j in N(i)} x_j) + lin_r(x_i)
    src = edge_index[0]
    dst = edge_index[1]
    n = x.shape[0]
    msg = jnp.take(x, src, axis=0)                       # gather  [E, d]
    agg = jax.ops.segment_sum(msg, dst, num_segments=n)  # scatter-add [N, d]
    deg = jax.ops.segment_sum(jnp.ones((msg.shape[0],), dtype=x.dtype), dst, num_segments=n)
    agg = agg / jnp.clip(deg, 1.0, None)[:, None]        # mean
    return agg @ W_l + b + x @ W_r

def reference(x, edge_index, W1_l, W1_r, b1, W2_l, W2_r, b2, Wc, bc):
    h = _sage_conv(x, edge_index, W1_l, W1_r, b1)
    h = jax.nn.relu(h)
    # dropout is identity in eval mode (training=False)
    emb = _sage_conv(h, edge_index, W2_l, W2_r, b2)
    emb = jax.nn.relu(emb)
    logits = emb @ Wc + bc
    return (logits, emb)

if __name__ == "__main__":
    import jax
    _d = setup_inputs()
    print(jax.jit(kernel)(*tuple(_d.values())))

</pallas_src>

<mosaic_0001>
#map = affine_map<(d0, d1) -> (0, 0)>
#map1 = affine_map<(d0, d1) -> (0, 0, 0)>
module attributes {stable_mosaic.version = 14 : i64} {
  func.func @_sage_agg1(%arg0: i32, %arg1: i32, %arg2: memref<100000x16xf32, #tpu.memory_space<hbm>>, %arg3: memref<12800x128xi32, #tpu.memory_space<hbm>>, %arg4: memref<12800x128xi32, #tpu.memory_space<hbm>>, %arg5: memref<6256x16xf32, #tpu.memory_space<hbm>>, %arg6: memref<2x100096x16xf32, #tpu.memory_space<hbm>>, %arg7: memref<100096x16xf32, #tpu.memory_space<vmem_shared>>, %arg8: memref<8x128xi32, #tpu.memory_space<vmem>>, %arg9: memref<8x128xi32, #tpu.memory_space<vmem>>, %arg10: memref<8x128x16xf32, #tpu.memory_space<vmem>>, %arg11: memref<!tpu.dma_semaphore, #tpu.memory_space<semaphore_mem>>, %arg12: memref<!tpu.dma_semaphore, #tpu.memory_space<semaphore_mem>>) attributes {dimension_semantics = [#tpu.dimension_semantics<core_parallel>, #tpu.dimension_semantics<subcore_parallel>], iteration_bounds = array<i64: 2, 16>, scalar_prefetch = 0 : i64, scratch_operands = 6 : i64, tpu.core_type = #tpu.core_type<sc_vector_subcore>, window_params = [{transform_indices = #map}, {transform_indices = #map}, {transform_indices = #map}, {transform_indices = #map}, {transform_indices = #map1}]} {
    %mul3A = arith.constant 2 : i32
    %mul3A_0 = arith.muli %arg1, %mul3A : i32
    %add3A = arith.addi %mul3A_0, %arg0 : i32
    %mul3A_1 = arith.constant 6256 : i32
    %mul3A_2 = arith.muli %arg1, %mul3A_1 : i32
    "tpu.region"() ({
      %run_scoped3A = tpu.sem_alloc : memref<!tpu.dma_semaphore, #tpu.memory_space<semaphore_mem>>
      %dma_start3A = arith.constant 0 : i32
      %dma_start3A_13 = tpu.memref_slice %arg7[%mul3A_2, %dma_start3A] : memref<100096x16xf32, #tpu.memory_space<vmem_shared>> -> memref<6256x16xf32, #tpu.memory_space<vmem_shared>>
      tpu.enqueue_dma source(%arg5 : memref<6256x16xf32, #tpu.memory_space<hbm>>) target(%dma_start3A_13 : memref<6256x16xf32, #tpu.memory_space<vmem_shared>>) target_semaphore(%run_scoped3A : memref<!tpu.dma_semaphore, #tpu.memory_space<semaphore_mem>>)
      %dma_wait3A = arith.constant 0 : i32
      %dma_wait3A_14 = tpu.memref_slice %arg7[%mul3A_2, %dma_wait3A] : memref<100096x16xf32, #tpu.memory_space<vmem_shared>> -> memref<6256x16xf32, #tpu.memory_space<vmem_shared>>
      tpu.wait_dma2 semaphore(%run_scoped3A : memref<!tpu.dma_semaphore, #tpu.memory_space<semaphore_mem>>) src(%arg5 : memref<6256x16xf32, #tpu.memory_space<hbm>>) dst(%dma_wait3A_14 : memref<6256x16xf32, #tpu.memory_space<vmem_shared>>)
      tpu.yield
    }) : () -> ()
    %barrier3A = arith.constant 0 : index
    tpu.barrier barrier_id(%barrier3A)
    %scan3A = arith.constant 0 : i32
    %scan3A_3 = arith.constant 0 : i32
    %scan3A_4 = arith.constant 50 : i32
    %scan3A_5 = arith.addi %scan3A_3, %scan3A_4 : i32
    %scan3A_6 = arith.constant 1 : i32
    scf.for %scan3A_13 = %scan3A_3 to %scan3A_5 step %scan3A_6  : i32 {
      %mul3A_14 = arith.constant 400 : i32
      %mul3A_15 = arith.muli %add3A, %mul3A_14 : i32
      %mul3A_16 = arith.constant 8 : i32
      %mul3A_17 = arith.muli %scan3A_13, %mul3A_16 : i32
      %add3A_18 = arith.addi %mul3A_15, %mul3A_17 : i32
      "tpu.region"() ({
        %run_scoped3A = tpu.sem_alloc : memref<!tpu.dma_semaphore, #tpu.memory_space<semaphore_mem>>
        %dma_start3A_401 = arith.constant 0 : i32
        %dma_start3A_402 = tpu.memref_slice %arg3[%add3A_18, %dma_start3A_401] : memref<12800x128xi32, #tpu.memory_space<hbm>> -> memref<8x128xi32, #tpu.memory_space<hbm>>
        %dma_start3A_403 = arith.constant 0 : i32
        %dma_start3A_404 = tpu.memref_slice %arg3[%add3A_18, %dma_start3A_403] : memref<12800x128xi32, #tpu.memory_space<hbm>> -> memref<8x128xi32, #tpu.memory_space<hbm>>
        tpu.enqueue_dma source(%dma_start3A_404 : memref<8x128xi32, #tpu.memory_space<hbm>>) target(%arg8 : memref<8x128xi32, #tpu.memory_space<vmem>>) target_semaphore(%run_scoped3A : memref<!tpu.dma_semaphore, #tpu.memory_space<semaphore_mem>>)
        %dma_wait3A_405 = arith.constant 0 : i32
        %dma_wait3A_406 = tpu.memref_slice %arg3[%add3A_18, %dma_wait3A_405] : memref<12800x128xi32, #tpu.memory_space<hbm>> -> memref<8x128xi32, #tpu.memory_space<hbm>>
        %dma_wait3A_407 = arith.constant 0 : i32
        %dma_wait3A_408 = tpu.memref_slice %arg3[%add3A_18, %dma_wait3A_407] : memref<12800x128xi32, #tpu.memory_space<hbm>> -> memref<8x128xi32, #tpu.memory_space<hbm>>
        tpu.wait_dma2 semaphore(%run_scoped3A : memref<!tpu.dma_semaphore, #tpu.memory_space<semaphore_mem>>) src(%dma_wait3A_408 : memref<8x128xi32, #tpu.memory_space<hbm>>) dst(%arg8 : memref<8x128xi32, #tpu.memory_space<vmem>>)
        tpu.yield
      }) : () -> ()
      "tpu.region"() ({
        %run_scoped3A = tpu.sem_alloc : memref<!tpu.dma_semaphore, #tpu.memory_space<semaphore_mem>>
        %dma_start3A_401 = arith.constant 0 : i32
        %dma_start3A_402 = tpu.memref_slice %arg4[%add3A_18, %dma_start3A_401] : memref<12800x128xi32, #tpu.memory_space<hbm>> -> memref<8x128xi32, #tpu.memory_space<hbm>>
        %dma_start3A_403 = arith.constant 0 : i32
        %dma_start3A_404 = tpu.memref_slice %arg4[%add3A_18, %dma_start3A_403] : memref<12800x128xi32, #tpu.memory_space<hbm>> -> memref<8x128xi32, #tpu.memory_space<hbm>>
        tpu.enqueue_dma source(%dma_start3A_404 : memref<8x128xi32, #tpu.memory_space<hbm>>) target(%arg9 : memref<8x128xi32, #tpu.memory_space<vmem>>) target_semaphore(%run_scoped3A : memref<!tpu.dma_semaphore, #tpu.memory_space<semaphore_mem>>)
        %dma_wait3A_405 = arith.constant 0 : i32
        %dma_wait3A_406 = tpu.memref_slice %arg4[%add3A_18, %dma_wait3A_405] : memref<12800x128xi32, #tpu.memory_space<hbm>> -> memref<8x128xi32, #tpu.memory_space<hbm>>
        %dma_wait3A_407 = arith.constant 0 : i32
        %dma_wait3A_408 = tpu.memref_slice %arg4[%add3A_18, %dma_wait3A_407] : memref<12800x128xi32, #tpu.memory_space<hbm>> -> memref<8x128xi32, #tpu.memory_space<hbm>>
        tpu.wait_dma2 semaphore(%run_scoped3A : memref<!tpu.dma_semaphore, #tpu.memory_space<semaphore_mem>>) src(%dma_wait3A_408 : memref<8x128xi32, #tpu.memory_space<hbm>>) dst(%arg9 : memref<8x128xi32, #tpu.memory_space<vmem>>)
        tpu.yield
      }) : () -> ()
      %dma_start3A = arith.constant 0 : i32
      %dma_start3A_19 = arith.constant 0 : i32
      %dma_start3A_20 = arith.constant 0 : i32
      %dma_start3A_21 = arith.constant 0 : i32
      %dma_start3A_22 = tpu.memref_slice %arg10[%dma_start3A_19, %dma_start3A_20, %dma_start3A_21] : memref<8x128x16xf32, #tpu.memory_space<vmem>> -> memref<1x128x16xf32, #tpu.memory_space<vmem>>
      %dma_start3A_23 = tpu.memref_squeeze %dma_start3A_22 : memref<1x128x16xf32, #tpu.memory_space<vmem>> -> memref<128x16xf32, #tpu.memory_space<vmem>>
      %dma_start3A_24 = arith.constant 0 : i32
      %dma_start3A_25 = tpu.memref_slice %arg8[%dma_start3A, %dma_start3A_24] : memref<8x128xi32, #tpu.memory_space<vmem>> -> memref<1x128xi32, #tpu.memory_space<vmem>>
      %dma_start3A_26 = tpu.memref_squeeze %dma_start3A_25 : memref<1x128xi32, #tpu.memory_space<vmem>> -> memref<128xi32, #tpu.memory_space<vmem>>
      %dma_start3A_27 = arith.constant 0 : i32
      %dma_start3A_28 = arith.constant 0 : i32
      %dma_start3A_29 = tpu.memref_slice %arg2[%dma_start3A_27, %dma_start3A_28] : memref<100000x16xf32, #tpu.memory_space<hbm>> -> memref<100000x16xf32, #tpu.memory_space<hbm>>
      tpu.enqueue_indirect_dma source(%dma_start3A_29 : memref<100000x16xf32, #tpu.memory_space<hbm>>) target(%dma_start3A_23 : memref<128x16xf32, #tpu.memory_space<vmem>>) offsets(%dma_start3A_26 : memref<128xi32, #tpu.memory_space<vmem>>) semaphore(%arg11 : memref<!tpu.dma_semaphore, #tpu.memory_space<semaphore_mem>>)
      %dma_start3A_30 = arith.constant 1 : i32
      %dma_start3A_31 = arith.constant 1 : i32
      %dma_start3A_32 = arith.constant 0 : i32
      %dma_start3A_33 = arith.constant 0 : i32
      %dma_start3A_34 = tpu.memref_slice %arg10[%dma_start3A_31, %dma_start3A_32, %dma_start3A_33] : memref<8x128x16xf32, #tpu.memory_space<vmem>> -> memref<1x128x16xf32, #tpu.memory_space<vmem>>
      %dma_start3A_35 = tpu.memref_squeeze %dma_start3A_34 : memref<1x128x16xf32, #tpu.memory_space<vmem>> -> memref<128x16xf32, #tpu.memory_space<vmem>>
      %dma_start3A_36 = arith.constant 0 : i32
      %dma_start3A_37 = tpu.memref_slice %arg8[%dma_start3A_30, %dma_start3A_36] : memref<8x128xi32, #tpu.memory_space<vmem>> -> memref<1x128xi32, #tpu.memory_space<vmem>>
      %dma_start3A_38 = tpu.memref_squeeze %dma_start3A_37 : memref<1x128xi32, #tpu.memory_space<vmem>> -> memref<128xi32, #tpu.memory_space<vmem>>
      %dma_start3A_39 = arith.constant 0 : i32
      %dma_start3A_40 = arith.constant 0 : i32
      %dma_start3A_41 = tpu.memref_slice %arg2[%dma_start3A_39, %dma_start3A_40] : memref<100000x16xf32, #tpu.memory_space<hbm>> -> memref<100000x16xf32, #tpu.memory_space<hbm>>
      tpu.enqueue_indirect_dma source(%dma_start3A_41 : memref<100000x16xf32, #tpu.memory_space<hbm>>) target(%dma_start3A_35 : memref<128x16xf32, #tpu.memory_space<vmem>>) offsets(%dma_start3A_38 : memref<128xi32, #tpu.memory_space<vmem>>) semaphore(%arg11 : memref<!tpu.dma_semaphore, #tpu.memory_space<semaphore_mem>>)
      %dma_start3A_42 = arith.constant 2 : i32
      %dma_start3A_43 = arith.constant 2 : i32
      %dma_start3A_44 = arith.constant 0 : i32
      %dma_start3A_45 = arith.constant 0 : i32
      %dma_start3A_46 = tpu.memref_slice %arg10[%dma_start3A_43, %dma_start3A_44, %dma_start3A_45] : memref<8x128x16xf32, #tpu.memory_space<vmem>> -> memref<1x128x16xf32, #tpu.memory_space<vmem>>
      %dma_start3A_47 = tpu.memref_squeeze %dma_start3A_46 : memref<1x128x16xf32, #tpu.memory_space<vmem>> -> memref<128x16xf32, #tpu.memory_space<vmem>>
      %dma_start3A_48 = arith.constant 0 : i32
      %dma_start3A_49 = tpu.memref_slice %arg8[%dma_start3A_42, %dma_start3A_48] : memref<8x128xi32, #tpu.memory_space<vmem>> -> memref<1x128xi32, #tpu.memory_space<vmem>>
      %dma_start3A_50 = tpu.memref_squeeze %dma_start3A_49 : memref<1x128xi32, #tpu.memory_space<vmem>> -> memref<128xi32, #tpu.memory_space<vmem>>
      %dma_start3A_51 = arith.constant 0 : i32
      %dma_start3A_52 = arith.constant 0 : i32
      %dma_start3A_53 = tpu.memref_slice %arg2[%dma_start3A_51, %dma_start3A_52] : memref<100000x16xf32, #tpu.memory_space<hbm>> -> memref<100000x16xf32, #tpu.memory_space<hbm>>
      tpu.enqueue_indirect_dma source(%dma_start3A_53 : memref<100000x16xf32, #tpu.memory_space<hbm>>) target(%dma_start3A_47 : memref<128x16xf32, #tpu.memory_space<vmem>>) offsets(%dma_start3A_50 : memref<128xi32, #tpu.memory_space<vmem>>) semaphore(%arg11 : memref<!tpu.dma_semaphore, #tpu.memory_space<semaphore_mem>>)
      %dma_start3A_54 = arith.constant 3 : i32
      %dma_start3A_55 = arith.constant 3 : i32
      %dma_start3A_56 = arith.constant 0 : i32
      %dma_start3A_57 = arith.constant 0 : i32
      %dma_start3A_58 = tpu.memref_slice %arg10[%dma_start3A_55, %dma_start3A_56, %dma_start3A_57] : memref<8x128x16xf32, #tpu.memory_space<vmem>> -> memref<1x128x16xf32, #tpu.memory_space<vmem>>
      %dma_start3A_59 = tpu.memref_squeeze %dma_start3A_58 : memref<1x128x16xf32, #tpu.memory_space<vmem>> -> memref<128x16xf32, #tpu.memory_space<vmem>>
      %dma_start3A_60 = arith.constant 0 : i32
      %dma_start3A_61 = tpu.memref_slice %arg8[%dma_start3A_54, %dma_start3A_60] : memref<8x128xi32, #tpu.memory_space<vmem>> -> memref<1x128xi32, #tpu.memory_space<vmem>>
      %dma_start3A_62 = tpu.memref_squeeze %dma_start3A_61 : memref<1x128xi32, #tpu.memory_space<vmem>> -> memref<128xi32, #tpu.memory_space<vmem>>
      %dma_start3A_63 = arith.constant 0 : i32
      %dma_start3A_64 = arith.constant 0 : i32
      %dma_start3A_65 = tpu.memref_slice %arg2[%dma_start3A_63, %dma_start3A_64] : memref<100000x16xf32, #tpu.memory_space<hbm>> -> memref<100000x16xf32, #tpu.memory_space<hbm>>
      tpu.enqueue_indirect_dma source(%dma_start3A_65 : memref<100000x16xf32, #tpu.memory_space<hbm>>) target(%dma_start3A_59 : memref<128x16xf32, #tpu.memory_space<vmem>>) offsets(%dma_start3A_62 : memref<128xi32, #tpu.memory_space<vmem>>) semaphore(%arg11 : memref<!tpu.dma_semaphore, #tpu.memory_space<semaphore_mem>>)
      %dma_start3A_66 = arith.constant 4 : i32
      %dma_start3A_67 = arith.constant 4 : i32
      %dma_start3A_68 = arith.constant 0 : i32
      %dma_start3A_69 = arith.constant 0 : i32
      %dma_start3A_70 = tpu.memref_slice %arg10[%dma_start3A_67, %dma_start3A_68, %dma_start3A_69] : memref<8x128x16xf32, #tpu.memory_space<vmem>> -> memref<1x128x16xf32, #tpu.memory_space<vmem>>
      %dma_start3A_71 = tpu.memref_squeeze %dma_start3A_70 : memref<1x128x16xf32, #tpu.memory_space<vmem>> -> memref<128x16xf32, #tpu.memory_space<vmem>>
      %dma_start3A_72 = arith.constant 0 : i32
      %dma_start3A_73 = tpu.memref_slice %arg8[%dma_start3A_66, %dma_start3A_72] : memref<8x128xi32, #tpu.memory_space<vmem>> -> memref<1x128xi32, #tpu.memory_space<vmem>>
      %dma_start3A_74 = tpu.memref_squeeze %dma_start3A_73 : memref<1x128xi32, #tpu.memory_space<vmem>> -> memref<128xi32, #tpu.memory_space<vmem>>
      %dma_start3A_75 = arith.constant 0 : i32
      %dma_start3A_76 = arith.constant 0 : i32
      %dma_start3A_77 = tpu.memref_slice %arg2[%dma_start3A_75, %dma_start3A_76] : memref<100000x16xf32, #tpu.memory_space<hbm>> -> memref<100000x16xf32, #tpu.memory_space<hbm>>
      tpu.enqueue_indirect_dma source(%dma_start3A_77 : memref<100000x16xf32, #tpu.memory_space<hbm>>) target(%dma_start3A_71 : memref<128x16xf32, #tpu.memory_space<vmem>>) offsets(%dma_start3A_74 : memref<128xi32, #tpu.memory_space<vmem>>) semaphore(%arg11 : memref<!tpu.dma_semaphore, #tpu.memory_space<semaphore_mem>>)
      %dma_start3A_78 = arith.constant 5 : i32
      %dma_start3A_79 = arith.constant 5 : i32
      %dma_start3A_80 = arith.constant 0 : i32
      %dma_start3A_81 = arith.constant 0 : i32
      %dma_start3A_82 = tpu.memref_slice %arg10[%dma_start3A_79, %dma_start3A_80, %dma_start3A_81] : memref<8x128x16xf32, #tpu.memory_space<vmem>> -> memref<1x128x16xf32, #tpu.memory_space<vmem>>
      %dma_start3A_83 = tpu.memref_squeeze %dma_start3A_82 : memref<1x128x16xf32, #tpu.memory_space<vmem>> -> memref<128x16xf32, #tpu.memory_space<vmem>>
      %dma_start3A_84 = arith.constant 0 : i32
      %dma_start3A_85 = tpu.memref_slice %arg8[%dma_start3A_78, %dma_start3A_84] : memref<8x128xi32, #tpu.memory_space<vmem>> -> memref<1x128xi32, #tpu.memory_space<vmem>>
      %dma_start3A_86 = tpu.memref_squeeze %dma_start3A_85 : memref<1x128xi32, #tpu.memory_space<vmem>> -> memref<128xi32, #tpu.memory_space<vmem>>
      %dma_start3A_87 = arith.constant 0 : i32
      %dma_start3A_88 = arith.constant 0 : i32
      %dma_start3A_89 = tpu.memref_slice %arg2[%dma_start3A_87, %dma_start3A_88] : memref<100000x16xf32, #tpu.memory_space<hbm>> -> memref<100000x16xf32, #tpu.memory_space<hbm>>
      tpu.enqueue_indirect_dma source(%dma_start3A_89 : memref<100000x16xf32, #tpu.memory_space<hbm>>) target(%dma_start3A_83 : memref<128x16xf32, #tpu.memory_space<vmem>>) offsets(%dma_start3A_86 : memref<128xi32, #tpu.memory_space<vmem>>) semaphore(%arg11 : memref<!tpu.dma_semaphore, #tpu.memory_space<semaphore_mem>>)
      %dma_start3A_90 = arith.constant 6 : i32
      %dma_start3A_91 = arith.constant 6 : i32
      %dma_start3A_92 = arith.constant 0 : i32
      %dma_start3A_93 = arith.constant 0 : i32
      %dma_start3A_94 = tpu.memref_slice %arg10[%dma_start3A_91, %dma_start3A_92, %dma_start3A_93] : memref<8x128x16xf32, #tpu.memory_space<vmem>> -> memref<1x128x16xf32, #tpu.memory_space<vmem>>
      %dma_start3A_95 = tpu.memref_squeeze %dma_start3A_94 : memref<1x128x16xf32, #tpu.memory_space<vmem>> -> memref<128x16xf32, #tpu.memory_space<vmem>>
      %dma_start3A_96 = arith.constant 0 : i32
      %dma_start3A_97 = tpu.memref_slice %arg8[%dma_start3A_90, %dma_start3A_96] : memref<8x128xi32, #tpu.memory_space<vmem>> -> memref<1x128xi32, #tpu.memory_space<vmem>>
      %dma_start3A_98 = tpu.memref_squeeze %dma_start3A_97 : memref<1x128xi32, #tpu.memory_space<vmem>> -> memref<128xi32, #tpu.memory_space<vmem>>
      %dma_start3A_99 = arith.constant 0 : i32
      %dma_start3A_100 = arith.constant 0 : i32
      %dma_start3A_101 = tpu.memref_slice %arg2[%dma_start3A_99, %dma_start3A_100] : memref<100000x16xf32, #tpu.memory_space<hbm>> -> memref<100000x16xf32, #tpu.memory_space<hbm>>
      tpu.enqueue_indirect_dma source(%dma_start3A_101 : memref<100000x16xf32, #tpu.memory_space<hbm>>) target(%dma_start3A_95 : memref<128x16xf32, #tpu.memory_space<vmem>>) offsets(%dma_start3A_98 : memref<128xi32, #tpu.memory_space<vmem>>) semaphore(%arg11 : memref<!tpu.dma_semaphore, #tpu.memory_space<semaphore_mem>>)
      %dma_start3A_102 = arith.constant 7 : i32
      %dma_start3A_103 = arith.constant 7 : i32
      %dma_start3A_104 = arith.constant 0 : i32
      %dma_start3A_105 = arith.constant 0 : i32
      %dma_start3A_106 = tpu.memref_slice %arg10[%dma_start3A_103, %dma_start3A_104, %dma_start3A_105] : memref<8x128x16xf32, #tpu.memory_space<vmem>> -> memref<1x128x16xf32, #tpu.memory_space<vmem>>
      %dma_start3A_107 = tpu.memref_squeeze %dma_start3A_106 : memref<1x128x16xf32, #tpu.memory_space<vmem>> -> memref<128x16xf32, #tpu.memory_space<vmem>>
      %dma_start3A_108 = arith.constant 0 : i32
      %dma_start3A_109 = tpu.memref_slice %arg8[%dma_start3A_102, %dma_start3A_108] : memref<8x128xi32, #tpu.memory_space<vmem>> -> memref<1x128xi32, #tpu.memory_space<vmem>>
      %dma_start3A_110 = tpu.memref_squeeze %dma_start3A_109 : memref<1x128xi32, #tpu.memory_space<vmem>> -> memref<128xi32, #tpu.memory_space<vmem>>
      %dma_start3A_111 = arith.constant 0 : i32
      %dma_start3A_112 = arith.constant 0 : i32
      %dma_start3A_113 = tpu.memref_slice %arg2[%dma_start3A_111, %dma_start3A_112] : memref<100000x16xf32, #tpu.memory_space<hbm>> -> memref<100000x16xf32, #tpu.memory_space<hbm>>
      tpu.enqueue_indirect_dma source(%dma_start3A_113 : memref<100000x16xf32, #tpu.memory_space<hbm>>) target(%dma_start3A_107 : memref<128x16xf32, #tpu.memory_space<vmem>>) offsets(%dma_start3A_110 : memref<128xi32, #tpu.memory_space<vmem>>) semaphore(%arg11 : memref<!tpu.dma_semaphore, #tpu.memory_space<semaphore_mem>>)
      %dma_wait3A = arith.constant 0 : i32
      %dma_wait3A_114 = arith.constant 0 : i32
      %dma_wait3A_115 = arith.constant 0 : i32
      %dma_wait3A_116 = arith.constant 0 : i32
      %dma_wait3A_117 = tpu.memref_slice %arg10[%dma_wait3A_114, %dma_wait3A_115, %dma_wait3A_116] : memref<8x128x16xf32, #tpu.memory_space<vmem>> -> memref<1x128x16xf32, #tpu.memory_space<vmem>>
      %dma_wait3A_118 = tpu.memref_squeeze %dma_wait3A_117 : memref<1x128x16xf32, #tpu.memory_space<vmem>> -> memref<128x16xf32, #tpu.memory_space<vmem>>
      %dma_wait3A_119 = arith.constant 0 : i32
      %dma_wait3A_120 = tpu.memref_slice %arg8[%dma_wait3A, %dma_wait3A_119] : memref<8x128xi32, #tpu.memory_space<vmem>> -> memref<1x128xi32, #tpu.memory_space<vmem>>
      %dma_wait3A_121 = tpu.memref_squeeze %dma_wait3A_120 : memref<1x128xi32, #tpu.memory_space<vmem>> -> memref<128xi32, #tpu.memory_space<vmem>>
      %dma_wait3A_122 = arith.constant 0 : i32
      %dma_wait3A_123 = arith.constant 0 : i32
      %dma_wait3A_124 = tpu.memref_slice %arg2[%dma_wait3A_122, %dma_wait3A_123] : memref<100000x16xf32, #tpu.memory_space<hbm>> -> memref<100000x16xf32, #tpu.memory_space<hbm>>
      tpu.wait_indirect_dma semaphore(%arg11 : memref<!tpu.dma_semaphore, #tpu.memory_space<semaphore_mem>>) src(%dma_wait3A_124 : memref<100000x16xf32, #tpu.memory_space<hbm>>) dst(%dma_wait3A_118 : memref<128x16xf32, #tpu.memory_space<vmem>>)
      %dma_wait3A_125 = arith.constant 1 : i32
      %dma_wait3A_126 = arith.constant 1 : i32
      %dma_wait3A_127 = arith.constant 0 : i32
      %dma_wait3A_128 = arith.constant 0 : i32
      %dma_wait3A_129 = tpu.memref_slice %arg10[%dma_wait3A_126, %dma_wait3A_127, %dma_wait3A_128] : memref<8x128x16xf32, #tpu.memory_space<vmem>> -> memref<1x128x16xf32, #tpu.memory_space<vmem>>
      %dma_wait3A_130 = tpu.memref_squeeze %dma_wait3A_129 : memref<1x128x16xf32, #tpu.memory_space<vmem>> -> memref<128x16xf32, #tpu.memory_space<vmem>>
      %dma_wait3A_131 = arith.constant 0 : i32
      %dma_wait3A_132 = tpu.memref_slice %arg8[%dma_wait3A_125, %dma_wait3A_131] : memref<8x128xi32, #tpu.memory_space<vmem>> -> memref<1x128xi32, #tpu.memory_space<vmem>>
      %dma_wait3A_133 = tpu.memref_squeeze %dma_wait3A_132 : memref<1x128xi32, #tpu.memory_space<vmem>> -> memref<128xi32, #tpu.memory_space<vmem>>
      %dma_wait3A_134 = arith.constant 0 : i32
      %dma_wait3A_135 = arith.constant 0 : i32
      %dma_wait3A_136 = tpu.memref_slice %arg2[%dma_wait3A_134, %dma_wait3A_135] : memref<100000x16xf32, #tpu.memory_space<hbm>> -> memref<100000x16xf32, #tpu.memory_space<hbm>>
      tpu.wait_indirect_dma semaphore(%arg11 : memref<!tpu.dma_semaphore, #tpu.memory_space<semaphore_mem>>) src(%dma_wait3A_136 : memref<100000x16xf32, #tpu.memory_space<hbm>>) dst(%dma_wait3A_130 : memref<128x16xf32, #tpu.memory_space<vmem>>)
      %dma_wait3A_137 = arith.constant 2 : i32
      %dma_wait3A_138 = arith.constant 2 : i32
      %dma_wait3A_139 = arith.constant 0 : i32
      %dma_wait3A_140 = arith.constant 0 : i32
      %dma_wait3A_141 = tpu.memref_slice %arg10[%dma_wait3A_138, %dma_wait3A_139, %dma_wait3A_140] : memref<8x128x16xf32, #tpu.memory_space<vmem>> -> memref<1x128x16xf32, #tpu.memory_space<vmem>>
      %dma_wait3A_142 = tpu.memref_squeeze %dma_wait3A_141 : memref<1x128x16xf32, #tpu.memory_space<vmem>> -> memref<128x16xf32, #tpu.memory_space<vmem>>
      %dma_wait3A_143 = arith.constant 0 : i32
      %dma_wait3A_144 = tpu.memref_slice %arg8[%dma_wait3A_137, %dma_wait3A_143] : memref<8x128xi32, #tpu.memory_space<vmem>> -> memref<1x128xi32, #tpu.memory_space<vmem>>
      %dma_wait3A_145 = tpu.memref_squeeze %dma_wait3A_144 : memref<1x128xi32, #tpu.memory_space<vmem>> -> memref<128xi32, #tpu.memory_space<vmem>>
      %dma_wait3A_146 = arith.constant 0 : i32
      %dma_wait3A_147 = arith.constant 0 : i32
      %dma_wait3A_148 = tpu.memref_slice %arg2[%dma_wait3A_146, %dma_wait3A_147] : memref<100000x16xf32, #tpu.memory_space<hbm>> -> memref<100000x16xf32, #tpu.memory_space<hbm>>
      tpu.wait_indirect_dma semaphore(%arg11 : memref<!tpu.dma_semaphore, #tpu.memory_space<semaphore_mem>>) src(%dma_wait3A_148 : memref<100000x16xf32, #tpu.memory_space<hbm>>) dst(%dma_wait3A_142 : memref<128x16xf32, #tpu.memory_space<vmem>>)
      %dma_wait3A_149 = arith.constant 3 : i32
      %dma_wait3A_150 = arith.constant 3 : i32
      %dma_wait3A_151 = arith.constant 0 : i32
      %dma_wait3A_152 = arith.constant 0 : i32
      %dma_wait3A_153 = tpu.memref_slice %arg10[%dma_wait3A_150, %dma_wait3A_151, %dma_wait3A_152] : memref<8x128x16xf32, #tpu.memory_space<vmem>> -> memref<1x128x16xf32, #tpu.memory_space<vmem>>
      %dma_wait3A_154 = tpu.memref_squeeze %dma_wait3A_153 : memref<1x128x16xf32, #tpu.memory_space<vmem>> -> memref<128x16xf32, #tpu.memory_space<vmem>>
      %dma_wait3A_155 = arith.constant 0 : i32
      %dma_wait3A_156 = tpu.memref_slice %arg8[%dma_wait3A_149, %dma_wait3A_155] : memref<8x128xi32, #tpu.memory_space<vmem>> -> memref<1x128xi32, #tpu.memory_space<vmem>>
      %dma_wait3A_157 = tpu.memref_squeeze %dma_wait3A_156 : memref<1x128xi32, #tpu.memory_space<vmem>> -> memref<128xi32, #tpu.memory_space<vmem>>
      %dma_wait3A_158 = arith.constant 0 : i32
      %dma_wait3A_159 = arith.constant 0 : i32
      %dma_wait3A_160 = tpu.memref_slice %arg2[%dma_wait3A_158, %dma_wait3A_159] : memref<100000x16xf32, #tpu.memory_space<hbm>> -> memref<100000x16xf32, #tpu.memory_space<hbm>>
      tpu.wait_indirect_dma semaphore(%arg11 : memref<!tpu.dma_semaphore, #tpu.memory_space<semaphore_mem>>) src(%dma_wait3A_160 : memref<100000x16xf32, #tpu.memory_space<hbm>>) dst(%dma_wait3A_154 : memref<128x16xf32, #tpu.memory_space<vmem>>)
      %dma_wait3A_161 = arith.constant 4 : i32
      %dma_wait3A_162 = arith.constant 4 : i32
      %dma_wait3A_163 = arith.constant 0 : i32
      %dma_wait3A_164 = arith.constant 0 : i32
      %dma_wait3A_165 = tpu.memref_slice %arg10[%dma_wait3A_162, %dma_wait3A_163, %dma_wait3A_164] : memref<8x128x16xf32, #tpu.memory_space<vmem>> -> memref<1x128x16xf32, #tpu.memory_space<vmem>>
      %dma_wait3A_166 = tpu.memref_squeeze %dma_wait3A_165 : memref<1x128x16xf32, #tpu.memory_space<vmem>> -> memref<128x16xf32, #tpu.memory_space<vmem>>
      %dma_wait3A_167 = arith.constant 0 : i32
      %dma_wait3A_168 = tpu.memref_slice %arg8[%dma_wait3A_161, %dma_wait3A_167] : memref<8x128xi32, #tpu.memory_space<vmem>> -> memref<1x128xi32, #tpu.memory_space<vmem>>
      %dma_wait3A_169 = tpu.memref_squeeze %dma_wait3A_168 : memref<1x128xi32, #tpu.memory_space<vmem>> -> memref<128xi32, #tpu.memory_space<vmem>>
      %dma_wait3A_170 = arith.constant 0 : i32
      %dma_wait3A_171 = arith.constant 0 : i32
      %dma_wait3A_172 = tpu.memref_slice %arg2[%dma_wait3A_170, %dma_wait3A_171] : memref<100000x16xf32, #tpu.memory_space<hbm>> -> memref<100000x16xf32, #tpu.memory_space<hbm>>
      tpu.wait_indirect_dma semaphore(%arg11 : memref<!tpu.dma_semaphore, #tpu.memory_space<semaphore_mem>>) src(%dma_wait3A_172 : memref<100000x16xf32, #tpu.memory_space<hbm>>) dst(%dma_wait3A_166 : memref<128x16xf32, #tpu.memory_space<vmem>>)
      %dma_wait3A_173 = arith.constant 5 : i32
      %dma_wait3A_174 = arith.constant 5 : i32
      %dma_wait3A_175 = arith.constant 0 : i32
      %dma_wait3A_176 = arith.constant 0 : i32
      %dma_wait3A_177 = tpu.memref_slice %arg10[%dma_wait3A_174, %dma_wait3A_175, %dma_wait3A_176] : memref<8x128x16xf32, #tpu.memory_space<vmem>> -> memref<1x128x16xf32, #tpu.memory_space<vmem>>
      %dma_wait3A_178 = tpu.memref_squeeze %dma_wait3A_177 : memref<1x128x16xf32, #tpu.memory_space<vmem>> -> memref<128x16xf32, #tpu.memory_space<vmem>>
      %dma_wait3A_179 = arith.constant 0 : i32
      %dma_wait3A_180 = tpu.memref_slice %arg8[%dma_wait3A_173, %dma_wait3A_179] : memref<8x128xi32, #tpu.memory_space<vmem>> -> memref<1x128xi32, #tpu.memory_space<vmem>>
      %dma_wait3A_181 = tpu.memref_squeeze %dma_wait3A_180 : memref<1x128xi32, #tpu.memory_space<vmem>> -> memref<128xi32, #tpu.memory_space<vmem>>
      %dma_wait3A_182 = arith.constant 0 : i32
      %dma_wait3A_183 = arith.constant 0 : i32
      %dma_wait3A_184 = tpu.memref_slice %arg2[%dma_wait3A_182, %dma_wait3A_183] : memref<100000x16xf32, #tpu.memory_space<hbm>> -> memref<100000x16xf32, #tpu.memory_space<hbm>>
      tpu.wait_indirect_dma semaphore(%arg11 : memref<!tpu.dma_semaphore, #tpu.memory_space<semaphore_mem>>) src(%dma_wait3A_184 : memref<100000x16xf32, #tpu.memory_space<hbm>>) dst(%dma_wait3A_178 : memref<128x16xf32, #tpu.memory_space<vmem>>)
      %dma_wait3A_185 = arith.constant 6 : i32
      %dma_wait3A_186 = arith.constant 6 : i32
      %dma_wait3A_187 = arith.constant 0 : i32
      %dma_wait3A_188 = arith.constant 0 : i32
      %dma_wait3A_189 = tpu.memref_slice %arg10[%dma_wait3A_186, %dma_wait3A_187, %dma_wait3A_188] : memref<8x128x16xf32, #tpu.memory_space<vmem>> -> memref<1x128x16xf32, #tpu.memory_space<vmem>>
      %dma_wait3A_190 = tpu.memref_squeeze %dma_wait3A_189 : memref<1x128x16xf32, #tpu.memory_space<vmem>> -> memref<128x16xf32, #tpu.memory_space<vmem>>
      %dma_wait3A_191 = arith.constant 0 : i32
      %dma_wait3A_192 = tpu.memref_slice %arg8[%dma_wait3A_185, %dma_wait3A_191] : memref<8x128xi32, #tpu.memory_space<vmem>> -> memref<1x128xi32, #tpu.memory_space<vmem>>
      %dma_wait3A_193 = tpu.memref_squeeze %dma_wait3A_192 : memref<1x128xi32, #tpu.memory_space<vmem>> -> memref<128xi32, #tpu.memory_space<vmem>>
      %dma_wait3A_194 = arith.constant 0 : i32
      %dma_wait3A_195 = arith.constant 0 : i32
      %dma_wait3A_196 = tpu.memref_slice %arg2[%dma_wait3A_194, %dma_wait3A_195] : memref<100000x16xf32, #tpu.memory_space<hbm>> -> memref<100000x16xf32, #tpu.memory_space<hbm>>
      tpu.wait_indirect_dma semaphore(%arg11 : memref<!tpu.dma_semaphore, #tpu.memory_space<semaphore_mem>>) src(%dma_wait3A_196 : memref<100000x16xf32, #tpu.memory_space<hbm>>) dst(%dma_wait3A_190 : memref<128x16xf32, #tpu.memory_space<vmem>>)
      %dma_wait3A_197 = arith.constant 7 : i32
      %dma_wait3A_198 = arith.constant 7 : i32
      %dma_wait3A_199 = arith.constant 0 : i32
      %dma_wait3A_200 = arith.constant 0 : i32
      %dma_wait3A_201 = tpu.memref_slice %arg10[%dma_wait3A_198, %dma_wait3A_199, %dma_wait3A_200] : memref<8x128x16xf32, #tpu.memory_space<vmem>> -> memref<1x128x16xf32, #tpu.memory_space<vmem>>
      %dma_wait3A_202 = tpu.memref_squeeze %dma_wait3A_201 : memref<1x128x16xf32, #tpu.memory_space<vmem>> -> memref<128x16xf32, #tpu.memory_space<vmem>>
      %dma_wait3A_203 = arith.constant 0 : i32
      %dma_wait3A_204 = tpu.memref_slice %arg8[%dma_wait3A_197, %dma_wait3A_203] : memref<8x128xi32, #tpu.memory_space<vmem>> -> memref<1x128xi32, #tpu.memory_space<vmem>>
      %dma_wait3A_205 = tpu.memref_squeeze %dma_wait3A_204 : memref<1x128xi32, #tpu.memory_space<vmem>> -> memref<128xi32, #tpu.memory_space<vmem>>
      %dma_wait3A_206 = arith.constant 0 : i32
      %dma_wait3A_207 = arith.constant 0 : i32
      %dma_wait3A_208 = tpu.memref_slice %arg2[%dma_wait3A_206, %dma_wait3A_207] : memref<100000x16xf32, #tpu.memory_space<hbm>> -> memref<100000x16xf32, #tpu.memory_space<hbm>>
      tpu.wait_indirect_dma semaphore(%arg11 : memref<!tpu.dma_semaphore, #tpu.memory_space<semaphore_mem>>) src(%dma_wait3A_208 : memref<100000x16xf32, #tpu.memory_space<hbm>>) dst(%dma_wait3A_202 : memref<128x16xf32, #tpu.memory_space<vmem>>)
      %dma_start3A_209 = arith.constant 0 : i32
      %dma_start3A_210 = arith.constant 0 : i32
      %dma_start3A_211 = arith.constant 0 : i32
      %dma_start3A_212 = arith.constant 0 : i32
      %dma_start3A_213 = tpu.memref_slice %arg10[%dma_start3A_209, %dma_start3A_211, %dma_start3A_212] : memref<8x128x16xf32, #tpu.memory_space<vmem>> -> memref<1x128x16xf32, #tpu.memory_space<vmem>>
      %dma_start3A_214 = tpu.memref_squeeze %dma_start3A_213 : memref<1x128x16xf32, #tpu.memory_space<vmem>> -> memref<128x16xf32, #tpu.memory_space<vmem>>
      %dma_start3A_215 = arith.constant 0 : i32
      %dma_start3A_216 = tpu.memref_slice %arg9[%dma_start3A_210, %dma_start3A_215] : memref<8x128xi32, #tpu.memory_space<vmem>> -> memref<1x128xi32, #tpu.memory_space<vmem>>
      %dma_start3A_217 = tpu.memref_squeeze %dma_start3A_216 : memref<1x128xi32, #tpu.memory_space<vmem>> -> memref<128xi32, #tpu.memory_space<vmem>>
      %dma_start3A_218 = arith.constant 0 : i32
      %dma_start3A_219 = arith.constant 0 : i32
      %dma_start3A_220 = tpu.memref_slice %arg7[%dma_start3A_218, %dma_start3A_219] : memref<100096x16xf32, #tpu.memory_space<vmem_shared>> -> memref<100096x16xf32, #tpu.memory_space<vmem_shared>>
      tpu.enqueue_indirect_dma source(%dma_start3A_214 : memref<128x16xf32, #tpu.memory_space<vmem>>) target(%dma_start3A_220 : memref<100096x16xf32, #tpu.memory_space<vmem_shared>>) offsets(%dma_start3A_217 : memref<128xi32, #tpu.memory_space<vmem>>) semaphore(%arg12 : memref<!tpu.dma_semaphore, #tpu.memory_space<semaphore_mem>>) {add = true}
      %dma_start3A_221 = arith.constant 1 : i32
      %dma_start3A_222 = arith.constant 1 : i32
      %dma_start3A_223 = arith.constant 0 : i32
      %dma_start3A_224 = arith.constant 0 : i32
      %dma_start3A_225 = tpu.memref_slice %arg10[%dma_start3A_221, %dma_start3A_223, %dma_start3A_224] : memref<8x128x16xf32, #tpu.memory_space<vmem>> -> memref<1x128x16xf32, #tpu.memory_space<vmem>>
      %dma_start3A_226 = tpu.memref_squeeze %dma_start3A_225 : memref<1x128x16xf32, #tpu.memory_space<vmem>> -> memref<128x16xf32, #tpu.memory_space<vmem>>
      %dma_start3A_227 = arith.constant 0 : i32
      %dma_start3A_228 = tpu.memref_slice %arg9[%dma_start3A_222, %dma_start3A_227] : memref<8x128xi32, #tpu.memory_space<vmem>> -> memref<1x128xi32, #tpu.memory_space<vmem>>
      %dma_start3A_229 = tpu.memref_squeeze %dma_start3A_228 : memref<1x128xi32, #tpu.memory_space<vmem>> -> memref<128xi32, #tpu.memory_space<vmem>>
      %dma_start3A_230 = arith.constant 0 : i32
      %dma_start3A_231 = arith.constant 0 : i32
      %dma_start3A_232 = tpu.memref_slice %arg7[%dma_start3A_230, %dma_start3A_231] : memref<100096x16xf32, #tpu.memory_space<vmem_shared>> -> memref<100096x16xf32, #tpu.memory_space<vmem_shared>>
      tpu.enqueue_indirect_dma source(%dma_start3A_226 : memref<128x16xf32, #tpu.memory_space<vmem>>) target(%dma_start3A_232 : memref<100096x16xf32, #tpu.memory_space<vmem_shared>>) offsets(%dma_start3A_229 : memref<128xi32, #tpu.memory_space<vmem>>) semaphore(%arg12 : memref<!tpu.dma_semaphore, #tpu.memory_space<semaphore_mem>>) {add = true}
      %dma_start3A_233 = arith.constant 2 : i32
      %dma_start3A_234 = arith.constant 2 : i32
      %dma_start3A_235 = arith.constant 0 : i32
      %dma_start3A_236 = arith.constant 0 : i32
      %dma_start3A_237 = tpu.memref_slice %arg10[%dma_start3A_233, %dma_start3A_235, %dma_start3A_236] : memref<8x128x16xf32, #tpu.memory_space<vmem>> -> memref<1x128x16xf32, #tpu.memory_space<vmem>>
      %dma_start3A_238 = tpu.memref_squeeze %dma_start3A_237 : memref<1x128x16xf32, #tpu.memory_space<vmem>> -> memref<128x16xf32, #tpu.memory_space<vmem>>
      %dma_start3A_239 = arith.constant 0 : i32
      %dma_start3A_240 = tpu.memref_slice %arg9[%dma_start3A_234, %dma_start3A_239] : memref<8x128xi32, #tpu.memory_space<vmem>> -> memref<1x128xi32, #tpu.memory_space<vmem>>
      %dma_start3A_241 = tpu.memref_squeeze %dma_start3A_240 : memref<1x128xi32, #tpu.memory_space<vmem>> -> memref<128xi32, #tpu.memory_space<vmem>>
      %dma_start3A_242 = arith.constant 0 : i32
      %dma_start3A_243 = arith.constant 0 : i32
      %dma_start3A_244 = tpu.memref_slice %arg7[%dma_start3A_242, %dma_start3A_243] : memref<100096x16xf32, #tpu.memory_space<vmem_shared>> -> memref<100096x16xf32, #tpu.memory_space<vmem_shared>>
      tpu.enqueue_indirect_dma source(%dma_start3A_238 : memref<128x16xf32, #tpu.memory_space<vmem>>) target(%dma_start3A_244 : memref<100096x16xf32, #tpu.memory_space<vmem_shared>>) offsets(%dma_start3A_241 : memref<128xi32, #tpu.memory_space<vmem>>) semaphore(%arg12 : memref<!tpu.dma_semaphore, #tpu.memory_space<semaphore_mem>>) {add = true}
      %dma_start3A_245 = arith.constant 3 : i32
      %dma_start3A_246 = arith.constant 3 : i32
      %dma_start3A_247 = arith.constant 0 : i32
      %dma_start3A_248 = arith.constant 0 : i32
      %dma_start3A_249 = tpu.memref_slice %arg10[%dma_start3A_245, %dma_start3A_247, %dma_start3A_248] : memref<8x128x16xf32, #tpu.memory_space<vmem>> -> memref<1x128x16xf32, #tpu.memory_space<vmem>>
      %dma_start3A_250 = tpu.memref_squeeze %dma_start3A_249 : memref<1x128x16xf32, #tpu.memory_space<vmem>> -> memref<128x16xf32, #tpu.memory_space<vmem>>
      %dma_start3A_251 = arith.constant 0 : i32
      %dma_start3A_252 = tpu.memref_slice %arg9[%dma_start3A_246, %dma_start3A_251] : memref<8x128xi32, #tpu.memory_space<vmem>> -> memref<1x128xi32, #tpu.memory_space<vmem>>
      %dma_start3A_253 = tpu.memref_squeeze %dma_start3A_252 : memref<1x128xi32, #tpu.memory_space<vmem>> -> memref<128xi32, #tpu.memory_space<vmem>>
      %dma_start3A_254 = arith.constant 0 : i32
      %dma_start3A_255 = arith.constant 0 : i32
      %dma_start3A_256 = tpu.memref_slice %arg7[%dma_start3A_254, %dma_start3A_255] : memref<100096x16xf32, #tpu.memory_space<vmem_shared>> -> memref<100096x16xf32, #tpu.memory_space<vmem_shared>>
      tpu.enqueue_indirect_dma source(%dma_start3A_250 : memref<128x16xf32, #tpu.memory_space<vmem>>) target(%dma_start3A_256 : memref<100096x16xf32, #tpu.memory_space<vmem_shared>>) offsets(%dma_start3A_253 : memref<128xi32, #tpu.memory_space<vmem>>) semaphore(%arg12 : memref<!tpu.dma_semaphore, #tpu.memory_space<semaphore_mem>>) {add = true}
      %dma_start3A_257 = arith.constant 4 : i32
      %dma_start3A_258 = arith.constant 4 : i32
      %dma_start3A_259 = arith.constant 0 : i32
      %dma_start3A_260 = arith.constant 0 : i32
      %dma_start3A_261 = tpu.memref_slice %arg10[%dma_start3A_257, %dma_start3A_259, %dma_start3A_260] : memref<8x128x16xf32, #tpu.memory_space<vmem>> -> memref<1x128x16xf32, #tpu.memory_space<vmem>>
      %dma_start3A_262 = tpu.memref_squeeze %dma_start3A_261 : memref<1x128x16xf32, #tpu.memory_space<vmem>> -> memref<128x16xf32, #tpu.memory_space<vmem>>
      %dma_start3A_263 = arith.constant 0 : i32
      %dma_start3A_264 = tpu.memref_slice %arg9[%dma_start3A_258, %dma_start3A_263] : memref<8x128xi32, #tpu.memory_space<vmem>> -> memref<1x128xi32, #tpu.memory_space<vmem>>
      %dma_start3A_265 = tpu.memref_squeeze %dma_start3A_264 : memref<1x128xi32, #tpu.memory_space<vmem>> -> memref<128xi32, #tpu.memory_space<vmem>>
      %dma_start3A_266 = arith.constant 0 : i32
      %dma_start3A_267 = arith.constant 0 : i32
      %dma_start3A_268 = tpu.memref_slice %arg7[%dma_start3A_266, %dma_start3A_267] : memref<100096x16xf32, #tpu.memory_space<vmem_shared>> -> memref<100096x16xf32, #tpu.memory_space<vmem_shared>>
      tpu.enqueue_indirect_dma source(%dma_start3A_262 : memref<128x16xf32, #tpu.memory_space<vmem>>) target(%dma_start3A_268 : memref<100096x16xf32, #tpu.memory_space<vmem_shared>>) offsets(%dma_start3A_265 : memref<128xi32, #tpu.memory_space<vmem>>) semaphore(%arg12 : memref<!tpu.dma_semaphore, #tpu.memory_space<semaphore_mem>>) {add = true}
      %dma_start3A_269 = arith.constant 5 : i32
      %dma_start3A_270 = arith.constant 5 : i32
      %dma_start3A_271 = arith.constant 0 : i32
      %dma_start3A_272 = arith.constant 0 : i32
      %dma_start3A_273 = tpu.memref_slice %arg10[%dma_start3A_269, %dma_start3A_271, %dma_start3A_272] : memref<8x128x16xf32, #tpu.memory_space<vmem>> -> memref<1x128x16xf32, #tpu.memory_space<vmem>>
      %dma_start3A_274 = tpu.memref_squeeze %dma_start3A_273 : memref<1x128x16xf32, #tpu.memory_space<vmem>> -> memref<128x16xf32, #tpu.memory_space<vmem>>
      %dma_start3A_275 = arith.constant 0 : i32
      %dma_start3A_276 = tpu.memref_slice %arg9[%dma_start3A_270, %dma_start3A_275] : memref<8x128xi32, #tpu.memory_space<vmem>> -> memref<1x128xi32, #tpu.memory_space<vmem>>
      %dma_start3A_277 = tpu.memref_squeeze %dma_start3A_276 : memref<1x128xi32, #tpu.memory_space<vmem>> -> memref<128xi32, #tpu.memory_space<vmem>>
      %dma_start3A_278 = arith.constant 0 : i32
      %dma_start3A_279 = arith.constant 0 : i32
      %dma_start3A_280 = tpu.memref_slice %arg7[%dma_start3A_278, %dma_start3A_279] : memref<100096x16xf32, #tpu.memory_space<vmem_shared>> -> memref<100096x16xf32, #tpu.memory_space<vmem_shared>>
      tpu.enqueue_indirect_dma source(%dma_start3A_274 : memref<128x16xf32, #tpu.memory_space<vmem>>) target(%dma_start3A_280 : memref<100096x16xf32, #tpu.memory_space<vmem_shared>>) offsets(%dma_start3A_277 : memref<128xi32, #tpu.memory_space<vmem>>) semaphore(%arg12 : memref<!tpu.dma_semaphore, #tpu.memory_space<semaphore_mem>>) {add = true}
      %dma_start3A_281 = arith.constant 6 : i32
      %dma_start3A_282 = arith.constant 6 : i32
      %dma_start3A_283 = arith.constant 0 : i32
      %dma_start3A_284 = arith.constant 0 : i32
      %dma_start3A_285 = tpu.memref_slice %arg10[%dma_start3A_281, %dma_start3A_283, %dma_start3A_284] : memref<8x128x16xf32, #tpu.memory_space<vmem>> -> memref<1x128x16xf32, #tpu.memory_space<vmem>>
      %dma_start3A_286 = tpu.memref_squeeze %dma_start3A_285 : memref<1x128x16xf32, #tpu.memory_space<vmem>> -> memref<128x16xf32, #tpu.memory_space<vmem>>
      %dma_start3A_287 = arith.constant 0 : i32
      %dma_start3A_288 = tpu.memref_slice %arg9[%dma_start3A_282, %dma_start3A_287] : memref<8x128xi32, #tpu.memory_space<vmem>> -> memref<1x128xi32, #tpu.memory_space<vmem>>
      %dma_start3A_289 = tpu.memref_squeeze %dma_start3A_288 : memref<1x128xi32, #tpu.memory_space<vmem>> -> memref<128xi32, #tpu.memory_space<vmem>>
      %dma_start3A_290 = arith.constant 0 : i32
      %dma_start3A_291 = arith.constant 0 : i32
      %dma_start3A_292 = tpu.memref_slice %arg7[%dma_start3A_290, %dma_start3A_291] : memref<100096x16xf32, #tpu.memory_space<vmem_shared>> -> memref<100096x16xf32, #tpu.memory_space<vmem_shared>>
      tpu.enqueue_indirect_dma source(%dma_start3A_286 : memref<128x16xf32, #tpu.memory_space<vmem>>) target(%dma_start3A_292 : memref<100096x16xf32, #tpu.memory_space<vmem_shared>>) offsets(%dma_start3A_289 : memref<128xi32, #tpu.memory_space<vmem>>) semaphore(%arg12 : memref<!tpu.dma_semaphore, #tpu.memory_space<semaphore_mem>>) {add = true}
      %dma_start3A_293 = arith.constant 7 : i32
      %dma_start3A_294 = arith.constant 7 : i32
      %dma_start3A_295 = arith.constant 0 : i32
      %dma_start3A_296 = arith.constant 0 : i32
      %dma_start3A_297 = tpu.memref_slice %arg10[%dma_start3A_293, %dma_start3A_295, %dma_start3A_296] : memref<8x128x16xf32, #tpu.memory_space<vmem>> -> memref<1x128x16xf32, #tpu.memory_space<vmem>>
      %dma_start3A_298 = tpu.memref_squeeze %dma_start3A_297 : memref<1x128x16xf32, #tpu.memory_space<vmem>> -> memref<128x16xf32, #tpu.memory_space<vmem>>
      %dma_start3A_299 = arith.constant 0 : i32
      %dma_start3A_300 = tpu.memref_slice %arg9[%dma_start3A_294, %dma_start3A_299] : memref<8x128xi32, #tpu.memory_space<vmem>> -> memref<1x128xi32, #tpu.memory_space<vmem>>
      %dma_start3A_301 = tpu.memref_squeeze %dma_start3A_300 : memref<1x128xi32, #tpu.memory_space<vmem>> -> memref<128xi32, #tpu.memory_space<vmem>>
      %dma_start3A_302 = arith.constant 0 : i32
      %dma_start3A_303 = arith.constant 0 : i32
      %dma_start3A_304 = tpu.memref_slice %arg7[%dma_start3A_302, %dma_start3A_303] : memref<100096x16xf32, #tpu.memory_space<vmem_shared>> -> memref<100096x16xf32, #tpu.memory_space<vmem_shared>>
      tpu.enqueue_indirect_dma source(%dma_start3A_298 : memref<128x16xf32, #tpu.memory_space<vmem>>) target(%dma_start3A_304 : memref<100096x16xf32, #tpu.memory_space<vmem_shared>>) offsets(%dma_start3A_301 : memref<128xi32, #tpu.memory_space<vmem>>) semaphore(%arg12 : memref<!tpu.dma_semaphore, #tpu.memory_space<semaphore_mem>>) {add = true}
      %dma_wait3A_305 = arith.constant 0 : i32
      %dma_wait3A_306 = arith.constant 0 : i32
      %dma_wait3A_307 = arith.constant 0 : i32
      %dma_wait3A_308 = arith.constant 0 : i32
      %dma_wait3A_309 = tpu.memref_slice %arg10[%dma_wait3A_305, %dma_wait3A_307, %dma_wait3A_308] : memref<8x128x16xf32, #tpu.memory_space<vmem>> -> memref<1x128x16xf32, #tpu.memory_space<vmem>>
      %dma_wait3A_310 = tpu.memref_squeeze %dma_wait3A_309 : memref<1x128x16xf32, #tpu.memory_space<vmem>> -> memref<128x16xf32, #tpu.memory_space<vmem>>
      %dma_wait3A_311 = arith.constant 0 : i32
      %dma_wait3A_312 = tpu.memref_slice %arg9[%dma_wait3A_306, %dma_wait3A_311] : memref<8x128xi32, #tpu.memory_space<vmem>> -> memref<1x128xi32, #tpu.memory_space<vmem>>
      %dma_wait3A_313 = tpu.memref_squeeze %dma_wait3A_312 : memref<1x128xi32, #tpu.memory_space<vmem>> -> memref<128xi32, #tpu.memory_space<vmem>>
      %dma_wait3A_314 = arith.constant 0 : i32
      %dma_wait3A_315 = arith.constant 0 : i32
      %dma_wait3A_316 = tpu.memref_slice %arg7[%dma_wait3A_314, %dma_wait3A_315] : memref<100096x16xf32, #tpu.memory_space<vmem_shared>> -> memref<100096x16xf32, #tpu.memory_space<vmem_shared>>
      tpu.wait_indirect_dma semaphore(%arg12 : memref<!tpu.dma_semaphore, #tpu.memory_space<semaphore_mem>>) src(%dma_wait3A_310 : memref<128x16xf32, #tpu.memory_space<vmem>>) dst(%dma_wait3A_316 : memref<100096x16xf32, #tpu.memory_space<vmem_shared>>)
      %dma_wait3A_317 = arith.constant 1 : i32
      %dma_wait3A_318 = arith.constant 1 : i32
      %dma_wait3A_319 = arith.constant 0 : i32
      %dma_wait3A_320 = arith.constant 0 : i32
      %dma_wait3A_321 = tpu.memref_slice %arg10[%dma_wait3A_317, %dma_wait3A_319, %dma_wait3A_320] : memref<8x128x16xf32, #tpu.memory_space<vmem>> -> memref<1x128x16xf32, #tpu.memory_space<vmem>>
      %dma_wait3A_322 = tpu.memref_squeeze %dma_wait3A_321 : memref<1x128x16xf32, #tpu.memory_space<vmem>> -> memref<128x16xf32, #tpu.memory_space<vmem>>
      %dma_wait3A_323 = arith.constant 0 : i32
      %dma_wait3A_324 = tpu.memref_slice %arg9[%dma_wait3A_318, %dma_wait3A_323] : memref<8x128xi32, #tpu.memory_space<vmem>> -> memref<1x128xi32, #tpu.memory_space<vmem>>
      %dma_wait3A_325 = tpu.memref_squeeze %dma_wait3A_324 : memref<1x128xi32, #tpu.memory_space<vmem>> -> memref<128xi32, #tpu.memory_space<vmem>>
      %dma_wait3A_326 = arith.constant 0 : i32
      %dma_wait3A_327 = arith.constant 0 : i32
      %dma_wait3A_328 = tpu.memref_slice %arg7[%dma_wait3A_326, %dma_wait3A_327] : memref<100096x16xf32, #tpu.memory_space<vmem_shared>> -> memref<100096x16xf32, #tpu.memory_space<vmem_shared>>
      tpu.wait_indirect_dma semaphore(%arg12 : memref<!tpu.dma_semaphore, #tpu.memory_space<semaphore_mem>>) src(%dma_wait3A_322 : memref<128x16xf32, #tpu.memory_space<vmem>>) dst(%dma_wait3A_328 : memref<100096x16xf32, #tpu.memory_space<vmem_shared>>)
      %dma_wait3A_329 = arith.constant 2 : i32
      %dma_wait3A_330 = arith.constant 2 : i32
      %dma_wait3A_331 = arith.constant 0 : i32
      %dma_wait3A_332 = arith.constant 0 : i32
      %dma_wait3A_333 = tpu.memref_slice %arg10[%dma_wait3A_329, %dma_wait3A_331, %dma_wait3A_332] : memref<8x128x16xf32, #tpu.memory_space<vmem>> -> memref<1x128x16xf32, #tpu.memory_space<vmem>>
      %dma_wait3A_334 = tpu.memref_squeeze %dma_wait3A_333 : memref<1x128x16xf32, #tpu.memory_space<vmem>> -> memref<128x16xf32, #tpu.memory_space<vmem>>
      %dma_wait3A_335 = arith.constant 0 : i32
      %dma_wait3A_336 = tpu.memref_slice %arg9[%dma_wait3A_330, %dma_wait3A_335] : memref<8x128xi32, #tpu.memory_space<vmem>> -> memref<1x128xi32, #tpu.memory_space<vmem>>
      %dma_wait3A_337 = tpu.memref_squeeze %dma_wait3A_336 : memref<1x128xi32, #tpu.memory_space<vmem>> -> memref<128xi32, #tpu.memory_space<vmem>>
      %dma_wait3A_338 = arith.constant 0 : i32
      %dma_wait3A_339 = arith.constant 0 : i32
      %dma_wait3A_340 = tpu.memref_slice %arg7[%dma_wait3A_338, %dma_wait3A_339] : memref<100096x16xf32, #tpu.memory_space<vmem_shared>> -> memref<100096x16xf32, #tpu.memory_space<vmem_shared>>
      tpu.wait_indirect_dma semaphore(%arg12 : memref<!tpu.dma_semaphore, #tpu.memory_space<semaphore_mem>>) src(%dma_wait3A_334 : memref<128x16xf32, #tpu.memory_space<vmem>>) dst(%dma_wait3A_340 : memref<100096x16xf32, #tpu.memory_space<vmem_shared>>)
      %dma_wait3A_341 = arith.constant 3 : i32
      %dma_wait3A_342 = arith.constant 3 : i32
      %dma_wait3A_343 = arith.constant 0 : i32
      %dma_wait3A_344 = arith.constant 0 : i32
      %dma_wait3A_345 = tpu.memref_slice %arg10[%dma_wait3A_341, %dma_wait3A_343, %dma_wait3A_344] : memref<8x128x16xf32, #tpu.memory_space<vmem>> -> memref<1x128x16xf32, #tpu.memory_space<vmem>>
      %dma_wait3A_346 = tpu.memref_squeeze %dma_wait3A_345 : memref<1x128x16xf32, #tpu.memory_space<vmem>> -> memref<128x16xf32, #tpu.memory_space<vmem>>
      %dma_wait3A_347 = arith.constant 0 : i32
      %dma_wait3A_348 = tpu.memref_slice %arg9[%dma_wait3A_342, %dma_wait3A_347] : memref<8x128xi32, #tpu.memory_space<vmem>> -> memref<1x128xi32, #tpu.memory_space<vmem>>
      %dma_wait3A_349 = tpu.memref_squeeze %dma_wait3A_348 : memref<1x128xi32, #tpu.memory_space<vmem>> -> memref<128xi32, #tpu.memory_space<vmem>>
      %dma_wait3A_350 = arith.constant 0 : i32
      %dma_wait3A_351 = arith.constant 0 : i32
      %dma_wait3A_352 = tpu.memref_slice %arg7[%dma_wait3A_350, %dma_wait3A_351] : memref<100096x16xf32, #tpu.memory_space<vmem_shared>> -> memref<100096x16xf32, #tpu.memory_space<vmem_shared>>
      tpu.wait_indirect_dma semaphore(%arg12 : memref<!tpu.dma_semaphore, #tpu.memory_space<semaphore_mem>>) src(%dma_wait3A_346 : memref<128x16xf32, #tpu.memory_space<vmem>>) dst(%dma_wait3A_352 : memref<100096x16xf32, #tpu.memory_space<vmem_shared>>)
      %dma_wait3A_353 = arith.constant 4 : i32
      %dma_wait3A_354 = arith.constant 4 : i32
      %dma_wait3A_355 = arith.constant 0 : i32
      %dma_wait3A_356 = arith.constant 0 : i32
      %dma_wait3A_357 = tpu.memref_slice %arg10[%dma_wait3A_353, %dma_wait3A_355, %dma_wait3A_356] : memref<8x128x16xf32, #tpu.memory_space<vmem>> -> memref<1x128x16xf32, #tpu.memory_space<vmem>>
      %dma_wait3A_358 = tpu.memref_squeeze %dma_wait3A_357 : memref<1x128x16xf32, #tpu.memory_space<vmem>> -> memref<128x16xf32, #tpu.memory_space<vmem>>
      %dma_wait3A_359 = arith.constant 0 : i32
      %dma_wait3A_360 = tpu.memref_slice %arg9[%dma_wait3A_354, %dma_wait3A_359] : memref<8x128xi32, #tpu.memory_space<vmem>> -> memref<1x128xi32, #tpu.memory_space<vmem>>
      %dma_wait3A_361 = tpu.memref_squeeze %dma_wait3A_360 : memref<1x128xi32, #tpu.memory_space<vmem>> -> memref<128xi32, #tpu.memory_space<vmem>>
      %dma_wait3A_362 = arith.constant 0 : i32
      %dma_wait3A_363 = arith.constant 0 : i32
      %dma_wait3A_364 = tpu.memref_slice %arg7[%dma_wait3A_362, %dma_wait3A_363] : memref<100096x16xf32, #tpu.memory_space<vmem_shared>> -> memref<100096x16xf32, #tpu.memory_space<vmem_shared>>
      tpu.wait_indirect_dma semaphore(%arg12 : memref<!tpu.dma_semaphore, #tpu.memory_space<semaphore_mem>>) src(%dma_wait3A_358 : memref<128x16xf32, #tpu.memory_space<vmem>>) dst(%dma_wait3A_364 : memref<100096x16xf32, #tpu.memory_space<vmem_shared>>)
      %dma_wait3A_365 = arith.constant 5 : i32
      %dma_wait3A_366 = arith.constant 5 : i32
      %dma_wait3A_367 = arith.constant 0 : i32
      %dma_wait3A_368 = arith.constant 0 : i32
      %dma_wait3A_369 = tpu.memref_slice %arg10[%dma_wait3A_365, %dma_wait3A_367, %dma_wait3A_368] : memref<8x128x16xf32, #tpu.memory_space<vmem>> -> memref<1x128x16xf32, #tpu.memory_space<vmem>>
      %dma_wait3A_370 = tpu.memref_squeeze %dma_wait3A_369 : memref<1x128x16xf32, #tpu.memory_space<vmem>> -> memref<128x16xf32, #tpu.memory_space<vmem>>
      %dma_wait3A_371 = arith.constant 0 : i32
      %dma_wait3A_372 = tpu.memref_slice %arg9[%dma_wait3A_366, %dma_wait3A_371] : memref<8x128xi32, #tpu.memory_space<vmem>> -> memref<1x128xi32, #tpu.memory_space<vmem>>
      %dma_wait3A_373 = tpu.memref_squeeze %dma_wait3A_372 : memref<1x128xi32, #tpu.memory_space<vmem>> -> memref<128xi32, #tpu.memory_space<vmem>>
      %dma_wait3A_374 = arith.constant 0 : i32
      %dma_wait3A_375 = arith.constant 0 : i32
      %dma_wait3A_376 = tpu.memref_slice %arg7[%dma_wait3A_374, %dma_wait3A_375] : memref<100096x16xf32, #tpu.memory_space<vmem_shared>> -> memref<100096x16xf32, #tpu.memory_space<vmem_shared>>
      tpu.wait_indirect_dma semaphore(%arg12 : memref<!tpu.dma_semaphore, #tpu.memory_space<semaphore_mem>>) src(%dma_wait3A_370 : memref<128x16xf32, #tpu.memory_space<vmem>>) dst(%dma_wait3A_376 : memref<100096x16xf32, #tpu.memory_space<vmem_shared>>)
      %dma_wait3A_377 = arith.constant 6 : i32
      %dma_wait3A_378 = arith.constant 6 : i32
      %dma_wait3A_379 = arith.constant 0 : i32
      %dma_wait3A_380 = arith.constant 0 : i32
      %dma_wait3A_381 = tpu.memref_slice %arg10[%dma_wait3A_377, %dma_wait3A_379, %dma_wait3A_380] : memref<8x128x16xf32, #tpu.memory_space<vmem>> -> memref<1x128x16xf32, #tpu.memory_space<vmem>>
      %dma_wait3A_382 = tpu.memref_squeeze %dma_wait3A_381 : memref<1x128x16xf32, #tpu.memory_space<vmem>> -> memref<128x16xf32, #tpu.memory_space<vmem>>
      %dma_wait3A_383 = arith.constant 0 : i32
      %dma_wait3A_384 = tpu.memref_slice %arg9[%dma_wait3A_378, %dma_wait3A_383] : memref<8x128xi32, #tpu.memory_space<vmem>> -> memref<1x128xi32, #tpu.memory_space<vmem>>
      %dma_wait3A_385 = tpu.memref_squeeze %dma_wait3A_384 : memref<1x128xi32, #tpu.memory_space<vmem>> -> memref<128xi32, #tpu.memory_space<vmem>>
      %dma_wait3A_386 = arith.constant 0 : i32
      %dma_wait3A_387 = arith.constant 0 : i32
      %dma_wait3A_388 = tpu.memref_slice %arg7[%dma_wait3A_386, %dma_wait3A_387] : memref<100096x16xf32, #tpu.memory_space<vmem_shared>> -> memref<100096x16xf32, #tpu.memory_space<vmem_shared>>
      tpu.wait_indirect_dma semaphore(%arg12 : memref<!tpu.dma_semaphore, #tpu.memory_space<semaphore_mem>>) src(%dma_wait3A_382 : memref<128x16xf32, #tpu.memory_space<vmem>>) dst(%dma_wait3A_388 : memref<100096x16xf32, #tpu.memory_space<vmem_shared>>)
      %dma_wait3A_389 = arith.constant 7 : i32
      %dma_wait3A_390 = arith.constant 7 : i32
      %dma_wait3A_391 = arith.constant 0 : i32
      %dma_wait3A_392 = arith.constant 0 : i32
      %dma_wait3A_393 = tpu.memref_slice %arg10[%dma_wait3A_389, %dma_wait3A_391, %dma_wait3A_392] : memref<8x128x16xf32, #tpu.memory_space<vmem>> -> memref<1x128x16xf32, #tpu.memory_space<vmem>>
      %dma_wait3A_394 = tpu.memref_squeeze %dma_wait3A_393 : memref<1x128x16xf32, #tpu.memory_space<vmem>> -> memref<128x16xf32, #tpu.memory_space<vmem>>
      %dma_wait3A_395 = arith.constant 0 : i32
      %dma_wait3A_396 = tpu.memref_slice %arg9[%dma_wait3A_390, %dma_wait3A_395] : memref<8x128xi32, #tpu.memory_space<vmem>> -> memref<1x128xi32, #tpu.memory_space<vmem>>
      %dma_wait3A_397 = tpu.memref_squeeze %dma_wait3A_396 : memref<1x128xi32, #tpu.memory_space<vmem>> -> memref<128xi32, #tpu.memory_space<vmem>>
      %dma_wait3A_398 = arith.constant 0 : i32
      %dma_wait3A_399 = arith.constant 0 : i32
      %dma_wait3A_400 = tpu.memref_slice %arg7[%dma_wait3A_398, %dma_wait3A_399] : memref<100096x16xf32, #tpu.memory_space<vmem_shared>> -> memref<100096x16xf32, #tpu.memory_space<vmem_shared>>
      tpu.wait_indirect_dma semaphore(%arg12 : memref<!tpu.dma_semaphore, #tpu.memory_space<semaphore_mem>>) src(%dma_wait3A_394 : memref<128x16xf32, #tpu.memory_space<vmem>>) dst(%dma_wait3A_400 : memref<100096x16xf32, #tpu.memory_space<vmem_shared>>)
    }
    %scan3A_7 = arith.constant 50 : i32
    %barrier3A_8 = arith.constant 0 : index
    tpu.barrier barrier_id(%barrier3A_8)
    %mul3A_9 = arith.constant 6256 : i32
    %mul3A_10 = arith.muli %arg1, %mul3A_9 : i32
    %mul3A_11 = arith.constant 6256 : i32
    %mul3A_12 = arith.muli %arg1, %mul3A_11 : i32
    "tpu.region"() ({
      %run_scoped3A = tpu.sem_alloc : memref<!tpu.dma_semaphore, #tpu.memory_space<semaphore_mem>>
      %dma_start3A = arith.constant 0 : i32
      %dma_start3A_13 = tpu.memref_slice %arg6[%arg0, %mul3A_12, %dma_start3A] : memref<2x100096x16xf32, #tpu.memory_space<hbm>> -> memref<1x6256x16xf32, #tpu.memory_space<hbm>>
      %dma_start3A_14 = tpu.memref_squeeze %dma_start3A_13 : memref<1x6256x16xf32, #tpu.memory_space<hbm>> -> memref<6256x16xf32, #tpu.memory_space<hbm>>
      %dma_start3A_15 = arith.constant 0 : i32
      %dma_start3A_16 = tpu.memref_slice %arg7[%mul3A_10, %dma_start3A_15] : memref<100096x16xf32, #tpu.memory_space<vmem_shared>> -> memref<6256x16xf32, #tpu.memory_space<vmem_shared>>
      tpu.enqueue_dma source(%dma_start3A_16 : memref<6256x16xf32, #tpu.memory_space<vmem_shared>>) target(%dma_start3A_14 : memref<6256x16xf32, #tpu.memory_space<hbm>>) target_semaphore(%run_scoped3A : memref<!tpu.dma_semaphore, #tpu.memory_space<semaphore_mem>>)
      %dma_wait3A = arith.constant 0 : i32
      %dma_wait3A_17 = tpu.memref_slice %arg6[%arg0, %mul3A_12, %dma_wait3A] : memref<2x100096x16xf32, #tpu.memory_space<hbm>> -> memref<1x6256x16xf32, #tpu.memory_space<hbm>>
      %dma_wait3A_18 = tpu.memref_squeeze %dma_wait3A_17 : memref<1x6256x16xf32, #tpu.memory_space<hbm>> -> memref<6256x16xf32, #tpu.memory_space<hbm>>
      %dma_wait3A_19 = arith.constant 0 : i32
      %dma_wait3A_20 = tpu.memref_slice %arg7[%mul3A_10, %dma_wait3A_19] : memref<100096x16xf32, #tpu.memory_space<vmem_shared>> -> memref<6256x16xf32, #tpu.memory_space<vmem_shared>>
      tpu.wait_dma2 semaphore(%run_scoped3A : memref<!tpu.dma_semaphore, #tpu.memory_space<semaphore_mem>>) src(%dma_wait3A_20 : memref<6256x16xf32, #tpu.memory_space<vmem_shared>>) dst(%dma_wait3A_18 : memref<6256x16xf32, #tpu.memory_space<hbm>>)
      tpu.yield
    }) : () -> ()
    return
  }
}

#map = affine_map<(d0, d1) -> (0, 0)>
#map1 = affine_map<(d0, d1) -> (0, 0, 0)>
module attributes {stable_mosaic.version = 14 : i64} {
  func.func @_sage_agg2(%arg0: i32, %arg1: i32, %arg2: memref<100000x16xf32, #tpu.memory_space<hbm>>, %arg3: memref<100000x16xf32, #tpu.memory_space<hbm>>, %arg4: memref<12800x128xi32, #tpu.memory_space<hbm>>, %arg5: memref<12800x128xi32, #tpu.memory_space<hbm>>, %arg6: memref<6256x16xf32, #tpu.memory_space<hbm>>, %arg7: memref<2x100096x16xf32, #tpu.memory_space<hbm>>, %arg8: memref<100096x16xf32, #tpu.memory_space<vmem_shared>>, %arg9: memref<8x128xi32, #tpu.memory_space<vmem>>, %arg10: memref<8x128xi32, #tpu.memory_space<vmem>>, %arg11: memref<8x128x16xf32, #tpu.memory_space<vmem>>, %arg12: memref<!tpu.dma_semaphore, #tpu.memory_space<semaphore_mem>>, %arg13: memref<!tpu.dma_semaphore, #tpu.memory_space<semaphore_mem>>) attributes {dimension_semantics = [#tpu.dimension_semantics<core_parallel>, #tpu.dimension_semantics<subcore_parallel>], iteration_bounds = array<i64: 2, 16>, scalar_prefetch = 0 : i64, scratch_operands = 6 : i64, tpu.core_type = #tpu.core_type<sc_vector_subcore>, window_params = [{transform_indices = #map}, {transform_indices = #map}, {transform_indices = #map}, {transform_indices = #map}, {transform_indices = #map}, {transform_indices = #map1}]} {
    %mul3A = arith.constant 6256 : i32
    %mul3A_0 = arith.muli %arg1, %mul3A : i32
    "tpu.region"() ({
      %run_scoped3A = tpu.sem_alloc : memref<!tpu.dma_semaphore, #tpu.memory_space<semaphore_mem>>
      %dma_start3A = arith.constant 0 : i32
      %dma_start3A_11 = tpu.memref_slice %arg8[%mul3A_0, %dma_start3A] : memref<100096x16xf32, #tpu.memory_space<vmem_shared>> -> memref<6256x16xf32, #tpu.memory_space<vmem_shared>>
      tpu.enqueue_dma source(%arg6 : memref<6256x16xf32, #tpu.memory_space<hbm>>) target(%dma_start3A_11 : memref<6256x16xf32, #tpu.memory_space<vmem_shared>>) target_semaphore(%run_scoped3A : memref<!tpu.dma_semaphore, #tpu.memory_space<semaphore_mem>>)
      %dma_wait3A = arith.constant 0 : i32
      %dma_wait3A_12 = tpu.memref_slice %arg8[%mul3A_0, %dma_wait3A] : memref<100096x16xf32, #tpu.memory_space<vmem_shared>> -> memref<6256x16xf32, #tpu.memory_space<vmem_shared>>
      tpu.wait_dma2 semaphore(%run_scoped3A : memref<!tpu.dma_semaphore, #tpu.memory_space<semaphore_mem>>) src(%arg6 : memref<6256x16xf32, #tpu.memory_space<hbm>>) dst(%dma_wait3A_12 : memref<6256x16xf32, #tpu.memory_space<vmem_shared>>)
      tpu.yield
    }) : () -> ()
    %barrier3A = arith.constant 0 : index
    tpu.barrier barrier_id(%barrier3A)
    %scan3A = arith.constant 0 : i32
    %scan3A_1 = arith.constant 0 : i32
    %scan3A_2 = arith.constant 100 : i32
    %scan3A_3 = arith.addi %scan3A_1, %scan3A_2 : i32
    %scan3A_4 = arith.constant 1 : i32
    scf.for %scan3A_11 = %scan3A_1 to %scan3A_3 step %scan3A_4  : i32 {
      %mul3A_12 = arith.constant 800 : i32
      %mul3A_13 = arith.muli %arg1, %mul3A_12 : i32
      %mul3A_14 = arith.constant 8 : i32
      %mul3A_15 = arith.muli %scan3A_11, %mul3A_14 : i32
      %add3A = arith.addi %mul3A_13, %mul3A_15 : i32
      "tpu.region"() ({
        %run_scoped3A = tpu.sem_alloc : memref<!tpu.dma_semaphore, #tpu.memory_space<semaphore_mem>>
        %dma_start3A_213 = arith.constant 0 : i32
        %dma_start3A_214 = tpu.memref_slice %arg4[%add3A, %dma_start3A_213] : memref<12800x128xi32, #tpu.memory_space<hbm>> -> memref<8x128xi32, #tpu.memory_space<hbm>>
        %dma_start3A_215 = arith.constant 0 : i32
        %dma_start3A_216 = tpu.memref_slice %arg4[%add3A, %dma_start3A_215] : memref<12800x128xi32, #tpu.memory_space<hbm>> -> memref<8x128xi32, #tpu.memory_space<hbm>>
        tpu.enqueue_dma source(%dma_start3A_216 : memref<8x128xi32, #tpu.memory_space<hbm>>) target(%arg9 : memref<8x128xi32, #tpu.memory_space<vmem>>) target_semaphore(%run_scoped3A : memref<!tpu.dma_semaphore, #tpu.memory_space<semaphore_mem>>)
        %dma_wait3A_217 = arith.constant 0 : i32
        %dma_wait3A_218 = tpu.memref_slice %arg4[%add3A, %dma_wait3A_217] : memref<12800x128xi32, #tpu.memory_space<hbm>> -> memref<8x128xi32, #tpu.memory_space<hbm>>
        %dma_wait3A_219 = arith.constant 0 : i32
        %dma_wait3A_220 = tpu.memref_slice %arg4[%add3A, %dma_wait3A_219] : memref<12800x128xi32, #tpu.memory_space<hbm>> -> memref<8x128xi32, #tpu.memory_space<hbm>>
        tpu.wait_dma2 semaphore(%run_scoped3A : memref<!tpu.dma_semaphore, #tpu.memory_space<semaphore_mem>>) src(%dma_wait3A_220 : memref<8x128xi32, #tpu.memory_space<hbm>>) dst(%arg9 : memref<8x128xi32, #tpu.memory_space<vmem>>)
        tpu.yield
      }) : () -> ()
      "tpu.region"() ({
        %run_scoped3A = tpu.sem_alloc : memref<!tpu.dma_semaphore, #tpu.memory_space<semaphore_mem>>
        %dma_start3A_213 = arith.constant 0 : i32
        %dma_start3A_214 = tpu.memref_slice %arg5[%add3A, %dma_start3A_213] : memref<12800x128xi32, #tpu.memory_space<hbm>> -> memref<8x128xi32, #tpu.memory_space<hbm>>
        %dma_start3A_215 = arith.constant 0 : i32
        %dma_start3A_216 = tpu.memref_slice %arg5[%add3A, %dma_start3A_215] : memref<12800x128xi32, #tpu.memory_space<hbm>> -> memref<8x128xi32, #tpu.memory_space<hbm>>
        tpu.enqueue_dma source(%dma_start3A_216 : memref<8x128xi32, #tpu.memory_space<hbm>>) target(%arg10 : memref<8x128xi32, #tpu.memory_space<vmem>>) target_semaphore(%run_scoped3A : memref<!tpu.dma_semaphore, #tpu.memory_space<semaphore_mem>>)
        %dma_wait3A_217 = arith.constant 0 : i32
        %dma_wait3A_218 = tpu.memref_slice %arg5[%add3A, %dma_wait3A_217] : memref<12800x128xi32, #tpu.memory_space<hbm>> -> memref<8x128xi32, #tpu.memory_space<hbm>>
        %dma_wait3A_219 = arith.constant 0 : i32
        %dma_wait3A_220 = tpu.memref_slice %arg5[%add3A, %dma_wait3A_219] : memref<12800x128xi32, #tpu.memory_space<hbm>> -> memref<8x128xi32, #tpu.memory_space<hbm>>
        tpu.wait_dma2 semaphore(%run_scoped3A : memref<!tpu.dma_semaphore, #tpu.memory_space<semaphore_mem>>) src(%dma_wait3A_220 : memref<8x128xi32, #tpu.memory_space<hbm>>) dst(%arg10 : memref<8x128xi32, #tpu.memory_space<vmem>>)
        tpu.yield
      }) : () -> ()
      %eq3A = arith.constant 0 : i32
      %eq3A_16 = arith.cmpi eq, %arg0, %eq3A : i32
      %convert_element_type3A = arith.extui %eq3A_16 : i1 to i32
      %cond3A = arith.constant 0 : i32
      %cond3A_17 = arith.cmpi ne, %convert_element_type3A, %cond3A : i32
      scf.if %cond3A_17 {
        %dma_start3A_213 = arith.constant 0 : i32
        %dma_start3A_214 = arith.constant 0 : i32
        %dma_start3A_215 = arith.constant 0 : i32
        %dma_start3A_216 = arith.constant 0 : i32
        %dma_start3A_217 = tpu.memref_slice %arg11[%dma_start3A_214, %dma_start3A_215, %dma_start3A_216] : memref<8x128x16xf32, #tpu.memory_space<vmem>> -> memref<1x128x16xf32, #tpu.memory_space<vmem>>
        %dma_start3A_218 = tpu.memref_squeeze %dma_start3A_217 : memref<1x128x16xf32, #tpu.memory_space<vmem>> -> memref<128x16xf32, #tpu.memory_space<vmem>>
        %dma_start3A_219 = arith.constant 0 : i32
        %dma_start3A_220 = tpu.memref_slice %arg9[%dma_start3A_213, %dma_start3A_219] : memref<8x128xi32, #tpu.memory_space<vmem>> -> memref<1x128xi32, #tpu.memory_space<vmem>>
        %dma_start3A_221 = tpu.memref_squeeze %dma_start3A_220 : memref<1x128xi32, #tpu.memory_space<vmem>> -> memref<128xi32, #tpu.memory_space<vmem>>
        %dma_start3A_222 = arith.constant 0 : i32
        %dma_start3A_223 = arith.constant 0 : i32
        %dma_start3A_224 = tpu.memref_slice %arg2[%dma_start3A_222, %dma_start3A_223] : memref<100000x16xf32, #tpu.memory_space<hbm>> -> memref<100000x16xf32, #tpu.memory_space<hbm>>
        tpu.enqueue_indirect_dma source(%dma_start3A_224 : memref<100000x16xf32, #tpu.memory_space<hbm>>) target(%dma_start3A_218 : memref<128x16xf32, #tpu.memory_space<vmem>>) offsets(%dma_start3A_221 : memref<128xi32, #tpu.memory_space<vmem>>) semaphore(%arg12 : memref<!tpu.dma_semaphore, #tpu.memory_space<semaphore_mem>>)
        %dma_start3A_225 = arith.constant 1 : i32
        %dma_start3A_226 = arith.constant 1 : i32
        %dma_start3A_227 = arith.constant 0 : i32
        %dma_start3A_228 = arith.constant 0 : i32
        %dma_start3A_229 = tpu.memref_slice %arg11[%dma_start3A_226, %dma_start3A_227, %dma_start3A_228] : memref<8x128x16xf32, #tpu.memory_space<vmem>> -> memref<1x128x16xf32, #tpu.memory_space<vmem>>
        %dma_start3A_230 = tpu.memref_squeeze %dma_start3A_229 : memref<1x128x16xf32, #tpu.memory_space<vmem>> -> memref<128x16xf32, #tpu.memory_space<vmem>>
        %dma_start3A_231 = arith.constant 0 : i32
        %dma_start3A_232 = tpu.memref_slice %arg9[%dma_start3A_225, %dma_start3A_231] : memref<8x128xi32, #tpu.memory_space<vmem>> -> memref<1x128xi32, #tpu.memory_space<vmem>>
        %dma_start3A_233 = tpu.memref_squeeze %dma_start3A_232 : memref<1x128xi32, #tpu.memory_space<vmem>> -> memref<128xi32, #tpu.memory_space<vmem>>
        %dma_start3A_234 = arith.constant 0 : i32
        %dma_start3A_235 = arith.constant 0 : i32
        %dma_start3A_236 = tpu.memref_slice %arg2[%dma_start3A_234, %dma_start3A_235] : memref<100000x16xf32, #tpu.memory_space<hbm>> -> memref<100000x16xf32, #tpu.memory_space<hbm>>
        tpu.enqueue_indirect_dma source(%dma_start3A_236 : memref<100000x16xf32, #tpu.memory_space<hbm>>) target(%dma_start3A_230 : memref<128x16xf32, #tpu.memory_space<vmem>>) offsets(%dma_start3A_233 : memref<128xi32, #tpu.memory_space<vmem>>) semaphore(%arg12 : memref<!tpu.dma_semaphore, #tpu.memory_space<semaphore_mem>>)
        %dma_start3A_237 = arith.constant 2 : i32
        %dma_start3A_238 = arith.constant 2 : i32
        %dma_start3A_239 = arith.constant 0 : i32
        %dma_start3A_240 = arith.constant 0 : i32
        %dma_start3A_241 = tpu.memref_slice %arg11[%dma_start3A_238, %dma_start3A_239, %dma_start3A_240] : memref<8x128x16xf32, #tpu.memory_space<vmem>> -> memref<1x128x16xf32, #tpu.memory_space<vmem>>
        %dma_start3A_242 = tpu.memref_squeeze %dma_start3A_241 : memref<1x128x16xf32, #tpu.memory_space<vmem>> -> memref<128x16xf32, #tpu.memory_space<vmem>>
        %dma_start3A_243 = arith.constant 0 : i32
        %dma_start3A_244 = tpu.memref_slice %arg9[%dma_start3A_237, %dma_start3A_243] : memref<8x128xi32, #tpu.memory_space<vmem>> -> memref<1x128xi32, #tpu.memory_space<vmem>>
        %dma_start3A_245 = tpu.memref_squeeze %dma_start3A_244 : memref<1x128xi32, #tpu.memory_space<vmem>> -> memref<128xi32, #tpu.memory_space<vmem>>
        %dma_start3A_246 = arith.constant 0 : i32
        %dma_start3A_247 = arith.constant 0 : i32
        %dma_start3A_248 = tpu.memref_slice %arg2[%dma_start3A_246, %dma_start3A_247] : memref<100000x16xf32, #tpu.memory_space<hbm>> -> memref<100000x16xf32, #tpu.memory_space<hbm>>
        tpu.enqueue_indirect_dma source(%dma_start3A_248 : memref<100000x16xf32, #tpu.memory_space<hbm>>) target(%dma_start3A_242 : memref<128x16xf32, #tpu.memory_space<vmem>>) offsets(%dma_start3A_245 : memref<128xi32, #tpu.memory_space<vmem>>) semaphore(%arg12 : memref<!tpu.dma_semaphore, #tpu.memory_space<semaphore_mem>>)
        %dma_start3A_249 = arith.constant 3 : i32
        %dma_start3A_250 = arith.constant 3 : i32
        %dma_start3A_251 = arith.constant 0 : i32
        %dma_start3A_252 = arith.constant 0 : i32
        %dma_start3A_253 = tpu.memref_slice %arg11[%dma_start3A_250, %dma_start3A_251, %dma_start3A_252] : memref<8x128x16xf32, #tpu.memory_space<vmem>> -> memref<1x128x16xf32, #tpu.memory_space<vmem>>
        %dma_start3A_254 = tpu.memref_squeeze %dma_start3A_253 : memref<1x128x16xf32, #tpu.memory_space<vmem>> -> memref<128x16xf32, #tpu.memory_space<vmem>>
        %dma_start3A_255 = arith.constant 0 : i32
        %dma_start3A_256 = tpu.memref_slice %arg9[%dma_start3A_249, %dma_start3A_255] : memref<8x128xi32, #tpu.memory_space<vmem>> -> memref<1x128xi32, #tpu.memory_space<vmem>>
        %dma_start3A_257 = tpu.memref_squeeze %dma_start3A_256 : memref<1x128xi32, #tpu.memory_space<vmem>> -> memref<128xi32, #tpu.memory_space<vmem>>
        %dma_start3A_258 = arith.constant 0 : i32
        %dma_start3A_259 = arith.constant 0 : i32
        %dma_start3A_260 = tpu.memref_slice %arg2[%dma_start3A_258, %dma_start3A_259] : memref<100000x16xf32, #tpu.memory_space<hbm>> -> memref<100000x16xf32, #tpu.memory_space<hbm>>
        tpu.enqueue_indirect_dma source(%dma_start3A_260 : memref<100000x16xf32, #tpu.memory_space<hbm>>) target(%dma_start3A_254 : memref<128x16xf32, #tpu.memory_space<vmem>>) offsets(%dma_start3A_257 : memref<128xi32, #tpu.memory_space<vmem>>) semaphore(%arg12 : memref<!tpu.dma_semaphore, #tpu.memory_space<semaphore_mem>>)
        %dma_start3A_261 = arith.constant 4 : i32
        %dma_start3A_262 = arith.constant 4 : i32
        %dma_start3A_263 = arith.constant 0 : i32
        %dma_start3A_264 = arith.constant 0 : i32
        %dma_start3A_265 = tpu.memref_slice %arg11[%dma_start3A_262, %dma_start3A_263, %dma_start3A_264] : memref<8x128x16xf32, #tpu.memory_space<vmem>> -> memref<1x128x16xf32, #tpu.memory_space<vmem>>
        %dma_start3A_266 = tpu.memref_squeeze %dma_start3A_265 : memref<1x128x16xf32, #tpu.memory_space<vmem>> -> memref<128x16xf32, #tpu.memory_space<vmem>>
        %dma_start3A_267 = arith.constant 0 : i32
        %dma_start3A_268 = tpu.memref_slice %arg9[%dma_start3A_261, %dma_start3A_267] : memref<8x128xi32, #tpu.memory_space<vmem>> -> memref<1x128xi32, #tpu.memory_space<vmem>>
        %dma_start3A_269 = tpu.memref_squeeze %dma_start3A_268 : memref<1x128xi32, #tpu.memory_space<vmem>> -> memref<128xi32, #tpu.memory_space<vmem>>
        %dma_start3A_270 = arith.constant 0 : i32
        %dma_start3A_271 = arith.constant 0 : i32
        %dma_start3A_272 = tpu.memref_slice %arg2[%dma_start3A_270, %dma_start3A_271] : memref<100000x16xf32, #tpu.memory_space<hbm>> -> memref<100000x16xf32, #tpu.memory_space<hbm>>
        tpu.enqueue_indirect_dma source(%dma_start3A_272 : memref<100000x16xf32, #tpu.memory_space<hbm>>) target(%dma_start3A_266 : memref<128x16xf32, #tpu.memory_space<vmem>>) offsets(%dma_start3A_269 : memref<128xi32, #tpu.memory_space<vmem>>) semaphore(%arg12 : memref<!tpu.dma_semaphore, #tpu.memory_space<semaphore_mem>>)
        %dma_start3A_273 = arith.constant 5 : i32
        %dma_start3A_274 = arith.constant 5 : i32
        %dma_start3A_275 = arith.constant 0 : i32
        %dma_start3A_276 = arith.constant 0 : i32
        %dma_start3A_277 = tpu.memref_slice %arg11[%dma_start3A_274, %dma_start3A_275, %dma_start3A_276] : memref<8x128x16xf32, #tpu.memory_space<vmem>> -> memref<1x128x16xf32, #tpu.memory_space<vmem>>
        %dma_start3A_278 = tpu.memref_squeeze %dma_start3A_277 : memref<1x128x16xf32, #tpu.memory_space<vmem>> -> memref<128x16xf32, #tpu.memory_space<vmem>>
        %dma_start3A_279 = arith.constant 0 : i32
        %dma_start3A_280 = tpu.memref_slice %arg9[%dma_start3A_273, %dma_start3A_279] : memref<8x128xi32, #tpu.memory_space<vmem>> -> memref<1x128xi32, #tpu.memory_space<vmem>>
        %dma_start3A_281 = tpu.memref_squeeze %dma_start3A_280 : memref<1x128xi32, #tpu.memory_space<vmem>> -> memref<128xi32, #tpu.memory_space<vmem>>
        %dma_start3A_282 = arith.constant 0 : i32
        %dma_start3A_283 = arith.constant 0 : i32
        %dma_start3A_284 = tpu.memref_slice %arg2[%dma_start3A_282, %dma_start3A_283] : memref<100000x16xf32, #tpu.memory_space<hbm>> -> memref<100000x16xf32, #tpu.memory_space<hbm>>
        tpu.enqueue_indirect_dma source(%dma_start3A_284 : memref<100000x16xf32, #tpu.memory_space<hbm>>) target(%dma_start3A_278 : memref<128x16xf32, #tpu.memory_space<vmem>>) offsets(%dma_start3A_281 : memref<128xi32, #tpu.memory_space<vmem>>) semaphore(%arg12 : memref<!tpu.dma_semaphore, #tpu.memory_space<semaphore_mem>>)
        %dma_start3A_285 = arith.constant 6 : i32
        %dma_start3A_286 = arith.constant 6 : i32
        %dma_start3A_287 = arith.constant 0 : i32
        %dma_start3A_288 = arith.constant 0 : i32
        %dma_start3A_289 = tpu.memref_slice %arg11[%dma_start3A_286, %dma_start3A_287, %dma_start3A_288] : memref<8x128x16xf32, #tpu.memory_space<vmem>> -> memref<1x128x16xf32, #tpu.memory_space<vmem>>
        %dma_start3A_290 = tpu.memref_squeeze %dma_start3A_289 : memref<1x128x16xf32, #tpu.memory_space<vmem>> -> memref<128x16xf32, #tpu.memory_space<vmem>>
        %dma_start3A_291 = arith.constant 0 : i32
        %dma_start3A_292 = tpu.memref_slice %arg9[%dma_start3A_285, %dma_start3A_291] : memref<8x128xi32, #tpu.memory_space<vmem>> -> memref<1x128xi32, #tpu.memory_space<vmem>>
        %dma_start3A_293 = tpu.memref_squeeze %dma_start3A_292 : memref<1x128xi32, #tpu.memory_space<vmem>> -> memref<128xi32, #tpu.memory_space<vmem>>
        %dma_start3A_294 = arith.constant 0 : i32
        %dma_start3A_295 = arith.constant 0 : i32
        %dma_start3A_296 = tpu.memref_slice %arg2[%dma_start3A_294, %dma_start3A_295] : memref<100000x16xf32, #tpu.memory_space<hbm>> -> memref<100000x16xf32, #tpu.memory_space<hbm>>
        tpu.enqueue_indirect_dma source(%dma_start3A_296 : memref<100000x16xf32, #tpu.memory_space<hbm>>) target(%dma_start3A_290 : memref<128x16xf32, #tpu.memory_space<vmem>>) offsets(%dma_start3A_293 : memref<128xi32, #tpu.memory_space<vmem>>) semaphore(%arg12 : memref<!tpu.dma_semaphore, #tpu.memory_space<semaphore_mem>>)
        %dma_start3A_297 = arith.constant 7 : i32
        %dma_start3A_298 = arith.constant 7 : i32
        %dma_start3A_299 = arith.constant 0 : i32
        %dma_start3A_300 = arith.constant 0 : i32
        %dma_start3A_301 = tpu.memref_slice %arg11[%dma_start3A_298, %dma_start3A_299, %dma_start3A_300] : memref<8x128x16xf32, #tpu.memory_space<vmem>> -> memref<1x128x16xf32, #tpu.memory_space<vmem>>
        %dma_start3A_302 = tpu.memref_squeeze %dma_start3A_301 : memref<1x128x16xf32, #tpu.memory_space<vmem>> -> memref<128x16xf32, #tpu.memory_space<vmem>>
        %dma_start3A_303 = arith.constant 0 : i32
        %dma_start3A_304 = tpu.memref_slice %arg9[%dma_start3A_297, %dma_start3A_303] : memref<8x128xi32, #tpu.memory_space<vmem>> -> memref<1x128xi32, #tpu.memory_space<vmem>>
        %dma_start3A_305 = tpu.memref_squeeze %dma_start3A_304 : memref<1x128xi32, #tpu.memory_space<vmem>> -> memref<128xi32, #tpu.memory_space<vmem>>
        %dma_start3A_306 = arith.constant 0 : i32
        %dma_start3A_307 = arith.constant 0 : i32
        %dma_start3A_308 = tpu.memref_slice %arg2[%dma_start3A_306, %dma_start3A_307] : memref<100000x16xf32, #tpu.memory_space<hbm>> -> memref<100000x16xf32, #tpu.memory_space<hbm>>
        tpu.enqueue_indirect_dma source(%dma_start3A_308 : memref<100000x16xf32, #tpu.memory_space<hbm>>) target(%dma_start3A_302 : memref<128x16xf32, #tpu.memory_space<vmem>>) offsets(%dma_start3A_305 : memref<128xi32, #tpu.memory_space<vmem>>) semaphore(%arg12 : memref<!tpu.dma_semaphore, #tpu.memory_space<semaphore_mem>>)
        %dma_wait3A_309 = arith.constant 0 : i32
        %dma_wait3A_310 = arith.constant 0 : i32
        %dma_wait3A_311 = arith.constant 0 : i32
        %dma_wait3A_312 = arith.constant 0 : i32
        %dma_wait3A_313 = tpu.memref_slice %arg11[%dma_wait3A_310, %dma_wait3A_311, %dma_wait3A_312] : memref<8x128x16xf32, #tpu.memory_space<vmem>> -> memref<1x128x16xf32, #tpu.memory_space<vmem>>
        %dma_wait3A_314 = tpu.memref_squeeze %dma_wait3A_313 : memref<1x128x16xf32, #tpu.memory_space<vmem>> -> memref<128x16xf32, #tpu.memory_space<vmem>>
        %dma_wait3A_315 = arith.constant 0 : i32
        %dma_wait3A_316 = tpu.memref_slice %arg9[%dma_wait3A_309, %dma_wait3A_315] : memref<8x128xi32, #tpu.memory_space<vmem>> -> memref<1x128xi32, #tpu.memory_space<vmem>>
        %dma_wait3A_317 = tpu.memref_squeeze %dma_wait3A_316 : memref<1x128xi32, #tpu.memory_space<vmem>> -> memref<128xi32, #tpu.memory_space<vmem>>
        %dma_wait3A_318 = arith.constant 0 : i32
        %dma_wait3A_319 = arith.constant 0 : i32
        %dma_wait3A_320 = tpu.memref_slice %arg2[%dma_wait3A_318, %dma_wait3A_319] : memref<100000x16xf32, #tpu.memory_space<hbm>> -> memref<100000x16xf32, #tpu.memory_space<hbm>>
        tpu.wait_indirect_dma semaphore(%arg12 : memref<!tpu.dma_semaphore, #tpu.memory_space<semaphore_mem>>) src(%dma_wait3A_320 : memref<100000x16xf32, #tpu.memory_space<hbm>>) dst(%dma_wait3A_314 : memref<128x16xf32, #tpu.memory_space<vmem>>)
        %dma_wait3A_321 = arith.constant 1 : i32
        %dma_wait3A_322 = arith.constant 1 : i32
        %dma_wait3A_323 = arith.constant 0 : i32
        %dma_wait3A_324 = arith.constant 0 : i32
        %dma_wait3A_325 = tpu.memref_slice %arg11[%dma_wait3A_322, %dma_wait3A_323, %dma_wait3A_324] : memref<8x128x16xf32, #tpu.memory_space<vmem>> -> memref<1x128x16xf32, #tpu.memory_space<vmem>>
        %dma_wait3A_326 = tpu.memref_squeeze %dma_wait3A_325 : memref<1x128x16xf32, #tpu.memory_space<vmem>> -> memref<128x16xf32, #tpu.memory_space<vmem>>
        %dma_wait3A_327 = arith.constant 0 : i32
        %dma_wait3A_328 = tpu.memref_slice %arg9[%dma_wait3A_321, %dma_wait3A_327] : memref<8x128xi32, #tpu.memory_space<vmem>> -> memref<1x128xi32, #tpu.memory_space<vmem>>
        %dma_wait3A_329 = tpu.memref_squeeze %dma_wait3A_328 : memref<1x128xi32, #tpu.memory_space<vmem>> -> memref<128xi32, #tpu.memory_space<vmem>>
        %dma_wait3A_330 = arith.constant 0 : i32
        %dma_wait3A_331 = arith.constant 0 : i32
        %dma_wait3A_332 = tpu.memref_slice %arg2[%dma_wait3A_330, %dma_wait3A_331] : memref<100000x16xf32, #tpu.memory_space<hbm>> -> memref<100000x16xf32, #tpu.memory_space<hbm>>
        tpu.wait_indirect_dma semaphore(%arg12 : memref<!tpu.dma_semaphore, #tpu.memory_space<semaphore_mem>>) src(%dma_wait3A_332 : memref<100000x16xf32, #tpu.memory_space<hbm>>) dst(%dma_wait3A_326 : memref<128x16xf32, #tpu.memory_space<vmem>>)
        %dma_wait3A_333 = arith.constant 2 : i32
        %dma_wait3A_334 = arith.constant 2 : i32
        %dma_wait3A_335 = arith.constant 0 : i32
        %dma_wait3A_336 = arith.constant 0 : i32
        %dma_wait3A_337 = tpu.memref_slice %arg11[%dma_wait3A_334, %dma_wait3A_335, %dma_wait3A_336] : memref<8x128x16xf32, #tpu.memory_space<vmem>> -> memref<1x128x16xf32, #tpu.memory_space<vmem>>
        %dma_wait3A_338 = tpu.memref_squeeze %dma_wait3A_337 : memref<1x128x16xf32, #tpu.memory_space<vmem>> -> memref<128x16xf32, #tpu.memory_space<vmem>>
        %dma_wait3A_339 = arith.constant 0 : i32
        %dma_wait3A_340 = tpu.memref_slice %arg9[%dma_wait3A_333, %dma_wait3A_339] : memref<8x128xi32, #tpu.memory_space<vmem>> -> memref<1x128xi32, #tpu.memory_space<vmem>>
        %dma_wait3A_341 = tpu.memref_squeeze %dma_wait3A_340 : memref<1x128xi32, #tpu.memory_space<vmem>> -> memref<128xi32, #tpu.memory_space<vmem>>
        %dma_wait3A_342 = arith.constant 0 : i32
        %dma_wait3A_343 = arith.constant 0 : i32
        %dma_wait3A_344 = tpu.memref_slice %arg2[%dma_wait3A_342, %dma_wait3A_343] : memref<100000x16xf32, #tpu.memory_space<hbm>> -> memref<100000x16xf32, #tpu.memory_space<hbm>>
        tpu.wait_indirect_dma semaphore(%arg12 : memref<!tpu.dma_semaphore, #tpu.memory_space<semaphore_mem>>) src(%dma_wait3A_344 : memref<100000x16xf32, #tpu.memory_space<hbm>>) dst(%dma_wait3A_338 : memref<128x16xf32, #tpu.memory_space<vmem>>)
        %dma_wait3A_345 = arith.constant 3 : i32
        %dma_wait3A_346 = arith.constant 3 : i32
        %dma_wait3A_347 = arith.constant 0 : i32
        %dma_wait3A_348 = arith.constant 0 : i32
        %dma_wait3A_349 = tpu.memref_slice %arg11[%dma_wait3A_346, %dma_wait3A_347, %dma_wait3A_348] : memref<8x128x16xf32, #tpu.memory_space<vmem>> -> memref<1x128x16xf32, #tpu.memory_space<vmem>>
        %dma_wait3A_350 = tpu.memref_squeeze %dma_wait3A_349 : memref<1x128x16xf32, #tpu.memory_space<vmem>> -> memref<128x16xf32, #tpu.memory_space<vmem>>
        %dma_wait3A_351 = arith.constant 0 : i32
        %dma_wait3A_352 = tpu.memref_slice %arg9[%dma_wait3A_345, %dma_wait3A_351] : memref<8x128xi32, #tpu.memory_space<vmem>> -> memref<1x128xi32, #tpu.memory_space<vmem>>
        %dma_wait3A_353 = tpu.memref_squeeze %dma_wait3A_352 : memref<1x128xi32, #tpu.memory_space<vmem>> -> memref<128xi32, #tpu.memory_space<vmem>>
        %dma_wait3A_354 = arith.constant 0 : i32
        %dma_wait3A_355 = arith.constant 0 : i32
        %dma_wait3A_356 = tpu.memref_slice %arg2[%dma_wait3A_354, %dma_wait3A_355] : memref<100000x16xf32, #tpu.memory_space<hbm>> -> memref<100000x16xf32, #tpu.memory_space<hbm>>
        tpu.wait_indirect_dma semaphore(%arg12 : memref<!tpu.dma_semaphore, #tpu.memory_space<semaphore_mem>>) src(%dma_wait3A_356 : memref<100000x16xf32, #tpu.memory_space<hbm>>) dst(%dma_wait3A_350 : memref<128x16xf32, #tpu.memory_space<vmem>>)
        %dma_wait3A_357 = arith.constant 4 : i32
        %dma_wait3A_358 = arith.constant 4 : i32
        %dma_wait3A_359 = arith.constant 0 : i32
        %dma_wait3A_360 = arith.constant 0 : i32
        %dma_wait3A_361 = tpu.memref_slice %arg11[%dma_wait3A_358, %dma_wait3A_359, %dma_wait3A_360] : memref<8x128x16xf32, #tpu.memory_space<vmem>> -> memref<1x128x16xf32, #tpu.memory_space<vmem>>
        %dma_wait3A_362 = tpu.memref_squeeze %dma_wait3A_361 : memref<1x128x16xf32, #tpu.memory_space<vmem>> -> memref<128x16xf32, #tpu.memory_space<vmem>>
        %dma_wait3A_363 = arith.constant 0 : i32
        %dma_wait3A_364 = tpu.memref_slice %arg9[%dma_wait3A_357, %dma_wait3A_363] : memref<8x128xi32, #tpu.memory_space<vmem>> -> memref<1x128xi32, #tpu.memory_space<vmem>>
        %dma_wait3A_365 = tpu.memref_squeeze %dma_wait3A_364 : memref<1x128xi32, #tpu.memory_space<vmem>> -> memref<128xi32, #tpu.memory_space<vmem>>
        %dma_wait3A_366 = arith.constant 0 : i32
        %dma_wait3A_367 = arith.constant 0 : i32
        %dma_wait3A_368 = tpu.memref_slice %arg2[%dma_wait3A_366, %dma_wait3A_367] : memref<100000x16xf32, #tpu.memory_space<hbm>> -> memref<100000x16xf32, #tpu.memory_space<hbm>>
        tpu.wait_indirect_dma semaphore(%arg12 : memref<!tpu.dma_semaphore, #tpu.memory_space<semaphore_mem>>) src(%dma_wait3A_368 : memref<100000x16xf32, #tpu.memory_space<hbm>>) dst(%dma_wait3A_362 : memref<128x16xf32, #tpu.memory_space<vmem>>)
        %dma_wait3A_369 = arith.constant 5 : i32
        %dma_wait3A_370 = arith.constant 5 : i32
        %dma_wait3A_371 = arith.constant 0 : i32
        %dma_wait3A_372 = arith.constant 0 : i32
        %dma_wait3A_373 = tpu.memref_slice %arg11[%dma_wait3A_370, %dma_wait3A_371, %dma_wait3A_372] : memref<8x128x16xf32, #tpu.memory_space<vmem>> -> memref<1x128x16xf32, #tpu.memory_space<vmem>>
        %dma_wait3A_374 = tpu.memref_squeeze %dma_wait3A_373 : memref<1x128x16xf32, #tpu.memory_space<vmem>> -> memref<128x16xf32, #tpu.memory_space<vmem>>
        %dma_wait3A_375 = arith.constant 0 : i32
        %dma_wait3A_376 = tpu.memref_slice %arg9[%dma_wait3A_369, %dma_wait3A_375] : memref<8x128xi32, #tpu.memory_space<vmem>> -> memref<1x128xi32, #tpu.memory_space<vmem>>
        %dma_wait3A_377 = tpu.memref_squeeze %dma_wait3A_376 : memref<1x128xi32, #tpu.memory_space<vmem>> -> memref<128xi32, #tpu.memory_space<vmem>>
        %dma_wait3A_378 = arith.constant 0 : i32
        %dma_wait3A_379 = arith.constant 0 : i32
        %dma_wait3A_380 = tpu.memref_slice %arg2[%dma_wait3A_378, %dma_wait3A_379] : memref<100000x16xf32, #tpu.memory_space<hbm>> -> memref<100000x16xf32, #tpu.memory_space<hbm>>
        tpu.wait_indirect_dma semaphore(%arg12 : memref<!tpu.dma_semaphore, #tpu.memory_space<semaphore_mem>>) src(%dma_wait3A_380 : memref<100000x16xf32, #tpu.memory_space<hbm>>) dst(%dma_wait3A_374 : memref<128x16xf32, #tpu.memory_space<vmem>>)
        %dma_wait3A_381 = arith.constant 6 : i32
        %dma_wait3A_382 = arith.constant 6 : i32
        %dma_wait3A_383 = arith.constant 0 : i32
        %dma_wait3A_384 = arith.constant 0 : i32
        %dma_wait3A_385 = tpu.memref_slice %arg11[%dma_wait3A_382, %dma_wait3A_383, %dma_wait3A_384] : memref<8x128x16xf32, #tpu.memory_space<vmem>> -> memref<1x128x16xf32, #tpu.memory_space<vmem>>
        %dma_wait3A_386 = tpu.memref_squeeze %dma_wait3A_385 : memref<1x128x16xf32, #tpu.memory_space<vmem>> -> memref<128x16xf32, #tpu.memory_space<vmem>>
        %dma_wait3A_387 = arith.constant 0 : i32
        %dma_wait3A_388 = tpu.memref_slice %arg9[%dma_wait3A_381, %dma_wait3A_387] : memref<8x128xi32, #tpu.memory_space<vmem>> -> memref<1x128xi32, #tpu.memory_space<vmem>>
        %dma_wait3A_389 = tpu.memref_squeeze %dma_wait3A_388 : memref<1x128xi32, #tpu.memory_space<vmem>> -> memref<128xi32, #tpu.memory_space<vmem>>
        %dma_wait3A_390 = arith.constant 0 : i32
        %dma_wait3A_391 = arith.constant 0 : i32
        %dma_wait3A_392 = tpu.memref_slice %arg2[%dma_wait3A_390, %dma_wait3A_391] : memref<100000x16xf32, #tpu.memory_space<hbm>> -> memref<100000x16xf32, #tpu.memory_space<hbm>>
        tpu.wait_indirect_dma semaphore(%arg12 : memref<!tpu.dma_semaphore, #tpu.memory_space<semaphore_mem>>) src(%dma_wait3A_392 : memref<100000x16xf32, #tpu.memory_space<hbm>>) dst(%dma_wait3A_386 : memref<128x16xf32, #tpu.memory_space<vmem>>)
        %dma_wait3A_393 = arith.constant 7 : i32
        %dma_wait3A_394 = arith.constant 7 : i32
        %dma_wait3A_395 = arith.constant 0 : i32
        %dma_wait3A_396 = arith.constant 0 : i32
        %dma_wait3A_397 = tpu.memref_slice %arg11[%dma_wait3A_394, %dma_wait3A_395, %dma_wait3A_396] : memref<8x128x16xf32, #tpu.memory_space<vmem>> -> memref<1x128x16xf32, #tpu.memory_space<vmem>>
        %dma_wait3A_398 = tpu.memref_squeeze %dma_wait3A_397 : memref<1x128x16xf32, #tpu.memory_space<vmem>> -> memref<128x16xf32, #tpu.memory_space<vmem>>
        %dma_wait3A_399 = arith.constant 0 : i32
        %dma_wait3A_400 = tpu.memref_slice %arg9[%dma_wait3A_393, %dma_wait3A_399] : memref<8x128xi32, #tpu.memory_space<vmem>> -> memref<1x128xi32, #tpu.memory_space<vmem>>
        %dma_wait3A_401 = tpu.memref_squeeze %dma_wait3A_400 : memref<1x128xi32, #tpu.memory_space<vmem>> -> memref<128xi32, #tpu.memory_space<vmem>>
        %dma_wait3A_402 = arith.constant 0 : i32
        %dma_wait3A_403 = arith.constant 0 : i32
        %dma_wait3A_404 = tpu.memref_slice %arg2[%dma_wait3A_402, %dma_wait3A_403] : memref<100000x16xf32, #tpu.memory_space<hbm>> -> memref<100000x16xf32, #tpu.memory_space<hbm>>
        tpu.wait_indirect_dma semaphore(%arg12 : memref<!tpu.dma_semaphore, #tpu.memory_space<semaphore_mem>>) src(%dma_wait3A_404 : memref<100000x16xf32, #tpu.memory_space<hbm>>) dst(%dma_wait3A_398 : memref<128x16xf32, #tpu.memory_space<vmem>>)
      } else {
      }
      %eq3A_18 = arith.constant 1 : i32
      %eq3A_19 = arith.cmpi eq, %arg0, %eq3A_18 : i32
      %convert_element_type3A_20 = arith.extui %eq3A_19 : i1 to i32
      %cond3A_21 = arith.constant 0 : i32
      %cond3A_22 = arith.cmpi ne, %convert_element_type3A_20, %cond3A_21 : i32
      scf.if %cond3A_22 {
        %dma_start3A_213 = arith.constant 0 : i32
        %dma_start3A_214 = arith.constant 0 : i32
        %dma_start3A_215 = arith.constant 0 : i32
        %dma_start3A_216 = arith.constant 0 : i32
        %dma_start3A_217 = tpu.memref_slice %arg11[%dma_start3A_214, %dma_start3A_215, %dma_start3A_216] : memref<8x128x16xf32, #tpu.memory_space<vmem>> -> memref<1x128x16xf32, #tpu.memory_space<vmem>>
        %dma_start3A_218 = tpu.memref_squeeze %dma_start3A_217 : memref<1x128x16xf32, #tpu.memory_space<vmem>> -> memref<128x16xf32, #tpu.memory_space<vmem>>
        %dma_start3A_219 = arith.constant 0 : i32
        %dma_start3A_220 = tpu.memref_slice %arg9[%dma_start3A_213, %dma_start3A_219] : memref<8x128xi32, #tpu.memory_space<vmem>> -> memref<1x128xi32, #tpu.memory_space<vmem>>
        %dma_start3A_221 = tpu.memref_squeeze %dma_start3A_220 : memref<1x128xi32, #tpu.memory_space<vmem>> -> memref<128xi32, #tpu.memory_space<vmem>>
        %dma_start3A_222 = arith.constant 0 : i32
        %dma_start3A_223 = arith.constant 0 : i32
        %dma_start3A_224 = tpu.memref_slice %arg3[%dma_start3A_222, %dma_start3A_223] : memref<100000x16xf32, #tpu.memory_space<hbm>> -> memref<100000x16xf32, #tpu.memory_space<hbm>>
        tpu.enqueue_indirect_dma source(%dma_start3A_224 : memref<100000x16xf32, #tpu.memory_space<hbm>>) target(%dma_start3A_218 : memref<128x16xf32, #tpu.memory_space<vmem>>) offsets(%dma_start3A_221 : memref<128xi32, #tpu.memory_space<vmem>>) semaphore(%arg12 : memref<!tpu.dma_semaphore, #tpu.memory_space<semaphore_mem>>)
        %dma_start3A_225 = arith.constant 1 : i32
        %dma_start3A_226 = arith.constant 1 : i32
        %dma_start3A_227 = arith.constant 0 : i32
        %dma_start3A_228 = arith.constant 0 : i32
        %dma_start3A_229 = tpu.memref_slice %arg11[%dma_start3A_226, %dma_start3A_227, %dma_start3A_228] : memref<8x128x16xf32, #tpu.memory_space<vmem>> -> memref<1x128x16xf32, #tpu.memory_space<vmem>>
        %dma_start3A_230 = tpu.memref_squeeze %dma_start3A_229 : memref<1x128x16xf32, #tpu.memory_space<vmem>> -> memref<128x16xf32, #tpu.memory_space<vmem>>
        %dma_start3A_231 = arith.constant 0 : i32
        %dma_start3A_232 = tpu.memref_slice %arg9[%dma_start3A_225, %dma_start3A_231] : memref<8x128xi32, #tpu.memory_space<vmem>> -> memref<1x128xi32, #tpu.memory_space<vmem>>
        %dma_start3A_233 = tpu.memref_squeeze %dma_start3A_232 : memref<1x128xi32, #tpu.memory_space<vmem>> -> memref<128xi32, #tpu.memory_space<vmem>>
        %dma_start3A_234 = arith.constant 0 : i32
        %dma_start3A_235 = arith.constant 0 : i32
        %dma_start3A_236 = tpu.memref_slice %arg3[%dma_start3A_234, %dma_start3A_235] : memref<100000x16xf32, #tpu.memory_space<hbm>> -> memref<100000x16xf32, #tpu.memory_space<hbm>>
        tpu.enqueue_indirect_dma source(%dma_start3A_236 : memref<100000x16xf32, #tpu.memory_space<hbm>>) target(%dma_start3A_230 : memref<128x16xf32, #tpu.memory_space<vmem>>) offsets(%dma_start3A_233 : memref<128xi32, #tpu.memory_space<vmem>>) semaphore(%arg12 : memref<!tpu.dma_semaphore, #tpu.memory_space<semaphore_mem>>)
        %dma_start3A_237 = arith.constant 2 : i32
        %dma_start3A_238 = arith.constant 2 : i32
        %dma_start3A_239 = arith.constant 0 : i32
        %dma_start3A_240 = arith.constant 0 : i32
        %dma_start3A_241 = tpu.memref_slice %arg11[%dma_start3A_238, %dma_start3A_239, %dma_start3A_240] : memref<8x128x16xf32, #tpu.memory_space<vmem>> -> memref<1x128x16xf32, #tpu.memory_space<vmem>>
        %dma_start3A_242 = tpu.memref_squeeze %dma_start3A_241 : memref<1x128x16xf32, #tpu.memory_space<vmem>> -> memref<128x16xf32, #tpu.memory_space<vmem>>
        %dma_start3A_243 = arith.constant 0 : i32
        %dma_start3A_244 = tpu.memref_slice %arg9[%dma_start3A_237, %dma_start3A_243] : memref<8x128xi32, #tpu.memory_space<vmem>> -> memref<1x128xi32, #tpu.memory_space<vmem>>
        %dma_start3A_245 = tpu.memref_squeeze %dma_start3A_244 : memref<1x128xi32, #tpu.memory_space<vmem>> -> memref<128xi32, #tpu.memory_space<vmem>>
        %dma_start3A_246 = arith.constant 0 : i32
        %dma_start3A_247 = arith.constant 0 : i32
        %dma_start3A_248 = tpu.memref_slice %arg3[%dma_start3A_246, %dma_start3A_247] : memref<100000x16xf32, #tpu.memory_space<hbm>> -> memref<100000x16xf32, #tpu.memory_space<hbm>>
        tpu.enqueue_indirect_dma source(%dma_start3A_248 : memref<100000x16xf32, #tpu.memory_space<hbm>>) target(%dma_start3A_242 : memref<128x16xf32, #tpu.memory_space<vmem>>) offsets(%dma_start3A_245 : memref<128xi32, #tpu.memory_space<vmem>>) semaphore(%arg12 : memref<!tpu.dma_semaphore, #tpu.memory_space<semaphore_mem>>)
        %dma_start3A_249 = arith.constant 3 : i32
        %dma_start3A_250 = arith.constant 3 : i32
        %dma_start3A_251 = arith.constant 0 : i32
        %dma_start3A_252 = arith.constant 0 : i32
        %dma_start3A_253 = tpu.memref_slice %arg11[%dma_start3A_250, %dma_start3A_251, %dma_start3A_252] : memref<8x128x16xf32, #tpu.memory_space<vmem>> -> memref<1x128x16xf32, #tpu.memory_space<vmem>>
        %dma_start3A_254 = tpu.memref_squeeze %dma_start3A_253 : memref<1x128x16xf32, #tpu.memory_space<vmem>> -> memref<128x16xf32, #tpu.memory_space<vmem>>
        %dma_start3A_255 = arith.constant 0 : i32
        %dma_start3A_256 = tpu.memref_slice %arg9[%dma_start3A_249, %dma_start3A_255] : memref<8x128xi32, #tpu.memory_space<vmem>> -> memref<1x128xi32, #tpu.memory_space<vmem>>
        %dma_start3A_257 = tpu.memref_squeeze %dma_start3A_256 : memref<1x128xi32, #tpu.memory_space<vmem>> -> memref<128xi32, #tpu.memory_space<vmem>>
        %dma_start3A_258 = arith.constant 0 : i32
        %dma_start3A_259 = arith.constant 0 : i32
        %dma_start3A_260 = tpu.memref_slice %arg3[%dma_start3A_258, %dma_start3A_259] : memref<100000x16xf32, #tpu.memory_space<hbm>> -> memref<100000x16xf32, #tpu.memory_space<hbm>>
        tpu.enqueue_indirect_dma source(%dma_start3A_260 : memref<100000x16xf32, #tpu.memory_space<hbm>>) target(%dma_start3A_254 : memref<128x16xf32, #tpu.memory_space<vmem>>) offsets(%dma_start3A_257 : memref<128xi32, #tpu.memory_space<vmem>>) semaphore(%arg12 : memref<!tpu.dma_semaphore, #tpu.memory_space<semaphore_mem>>)
        %dma_start3A_261 = arith.constant 4 : i32
        %dma_start3A_262 = arith.constant 4 : i32
        %dma_start3A_263 = arith.constant 0 : i32
        %dma_start3A_264 = arith.constant 0 : i32
        %dma_start3A_265 = tpu.memref_slice %arg11[%dma_start3A_262, %dma_start3A_263, %dma_start3A_264] : memref<8x128x16xf32, #tpu.memory_space<vmem>> -> memref<1x128x16xf32, #tpu.memory_space<vmem>>
        %dma_start3A_266 = tpu.memref_squeeze %dma_start3A_265 : memref<1x128x16xf32, #tpu.memory_space<vmem>> -> memref<128x16xf32, #tpu.memory_space<vmem>>
        %dma_start3A_267 = arith.constant 0 : i32
        %dma_start3A_268 = tpu.memref_slice %arg9[%dma_start3A_261, %dma_start3A_267] : memref<8x128xi32, #tpu.memory_space<vmem>> -> memref<1x128xi32, #tpu.memory_space<vmem>>
        %dma_start3A_269 = tpu.memref_squeeze %dma_start3A_268 : memref<1x128xi32, #tpu.memory_space<vmem>> -> memref<128xi32, #tpu.memory_space<vmem>>
        %dma_start3A_270 = arith.constant 0 : i32
        %dma_start3A_271 = arith.constant 0 : i32
        %dma_start3A_272 = tpu.memref_slice %arg3[%dma_start3A_270, %dma_start3A_271] : memref<100000x16xf32, #tpu.memory_space<hbm>> -> memref<100000x16xf32, #tpu.memory_space<hbm>>
        tpu.enqueue_indirect_dma source(%dma_start3A_272 : memref<100000x16xf32, #tpu.memory_space<hbm>>) target(%dma_start3A_266 : memref<128x16xf32, #tpu.memory_space<vmem>>) offsets(%dma_start3A_269 : memref<128xi32, #tpu.memory_space<vmem>>) semaphore(%arg12 : memref<!tpu.dma_semaphore, #tpu.memory_space<semaphore_mem>>)
        %dma_start3A_273 = arith.constant 5 : i32
        %dma_start3A_274 = arith.constant 5 : i32
        %dma_start3A_275 = arith.constant 0 : i32
        %dma_start3A_276 = arith.constant 0 : i32
        %dma_start3A_277 = tpu.memref_slice %arg11[%dma_start3A_274, %dma_start3A_275, %dma_start3A_276] : memref<8x128x16xf32, #tpu.memory_space<vmem>> -> memref<1x128x16xf32, #tpu.memory_space<vmem>>
        %dma_start3A_278 = tpu.memref_squeeze %dma_start3A_277 : memref<1x128x16xf32, #tpu.memory_space<vmem>> -> memref<128x16xf32, #tpu.memory_space<vmem>>
        %dma_start3A_279 = arith.constant 0 : i32
        %dma_start3A_280 = tpu.memref_slice %arg9[%dma_start3A_273, %dma_start3A_279] : memref<8x128xi32, #tpu.memory_space<vmem>> -> memref<1x128xi32, #tpu.memory_space<vmem>>
        %dma_start3A_281 = tpu.memref_squeeze %dma_start3A_280 : memref<1x128xi32, #tpu.memory_space<vmem>> -> memref<128xi32, #tpu.memory_space<vmem>>
        %dma_start3A_282 = arith.constant 0 : i32
        %dma_start3A_283 = arith.constant 0 : i32
        %dma_start3A_284 = tpu.memref_slice %arg3[%dma_start3A_282, %dma_start3A_283] : memref<100000x16xf32, #tpu.memory_space<hbm>> -> memref<100000x16xf32, #tpu.memory_space<hbm>>
        tpu.enqueue_indirect_dma source(%dma_start3A_284 : memref<100000x16xf32, #tpu.memory_space<hbm>>) target(%dma_start3A_278 : memref<128x16xf32, #tpu.memory_space<vmem>>) offsets(%dma_start3A_281 : memref<128xi32, #tpu.memory_space<vmem>>) semaphore(%arg12 : memref<!tpu.dma_semaphore, #tpu.memory_space<semaphore_mem>>)
        %dma_start3A_285 = arith.constant 6 : i32
        %dma_start3A_286 = arith.constant 6 : i32
        %dma_start3A_287 = arith.constant 0 : i32
        %dma_start3A_288 = arith.constant 0 : i32
        %dma_start3A_289 = tpu.memref_slice %arg11[%dma_start3A_286, %dma_start3A_287, %dma_start3A_288] : memref<8x128x16xf32, #tpu.memory_space<vmem>> -> memref<1x128x16xf32, #tpu.memory_space<vmem>>
        %dma_start3A_290 = tpu.memref_squeeze %dma_start3A_289 : memref<1x128x16xf32, #tpu.memory_space<vmem>> -> memref<128x16xf32, #tpu.memory_space<vmem>>
        %dma_start3A_291 = arith.constant 0 : i32
        %dma_start3A_292 = tpu.memref_slice %arg9[%dma_start3A_285, %dma_start3A_291] : memref<8x128xi32, #tpu.memory_space<vmem>> -> memref<1x128xi32, #tpu.memory_space<vmem>>
        %dma_start3A_293 = tpu.memref_squeeze %dma_start3A_292 : memref<1x128xi32, #tpu.memory_space<vmem>> -> memref<128xi32, #tpu.memory_space<vmem>>
        %dma_start3A_294 = arith.constant 0 : i32
        %dma_start3A_295 = arith.constant 0 : i32
        %dma_start3A_296 = tpu.memref_slice %arg3[%dma_start3A_294, %dma_start3A_295] : memref<100000x16xf32, #tpu.memory_space<hbm>> -> memref<100000x16xf32, #tpu.memory_space<hbm>>
        tpu.enqueue_indirect_dma source(%dma_start3A_296 : memref<100000x16xf32, #tpu.memory_space<hbm>>) target(%dma_start3A_290 : memref<128x16xf32, #tpu.memory_space<vmem>>) offsets(%dma_start3A_293 : memref<128xi32, #tpu.memory_space<vmem>>) semaphore(%arg12 : memref<!tpu.dma_semaphore, #tpu.memory_space<semaphore_mem>>)
        %dma_start3A_297 = arith.constant 7 : i32
        %dma_start3A_298 = arith.constant 7 : i32
        %dma_start3A_299 = arith.constant 0 : i32
        %dma_start3A_300 = arith.constant 0 : i32
        %dma_start3A_301 = tpu.memref_slice %arg11[%dma_start3A_298, %dma_start3A_299, %dma_start3A_300] : memref<8x128x16xf32, #tpu.memory_space<vmem>> -> memref<1x128x16xf32, #tpu.memory_space<vmem>>
        %dma_start3A_302 = tpu.memref_squeeze %dma_start3A_301 : memref<1x128x16xf32, #tpu.memory_space<vmem>> -> memref<128x16xf32, #tpu.memory_space<vmem>>
        %dma_start3A_303 = arith.constant 0 : i32
        %dma_start3A_304 = tpu.memref_slice %arg9[%dma_start3A_297, %dma_start3A_303] : memref<8x128xi32, #tpu.memory_space<vmem>> -> memref<1x128xi32, #tpu.memory_space<vmem>>
        %dma_start3A_305 = tpu.memref_squeeze %dma_start3A_304 : memref<1x128xi32, #tpu.memory_space<vmem>> -> memref<128xi32, #tpu.memory_space<vmem>>
        %dma_start3A_306 = arith.constant 0 : i32
        %dma_start3A_307 = arith.constant 0 : i32
        %dma_start3A_308 = tpu.memref_slice %arg3[%dma_start3A_306, %dma_start3A_307] : memref<100000x16xf32, #tpu.memory_space<hbm>> -> memref<100000x16xf32, #tpu.memory_space<hbm>>
        tpu.enqueue_indirect_dma source(%dma_start3A_308 : memref<100000x16xf32, #tpu.memory_space<hbm>>) target(%dma_start3A_302 : memref<128x16xf32, #tpu.memory_space<vmem>>) offsets(%dma_start3A_305 : memref<128xi32, #tpu.memory_space<vmem>>) semaphore(%arg12 : memref<!tpu.dma_semaphore, #tpu.memory_space<semaphore_mem>>)
        %dma_wait3A_309 = arith.constant 0 : i32
        %dma_wait3A_310 = arith.constant 0 : i32
        %dma_wait3A_311 = arith.constant 0 : i32
        %dma_wait3A_312 = arith.constant 0 : i32
        %dma_wait3A_313 = tpu.memref_slice %arg11[%dma_wait3A_310, %dma_wait3A_311, %dma_wait3A_312] : memref<8x128x16xf32, #tpu.memory_space<vmem>> -> memref<1x128x16xf32, #tpu.memory_space<vmem>>
        %dma_wait3A_314 = tpu.memref_squeeze %dma_wait3A_313 : memref<1x128x16xf32, #tpu.memory_space<vmem>> -> memref<128x16xf32, #tpu.memory_space<vmem>>
        %dma_wait3A_315 = arith.constant 0 : i32
        %dma_wait3A_316 = tpu.memref_slice %arg9[%dma_wait3A_309, %dma_wait3A_315] : memref<8x128xi32, #tpu.memory_space<vmem>> -> memref<1x128xi32, #tpu.memory_space<vmem>>
        %dma_wait3A_317 = tpu.memref_squeeze %dma_wait3A_316 : memref<1x128xi32, #tpu.memory_space<vmem>> -> memref<128xi32, #tpu.memory_space<vmem>>
        %dma_wait3A_318 = arith.constant 0 : i32
        %dma_wait3A_319 = arith.constant 0 : i32
        %dma_wait3A_320 = tpu.memref_slice %arg3[%dma_wait3A_318, %dma_wait3A_319] : memref<100000x16xf32, #tpu.memory_space<hbm>> -> memref<100000x16xf32, #tpu.memory_space<hbm>>
        tpu.wait_indirect_dma semaphore(%arg12 : memref<!tpu.dma_semaphore, #tpu.memory_space<semaphore_mem>>) src(%dma_wait3A_320 : memref<100000x16xf32, #tpu.memory_space<hbm>>) dst(%dma_wait3A_314 : memref<128x16xf32, #tpu.memory_space<vmem>>)
        %dma_wait3A_321 = arith.constant 1 : i32
        %dma_wait3A_322 = arith.constant 1 : i32
        %dma_wait3A_323 = arith.constant 0 : i32
        %dma_wait3A_324 = arith.constant 0 : i32
        %dma_wait3A_325 = tpu.memref_slice %arg11[%dma_wait3A_322, %dma_wait3A_323, %dma_wait3A_324] : memref<8x128x16xf32, #tpu.memory_space<vmem>> -> memref<1x128x16xf32, #tpu.memory_space<vmem>>
        %dma_wait3A_326 = tpu.memref_squeeze %dma_wait3A_325 : memref<1x128x16xf32, #tpu.memory_space<vmem>> -> memref<128x16xf32, #tpu.memory_space<vmem>>
        %dma_wait3A_327 = arith.constant 0 : i32
        %dma_wait3A_328 = tpu.memref_slice %arg9[%dma_wait3A_321, %dma_wait3A_327] : memref<8x128xi32, #tpu.memory_space<vmem>> -> memref<1x128xi32, #tpu.memory_space<vmem>>
        %dma_wait3A_329 = tpu.memref_squeeze %dma_wait3A_328 : memref<1x128xi32, #tpu.memory_space<vmem>> -> memref<128xi32, #tpu.memory_space<vmem>>
        %dma_wait3A_330 = arith.constant 0 : i32
        %dma_wait3A_331 = arith.constant 0 : i32
        %dma_wait3A_332 = tpu.memref_slice %arg3[%dma_wait3A_330, %dma_wait3A_331] : memref<100000x16xf32, #tpu.memory_space<hbm>> -> memref<100000x16xf32, #tpu.memory_space<hbm>>
        tpu.wait_indirect_dma semaphore(%arg12 : memref<!tpu.dma_semaphore, #tpu.memory_space<semaphore_mem>>) src(%dma_wait3A_332 : memref<100000x16xf32, #tpu.memory_space<hbm>>) dst(%dma_wait3A_326 : memref<128x16xf32, #tpu.memory_space<vmem>>)
        %dma_wait3A_333 = arith.constant 2 : i32
        %dma_wait3A_334 = arith.constant 2 : i32
        %dma_wait3A_335 = arith.constant 0 : i32
        %dma_wait3A_336 = arith.constant 0 : i32
        %dma_wait3A_337 = tpu.memref_slice %arg11[%dma_wait3A_334, %dma_wait3A_335, %dma_wait3A_336] : memref<8x128x16xf32, #tpu.memory_space<vmem>> -> memref<1x128x16xf32, #tpu.memory_space<vmem>>
        %dma_wait3A_338 = tpu.memref_squeeze %dma_wait3A_337 : memref<1x128x16xf32, #tpu.memory_space<vmem>> -> memref<128x16xf32, #tpu.memory_space<vmem>>
        %dma_wait3A_339 = arith.constant 0 : i32
        %dma_wait3A_340 = tpu.memref_slice %arg9[%dma_wait3A_333, %dma_wait3A_339] : memref<8x128xi32, #tpu.memory_space<vmem>> -> memref<1x128xi32, #tpu.memory_space<vmem>>
        %dma_wait3A_341 = tpu.memref_squeeze %dma_wait3A_340 : memref<1x128xi32, #tpu.memory_space<vmem>> -> memref<128xi32, #tpu.memory_space<vmem>>
        %dma_wait3A_342 = arith.constant 0 : i32
        %dma_wait3A_343 = arith.constant 0 : i32
        %dma_wait3A_344 = tpu.memref_slice %arg3[%dma_wait3A_342, %dma_wait3A_343] : memref<100000x16xf32, #tpu.memory_space<hbm>> -> memref<100000x16xf32, #tpu.memory_space<hbm>>
        tpu.wait_indirect_dma semaphore(%arg12 : memref<!tpu.dma_semaphore, #tpu.memory_space<semaphore_mem>>) src(%dma_wait3A_344 : memref<100000x16xf32, #tpu.memory_space<hbm>>) dst(%dma_wait3A_338 : memref<128x16xf32, #tpu.memory_space<vmem>>)
        %dma_wait3A_345 = arith.constant 3 : i32
        %dma_wait3A_346 = arith.constant 3 : i32
        %dma_wait3A_347 = arith.constant 0 : i32
        %dma_wait3A_348 = arith.constant 0 : i32
        %dma_wait3A_349 = tpu.memref_slice %arg11[%dma_wait3A_346, %dma_wait3A_347, %dma_wait3A_348] : memref<8x128x16xf32, #tpu.memory_space<vmem>> -> memref<1x128x16xf32, #tpu.memory_space<vmem>>
        %dma_wait3A_350 = tpu.memref_squeeze %dma_wait3A_349 : memref<1x128x16xf32, #tpu.memory_space<vmem>> -> memref<128x16xf32, #tpu.memory_space<vmem>>
        %dma_wait3A_351 = arith.constant 0 : i32
        %dma_wait3A_352 = tpu.memref_slice %arg9[%dma_wait3A_345, %dma_wait3A_351] : memref<8x128xi32, #tpu.memory_space<vmem>> -> memref<1x128xi32, #tpu.memory_space<vmem>>
        %dma_wait3A_353 = tpu.memref_squeeze %dma_wait3A_352 : memref<1x128xi32, #tpu.memory_space<vmem>> -> memref<128xi32, #tpu.memory_space<vmem>>
        %dma_wait3A_354 = arith.constant 0 : i32
        %dma_wait3A_355 = arith.constant 0 : i32
        %dma_wait3A_356 = tpu.memref_slice %arg3[%dma_wait3A_354, %dma_wait3A_355] : memref<100000x16xf32, #tpu.memory_space<hbm>> -> memref<100000x16xf32, #tpu.memory_space<hbm>>
        tpu.wait_indirect_dma semaphore(%arg12 : memref<!tpu.dma_semaphore, #tpu.memory_space<semaphore_mem>>) src(%dma_wait3A_356 : memref<100000x16xf32, #tpu.memory_space<hbm>>) dst(%dma_wait3A_350 : memref<128x16xf32, #tpu.memory_space<vmem>>)
        %dma_wait3A_357 = arith.constant 4 : i32
        %dma_wait3A_358 = arith.constant 4 : i32
        %dma_wait3A_359 = arith.constant 0 : i32
        %dma_wait3A_360 = arith.constant 0 : i32
        %dma_wait3A_361 = tpu.memref_slice %arg11[%dma_wait3A_358, %dma_wait3A_359, %dma_wait3A_360] : memref<8x128x16xf32, #tpu.memory_space<vmem>> -> memref<1x128x16xf32, #tpu.memory_space<vmem>>
        %dma_wait3A_362 = tpu.memref_squeeze %dma_wait3A_361 : memref<1x128x16xf32, #tpu.memory_space<vmem>> -> memref<128x16xf32, #tpu.memory_space<vmem>>
        %dma_wait3A_363 = arith.constant 0 : i32
        %dma_wait3A_364 = tpu.memref_slice %arg9[%dma_wait3A_357, %dma_wait3A_363] : memref<8x128xi32, #tpu.memory_space<vmem>> -> memref<1x128xi32, #tpu.memory_space<vmem>>
        %dma_wait3A_365 = tpu.memref_squeeze %dma_wait3A_364 : memref<1x128xi32, #tpu.memory_space<vmem>> -> memref<128xi32, #tpu.memory_space<vmem>>
        %dma_wait3A_366 = arith.constant 0 : i32
        %dma_wait3A_367 = arith.constant 0 : i32
        %dma_wait3A_368 = tpu.memref_slice %arg3[%dma_wait3A_366, %dma_wait3A_367] : memref<100000x16xf32, #tpu.memory_space<hbm>> -> memref<100000x16xf32, #tpu.memory_space<hbm>>
        tpu.wait_indirect_dma semaphore(%arg12 : memref<!tpu.dma_semaphore, #tpu.memory_space<semaphore_mem>>) src(%dma_wait3A_368 : memref<100000x16xf32, #tpu.memory_space<hbm>>) dst(%dma_wait3A_362 : memref<128x16xf32, #tpu.memory_space<vmem>>)
        %dma_wait3A_369 = arith.constant 5 : i32
        %dma_wait3A_370 = arith.constant 5 : i32
        %dma_wait3A_371 = arith.constant 0 : i32
        %dma_wait3A_372 = arith.constant 0 : i32
        %dma_wait3A_373 = tpu.memref_slice %arg11[%dma_wait3A_370, %dma_wait3A_371, %dma_wait3A_372] : memref<8x128x16xf32, #tpu.memory_space<vmem>> -> memref<1x128x16xf32, #tpu.memory_space<vmem>>
        %dma_wait3A_374 = tpu.memref_squeeze %dma_wait3A_373 : memref<1x128x16xf32, #tpu.memory_space<vmem>> -> memref<128x16xf32, #tpu.memory_space<vmem>>
        %dma_wait3A_375 = arith.constant 0 : i32
        %dma_wait3A_376 = tpu.memref_slice %arg9[%dma_wait3A_369, %dma_wait3A_375] : memref<8x128xi32, #tpu.memory_space<vmem>> -> memref<1x128xi32, #tpu.memory_space<vmem>>
        %dma_wait3A_377 = tpu.memref_squeeze %dma_wait3A_376 : memref<1x128xi32, #tpu.memory_space<vmem>> -> memref<128xi32, #tpu.memory_space<vmem>>
        %dma_wait3A_378 = arith.constant 0 : i32
        %dma_wait3A_379 = arith.constant 0 : i32
        %dma_wait3A_380 = tpu.memref_slice %arg3[%dma_wait3A_378, %dma_wait3A_379] : memref<100000x16xf32, #tpu.memory_space<hbm>> -> memref<100000x16xf32, #tpu.memory_space<hbm>>
        tpu.wait_indirect_dma semaphore(%arg12 : memref<!tpu.dma_semaphore, #tpu.memory_space<semaphore_mem>>) src(%dma_wait3A_380 : memref<100000x16xf32, #tpu.memory_space<hbm>>) dst(%dma_wait3A_374 : memref<128x16xf32, #tpu.memory_space<vmem>>)
        %dma_wait3A_381 = arith.constant 6 : i32
        %dma_wait3A_382 = arith.constant 6 : i32
        %dma_wait3A_383 = arith.constant 0 : i32
        %dma_wait3A_384 = arith.constant 0 : i32
        %dma_wait3A_385 = tpu.memref_slice %arg11[%dma_wait3A_382, %dma_wait3A_383, %dma_wait3A_384] : memref<8x128x16xf32, #tpu.memory_space<vmem>> -> memref<1x128x16xf32, #tpu.memory_space<vmem>>
        %dma_wait3A_386 = tpu.memref_squeeze %dma_wait3A_385 : memref<1x128x16xf32, #tpu.memory_space<vmem>> -> memref<128x16xf32, #tpu.memory_space<vmem>>
        %dma_wait3A_387 = arith.constant 0 : i32
        %dma_wait3A_388 = tpu.memref_slice %arg9[%dma_wait3A_381, %dma_wait3A_387] : memref<8x128xi32, #tpu.memory_space<vmem>> -> memref<1x128xi32, #tpu.memory_space<vmem>>
        %dma_wait3A_389 = tpu.memref_squeeze %dma_wait3A_388 : memref<1x128xi32, #tpu.memory_space<vmem>> -> memref<128xi32, #tpu.memory_space<vmem>>
        %dma_wait3A_390 = arith.constant 0 : i32
        %dma_wait3A_391 = arith.constant 0 : i32
        %dma_wait3A_392 = tpu.memref_slice %arg3[%dma_wait3A_390, %dma_wait3A_391] : memref<100000x16xf32, #tpu.memory_space<hbm>> -> memref<100000x16xf32, #tpu.memory_space<hbm>>
        tpu.wait_indirect_dma semaphore(%arg12 : memref<!tpu.dma_semaphore, #tpu.memory_space<semaphore_mem>>) src(%dma_wait3A_392 : memref<100000x16xf32, #tpu.memory_space<hbm>>) dst(%dma_wait3A_386 : memref<128x16xf32, #tpu.memory_space<vmem>>)
        %dma_wait3A_393 = arith.constant 7 : i32
        %dma_wait3A_394 = arith.constant 7 : i32
        %dma_wait3A_395 = arith.constant 0 : i32
        %dma_wait3A_396 = arith.constant 0 : i32
        %dma_wait3A_397 = tpu.memref_slice %arg11[%dma_wait3A_394, %dma_wait3A_395, %dma_wait3A_396] : memref<8x128x16xf32, #tpu.memory_space<vmem>> -> memref<1x128x16xf32, #tpu.memory_space<vmem>>
        %dma_wait3A_398 = tpu.memref_squeeze %dma_wait3A_397 : memref<1x128x16xf32, #tpu.memory_space<vmem>> -> memref<128x16xf32, #tpu.memory_space<vmem>>
        %dma_wait3A_399 = arith.constant 0 : i32
        %dma_wait3A_400 = tpu.memref_slice %arg9[%dma_wait3A_393, %dma_wait3A_399] : memref<8x128xi32, #tpu.memory_space<vmem>> -> memref<1x128xi32, #tpu.memory_space<vmem>>
        %dma_wait3A_401 = tpu.memref_squeeze %dma_wait3A_400 : memref<1x128xi32, #tpu.memory_space<vmem>> -> memref<128xi32, #tpu.memory_space<vmem>>
        %dma_wait3A_402 = arith.constant 0 : i32
        %dma_wait3A_403 = arith.constant 0 : i32
        %dma_wait3A_404 = tpu.memref_slice %arg3[%dma_wait3A_402, %dma_wait3A_403] : memref<100000x16xf32, #tpu.memory_space<hbm>> -> memref<100000x16xf32, #tpu.memory_space<hbm>>
        tpu.wait_indirect_dma semaphore(%arg12 : memref<!tpu.dma_semaphore, #tpu.memory_space<semaphore_mem>>) src(%dma_wait3A_404 : memref<100000x16xf32, #tpu.memory_space<hbm>>) dst(%dma_wait3A_398 : memref<128x16xf32, #tpu.memory_space<vmem>>)
      } else {
      }
      %dma_start3A = arith.constant 0 : i32
      %dma_start3A_23 = arith.constant 0 : i32
      %dma_start3A_24 = arith.constant 0 : i32
      %dma_start3A_25 = arith.constant 0 : i32
      %dma_start3A_26 = tpu.memref_slice %arg11[%dma_start3A, %dma_start3A_24, %dma_start3A_25] : memref<8x128x16xf32, #tpu.memory_space<vmem>> -> memref<1x128x16xf32, #tpu.memory_space<vmem>>
      %dma_start3A_27 = tpu.memref_squeeze %dma_start3A_26 : memref<1x128x16xf32, #tpu.memory_space<vmem>> -> memref<128x16xf32, #tpu.memory_space<vmem>>
      %dma_start3A_28 = arith.constant 0 : i32
      %dma_start3A_29 = tpu.memref_slice %arg10[%dma_start3A_23, %dma_start3A_28] : memref<8x128xi32, #tpu.memory_space<vmem>> -> memref<1x128xi32, #tpu.memory_space<vmem>>
      %dma_start3A_30 = tpu.memref_squeeze %dma_start3A_29 : memref<1x128xi32, #tpu.memory_space<vmem>> -> memref<128xi32, #tpu.memory_space<vmem>>
      %dma_start3A_31 = arith.constant 0 : i32
      %dma_start3A_32 = arith.constant 0 : i32
      %dma_start3A_33 = tpu.memref_slice %arg8[%dma_start3A_31, %dma_start3A_32] : memref<100096x16xf32, #tpu.memory_space<vmem_shared>> -> memref<100096x16xf32, #tpu.memory_space<vmem_shared>>
      tpu.enqueue_indirect_dma source(%dma_start3A_27 : memref<128x16xf32, #tpu.memory_space<vmem>>) target(%dma_start3A_33 : memref<100096x16xf32, #tpu.memory_space<vmem_shared>>) offsets(%dma_start3A_30 : memref<128xi32, #tpu.memory_space<vmem>>) semaphore(%arg13 : memref<!tpu.dma_semaphore, #tpu.memory_space<semaphore_mem>>) {add = true}
      %dma_start3A_34 = arith.constant 1 : i32
      %dma_start3A_35 = arith.constant 1 : i32
      %dma_start3A_36 = arith.constant 0 : i32
      %dma_start3A_37 = arith.constant 0 : i32
      %dma_start3A_38 = tpu.memref_slice %arg11[%dma_start3A_34, %dma_start3A_36, %dma_start3A_37] : memref<8x128x16xf32, #tpu.memory_space<vmem>> -> memref<1x128x16xf32, #tpu.memory_space<vmem>>
      %dma_start3A_39 = tpu.memref_squeeze %dma_start3A_38 : memref<1x128x16xf32, #tpu.memory_space<vmem>> -> memref<128x16xf32, #tpu.memory_space<vmem>>
      %dma_start3A_40 = arith.constant 0 : i32
      %dma_start3A_41 = tpu.memref_slice %arg10[%dma_start3A_35, %dma_start3A_40] : memref<8x128xi32, #tpu.memory_space<vmem>> -> memref<1x128xi32, #tpu.memory_space<vmem>>
      %dma_start3A_42 = tpu.memref_squeeze %dma_start3A_41 : memref<1x128xi32, #tpu.memory_space<vmem>> -> memref<128xi32, #tpu.memory_space<vmem>>
      %dma_start3A_43 = arith.constant 0 : i32
      %dma_start3A_44 = arith.constant 0 : i32
      %dma_start3A_45 = tpu.memref_slice %arg8[%dma_start3A_43, %dma_start3A_44] : memref<100096x16xf32, #tpu.memory_space<vmem_shared>> -> memref<100096x16xf32, #tpu.memory_space<vmem_shared>>
      tpu.enqueue_indirect_dma source(%dma_start3A_39 : memref<128x16xf32, #tpu.memory_space<vmem>>) target(%dma_start3A_45 : memref<100096x16xf32, #tpu.memory_space<vmem_shared>>) offsets(%dma_start3A_42 : memref<128xi32, #tpu.memory_space<vmem>>) semaphore(%arg13 : memref<!tpu.dma_semaphore, #tpu.memory_space<semaphore_mem>>) {add = true}
      %dma_start3A_46 = arith.constant 2 : i32
      %dma_start3A_47 = arith.constant 2 : i32
      %dma_start3A_48 = arith.constant 0 : i32
      %dma_start3A_49 = arith.constant 0 : i32
      %dma_start3A_50 = tpu.memref_slice %arg11[%dma_start3A_46, %dma_start3A_48, %dma_start3A_49] : memref<8x128x16xf32, #tpu.memory_space<vmem>> -> memref<1x128x16xf32, #tpu.memory_space<vmem>>
      %dma_start3A_51 = tpu.memref_squeeze %dma_start3A_50 : memref<1x128x16xf32, #tpu.memory_space<vmem>> -> memref<128x16xf32, #tpu.memory_space<vmem>>
      %dma_start3A_52 = arith.constant 0 : i32
      %dma_start3A_53 = tpu.memref_slice %arg10[%dma_start3A_47, %dma_start3A_52] : memref<8x128xi32, #tpu.memory_space<vmem>> -> memref<1x128xi32, #tpu.memory_space<vmem>>
      %dma_start3A_54 = tpu.memref_squeeze %dma_start3A_53 : memref<1x128xi32, #tpu.memory_space<vmem>> -> memref<128xi32, #tpu.memory_space<vmem>>
      %dma_start3A_55 = arith.constant 0 : i32
      %dma_start3A_56 = arith.constant 0 : i32
      %dma_start3A_57 = tpu.memref_slice %arg8[%dma_start3A_55, %dma_start3A_56] : memref<100096x16xf32, #tpu.memory_space<vmem_shared>> -> memref<100096x16xf32, #tpu.memory_space<vmem_shared>>
      tpu.enqueue_indirect_dma source(%dma_start3A_51 : memref<128x16xf32, #tpu.memory_space<vmem>>) target(%dma_start3A_57 : memref<100096x16xf32, #tpu.memory_space<vmem_shared>>) offsets(%dma_start3A_54 : memref<128xi32, #tpu.memory_space<vmem>>) semaphore(%arg13 : memref<!tpu.dma_semaphore, #tpu.memory_space<semaphore_mem>>) {add = true}
      %dma_start3A_58 = arith.constant 3 : i32
      %dma_start3A_59 = arith.constant 3 : i32
      %dma_start3A_60 = arith.constant 0 : i32
      %dma_start3A_61 = arith.constant 0 : i32
      %dma_start3A_62 = tpu.memref_slice %arg11[%dma_start3A_58, %dma_start3A_60, %dma_start3A_61] : memref<8x128x16xf32, #tpu.memory_space<vmem>> -> memref<1x128x16xf32, #tpu.memory_space<vmem>>
      %dma_start3A_63 = tpu.memref_squeeze %dma_start3A_62 : memref<1x128x16xf32, #tpu.memory_space<vmem>> -> memref<128x16xf32, #tpu.memory_space<vmem>>
      %dma_start3A_64 = arith.constant 0 : i32
      %dma_start3A_65 = tpu.memref_slice %arg10[%dma_start3A_59, %dma_start3A_64] : memref<8x128xi32, #tpu.memory_space<vmem>> -> memref<1x128xi32, #tpu.memory_space<vmem>>
      %dma_start3A_66 = tpu.memref_squeeze %dma_start3A_65 : memref<1x128xi32, #tpu.memory_space<vmem>> -> memref<128xi32, #tpu.memory_space<vmem>>
      %dma_start3A_67 = arith.constant 0 : i32
      %dma_start3A_68 = arith.constant 0 : i32
      %dma_start3A_69 = tpu.memref_slice %arg8[%dma_start3A_67, %dma_start3A_68] : memref<100096x16xf32, #tpu.memory_space<vmem_shared>> -> memref<100096x16xf32, #tpu.memory_space<vmem_shared>>
      tpu.enqueue_indirect_dma source(%dma_start3A_63 : memref<128x16xf32, #tpu.memory_space<vmem>>) target(%dma_start3A_69 : memref<100096x16xf32, #tpu.memory_space<vmem_shared>>) offsets(%dma_start3A_66 : memref<128xi32, #tpu.memory_space<vmem>>) semaphore(%arg13 : memref<!tpu.dma_semaphore, #tpu.memory_space<semaphore_mem>>) {add = true}
      %dma_start3A_70 = arith.constant 4 : i32
      %dma_start3A_71 = arith.constant 4 : i32
      %dma_start3A_72 = arith.constant 0 : i32
      %dma_start3A_73 = arith.constant 0 : i32
      %dma_start3A_74 = tpu.memref_slice %arg11[%dma_start3A_70, %dma_start3A_72, %dma_start3A_73] : memref<8x128x16xf32, #tpu.memory_space<vmem>> -> memref<1x128x16xf32, #tpu.memory_space<vmem>>
      %dma_start3A_75 = tpu.memref_squeeze %dma_start3A_74 : memref<1x128x16xf32, #tpu.memory_space<vmem>> -> memref<128x16xf32, #tpu.memory_space<vmem>>
      %dma_start3A_76 = arith.constant 0 : i32
      %dma_start3A_77 = tpu.memref_slice %arg10[%dma_start3A_71, %dma_start3A_76] : memref<8x128xi32, #tpu.memory_space<vmem>> -> memref<1x128xi32, #tpu.memory_space<vmem>>
      %dma_start3A_78 = tpu.memref_squeeze %dma_start3A_77 : memref<1x128xi32, #tpu.memory_space<vmem>> -> memref<128xi32, #tpu.memory_space<vmem>>
      %dma_start3A_79 = arith.constant 0 : i32
      %dma_start3A_80 = arith.constant 0 : i32
      %dma_start3A_81 = tpu.memref_slice %arg8[%dma_start3A_79, %dma_start3A_80] : memref<100096x16xf32, #tpu.memory_space<vmem_shared>> -> memref<100096x16xf32, #tpu.memory_space<vmem_shared>>
      tpu.enqueue_indirect_dma source(%dma_start3A_75 : memref<128x16xf32, #tpu.memory_space<vmem>>) target(%dma_start3A_81 : memref<100096x16xf32, #tpu.memory_space<vmem_shared>>) offsets(%dma_start3A_78 : memref<128xi32, #tpu.memory_space<vmem>>) semaphore(%arg13 : memref<!tpu.dma_semaphore, #tpu.memory_space<semaphore_mem>>) {add = true}
      %dma_start3A_82 = arith.constant 5 : i32
      %dma_start3A_83 = arith.constant 5 : i32
      %dma_start3A_84 = arith.constant 0 : i32
      %dma_start3A_85 = arith.constant 0 : i32
      %dma_start3A_86 = tpu.memref_slice %arg11[%dma_start3A_82, %dma_start3A_84, %dma_start3A_85] : memref<8x128x16xf32, #tpu.memory_space<vmem>> -> memref<1x128x16xf32, #tpu.memory_space<vmem>>
      %dma_start3A_87 = tpu.memref_squeeze %dma_start3A_86 : memref<1x128x16xf32, #tpu.memory_space<vmem>> -> memref<128x16xf32, #tpu.memory_space<vmem>>
      %dma_start3A_88 = arith.constant 0 : i32
      %dma_start3A_89 = tpu.memref_slice %arg10[%dma_start3A_83, %dma_start3A_88] : memref<8x128xi32, #tpu.memory_space<vmem>> -> memref<1x128xi32, #tpu.memory_space<vmem>>
      %dma_start3A_90 = tpu.memref_squeeze %dma_start3A_89 : memref<1x128xi32, #tpu.memory_space<vmem>> -> memref<128xi32, #tpu.memory_space<vmem>>
      %dma_start3A_91 = arith.constant 0 : i32
      %dma_start3A_92 = arith.constant 0 : i32
      %dma_start3A_93 = tpu.memref_slice %arg8[%dma_start3A_91, %dma_start3A_92] : memref<100096x16xf32, #tpu.memory_space<vmem_shared>> -> memref<100096x16xf32, #tpu.memory_space<vmem_shared>>
      tpu.enqueue_indirect_dma source(%dma_start3A_87 : memref<128x16xf32, #tpu.memory_space<vmem>>) target(%dma_start3A_93 : memref<100096x16xf32, #tpu.memory_space<vmem_shared>>) offsets(%dma_start3A_90 : memref<128xi32, #tpu.memory_space<vmem>>) semaphore(%arg13 : memref<!tpu.dma_semaphore, #tpu.memory_space<semaphore_mem>>) {add = true}
      %dma_start3A_94 = arith.constant 6 : i32
      %dma_start3A_95 = arith.constant 6 : i32
      %dma_start3A_96 = arith.constant 0 : i32
      %dma_start3A_97 = arith.constant 0 : i32
      %dma_start3A_98 = tpu.memref_slice %arg11[%dma_start3A_94, %dma_start3A_96, %dma_start3A_97] : memref<8x128x16xf32, #tpu.memory_space<vmem>> -> memref<1x128x16xf32, #tpu.memory_space<vmem>>
      %dma_start3A_99 = tpu.memref_squeeze %dma_start3A_98 : memref<1x128x16xf32, #tpu.memory_space<vmem>> -> memref<128x16xf32, #tpu.memory_space<vmem>>
      %dma_start3A_100 = arith.constant 0 : i32
      %dma_start3A_101 = tpu.memref_slice %arg10[%dma_start3A_95, %dma_start3A_100] : memref<8x128xi32, #tpu.memory_space<vmem>> -> memref<1x128xi32, #tpu.memory_space<vmem>>
      %dma_start3A_102 = tpu.memref_squeeze %dma_start3A_101 : memref<1x128xi32, #tpu.memory_space<vmem>> -> memref<128xi32, #tpu.memory_space<vmem>>
      %dma_start3A_103 = arith.constant 0 : i32
      %dma_start3A_104 = arith.constant 0 : i32
      %dma_start3A_105 = tpu.memref_slice %arg8[%dma_start3A_103, %dma_start3A_104] : memref<100096x16xf32, #tpu.memory_space<vmem_shared>> -> memref<100096x16xf32, #tpu.memory_space<vmem_shared>>
      tpu.enqueue_indirect_dma source(%dma_start3A_99 : memref<128x16xf32, #tpu.memory_space<vmem>>) target(%dma_start3A_105 : memref<100096x16xf32, #tpu.memory_space<vmem_shared>>) offsets(%dma_start3A_102 : memref<128xi32, #tpu.memory_space<vmem>>) semaphore(%arg13 : memref<!tpu.dma_semaphore, #tpu.memory_space<semaphore_mem>>) {add = true}
      %dma_start3A_106 = arith.constant 7 : i32
      %dma_start3A_107 = arith.constant 7 : i32
      %dma_start3A_108 = arith.constant 0 : i32
      %dma_start3A_109 = arith.constant 0 : i32
      %dma_start3A_110 = tpu.memref_slice %arg11[%dma_start3A_106, %dma_start3A_108, %dma_start3A_109] : memref<8x128x16xf32, #tpu.memory_space<vmem>> -> memref<1x128x16xf32, #tpu.memory_space<vmem>>
      %dma_start3A_111 = tpu.memref_squeeze %dma_start3A_110 : memref<1x128x16xf32, #tpu.memory_space<vmem>> -> memref<128x16xf32, #tpu.memory_space<vmem>>
      %dma_start3A_112 = arith.constant 0 : i32
      %dma_start3A_113 = tpu.memref_slice %arg10[%dma_start3A_107, %dma_start3A_112] : memref<8x128xi32, #tpu.memory_space<vmem>> -> memref<1x128xi32, #tpu.memory_space<vmem>>
      %dma_start3A_114 = tpu.memref_squeeze %dma_start3A_113 : memref<1x128xi32, #tpu.memory_space<vmem>> -> memref<128xi32, #tpu.memory_space<vmem>>
      %dma_start3A_115 = arith.constant 0 : i32
      %dma_start3A_116 = arith.constant 0 : i32
      %dma_start3A_117 = tpu.memref_slice %arg8[%dma_start3A_115, %dma_start3A_116] : memref<100096x16xf32, #tpu.memory_space<vmem_shared>> -> memref<100096x16xf32, #tpu.memory_space<vmem_shared>>
      tpu.enqueue_indirect_dma source(%dma_start3A_111 : memref<128x16xf32, #tpu.memory_space<vmem>>) target(%dma_start3A_117 : memref<100096x16xf32, #tpu.memory_space<vmem_shared>>) offsets(%dma_start3A_114 : memref<128xi32, #tpu.memory_space<vmem>>) semaphore(%arg13 : memref<!tpu.dma_semaphore, #tpu.memory_space<semaphore_mem>>) {add = true}
      %dma_wait3A = arith.constant 0 : i32
      %dma_wait3A_118 = arith.constant 0 : i32
      %dma_wait3A_119 = arith.constant 0 : i32
      %dma_wait3A_120 = arith.constant 0 : i32
      %dma_wait3A_121 = tpu.memref_slice %arg11[%dma_wait3A, %dma_wait3A_119, %dma_wait3A_120] : memref<8x128x16xf32, #tpu.memory_space<vmem>> -> memref<1x128x16xf32, #tpu.memory_space<vmem>>
      %dma_wait3A_122 = tpu.memref_squeeze %dma_wait3A_121 : memref<1x128x16xf32, #tpu.memory_space<vmem>> -> memref<128x16xf32, #tpu.memory_space<vmem>>
      %dma_wait3A_123 = arith.constant 0 : i32
      %dma_wait3A_124 = tpu.memref_slice %arg10[%dma_wait3A_118, %dma_wait3A_123] : memref<8x128xi32, #tpu.memory_space<vmem>> -> memref<1x128xi32, #tpu.memory_space<vmem>>
      %dma_wait3A_125 = tpu.memref_squeeze %dma_wait3A_124 : memref<1x128xi32, #tpu.memory_space<vmem>> -> memref<128xi32, #tpu.memory_space<vmem>>
      %dma_wait3A_126 = arith.constant 0 : i32
      %dma_wait3A_127 = arith.constant 0 : i32
      %dma_wait3A_128 = tpu.memref_slice %arg8[%dma_wait3A_126, %dma_wait3A_127] : memref<100096x16xf32, #tpu.memory_space<vmem_shared>> -> memref<100096x16xf32, #tpu.memory_space<vmem_shared>>
      tpu.wait_indirect_dma semaphore(%arg13 : memref<!tpu.dma_semaphore, #tpu.memory_space<semaphore_mem>>) src(%dma_wait3A_122 : memref<128x16xf32, #tpu.memory_space<vmem>>) dst(%dma_wait3A_128 : memref<100096x16xf32, #tpu.memory_space<vmem_shared>>)
      %dma_wait3A_129 = arith.constant 1 : i32
      %dma_wait3A_130 = arith.constant 1 : i32
      %dma_wait3A_131 = arith.constant 0 : i32
      %dma_wait3A_132 = arith.constant 0 : i32
      %dma_wait3A_133 = tpu.memref_slice %arg11[%dma_wait3A_129, %dma_wait3A_131, %dma_wait3A_132] : memref<8x128x16xf32, #tpu.memory_space<vmem>> -> memref<1x128x16xf32, #tpu.memory_space<vmem>>
      %dma_wait3A_134 = tpu.memref_squeeze %dma_wait3A_133 : memref<1x128x16xf32, #tpu.memory_space<vmem>> -> memref<128x16xf32, #tpu.memory_space<vmem>>
      %dma_wait3A_135 = arith.constant 0 : i32
      %dma_wait3A_136 = tpu.memref_slice %arg10[%dma_wait3A_130, %dma_wait3A_135] : memref<8x128xi32, #tpu.memory_space<vmem>> -> memref<1x128xi32, #tpu.memory_space<vmem>>
      %dma_wait3A_137 = tpu.memref_squeeze %dma_wait3A_136 : memref<1x128xi32, #tpu.memory_space<vmem>> -> memref<128xi32, #tpu.memory_space<vmem>>
      %dma_wait3A_138 = arith.constant 0 : i32
      %dma_wait3A_139 = arith.constant 0 : i32
      %dma_wait3A_140 = tpu.memref_slice %arg8[%dma_wait3A_138, %dma_wait3A_139] : memref<100096x16xf32, #tpu.memory_space<vmem_shared>> -> memref<100096x16xf32, #tpu.memory_space<vmem_shared>>
      tpu.wait_indirect_dma semaphore(%arg13 : memref<!tpu.dma_semaphore, #tpu.memory_space<semaphore_mem>>) src(%dma_wait3A_134 : memref<128x16xf32, #tpu.memory_space<vmem>>) dst(%dma_wait3A_140 : memref<100096x16xf32, #tpu.memory_space<vmem_shared>>)
      %dma_wait3A_141 = arith.constant 2 : i32
      %dma_wait3A_142 = arith.constant 2 : i32
      %dma_wait3A_143 = arith.constant 0 : i32
      %dma_wait3A_144 = arith.constant 0 : i32
      %dma_wait3A_145 = tpu.memref_slice %arg11[%dma_wait3A_141, %dma_wait3A_143, %dma_wait3A_144] : memref<8x128x16xf32, #tpu.memory_space<vmem>> -> memref<1x128x16xf32, #tpu.memory_space<vmem>>
      %dma_wait3A_146 = tpu.memref_squeeze %dma_wait3A_145 : memref<1x128x16xf32, #tpu.memory_space<vmem>> -> memref<128x16xf32, #tpu.memory_space<vmem>>
      %dma_wait3A_147 = arith.constant 0 : i32
      %dma_wait3A_148 = tpu.memref_slice %arg10[%dma_wait3A_142, %dma_wait3A_147] : memref<8x128xi32, #tpu.memory_space<vmem>> -> memref<1x128xi32, #tpu.memory_space<vmem>>
      %dma_wait3A_149 = tpu.memref_squeeze %dma_wait3A_148 : memref<1x128xi32, #tpu.memory_space<vmem>> -> memref<128xi32, #tpu.memory_space<vmem>>
      %dma_wait3A_150 = arith.constant 0 : i32
      %dma_wait3A_151 = arith.constant 0 : i32
      %dma_wait3A_152 = tpu.memref_slice %arg8[%dma_wait3A_150, %dma_wait3A_151] : memref<100096x16xf32, #tpu.memory_space<vmem_shared>> -> memref<100096x16xf32, #tpu.memory_space<vmem_shared>>
      tpu.wait_indirect_dma semaphore(%arg13 : memref<!tpu.dma_semaphore, #tpu.memory_space<semaphore_mem>>) src(%dma_wait3A_146 : memref<128x16xf32, #tpu.memory_space<vmem>>) dst(%dma_wait3A_152 : memref<100096x16xf32, #tpu.memory_space<vmem_shared>>)
      %dma_wait3A_153 = arith.constant 3 : i32
      %dma_wait3A_154 = arith.constant 3 : i32
      %dma_wait3A_155 = arith.constant 0 : i32
      %dma_wait3A_156 = arith.constant 0 : i32
      %dma_wait3A_157 = tpu.memref_slice %arg11[%dma_wait3A_153, %dma_wait3A_155, %dma_wait3A_156] : memref<8x128x16xf32, #tpu.memory_space<vmem>> -> memref<1x128x16xf32, #tpu.memory_space<vmem>>
      %dma_wait3A_158 = tpu.memref_squeeze %dma_wait3A_157 : memref<1x128x16xf32, #tpu.memory_space<vmem>> -> memref<128x16xf32, #tpu.memory_space<vmem>>
      %dma_wait3A_159 = arith.constant 0 : i32
      %dma_wait3A_160 = tpu.memref_slice %arg10[%dma_wait3A_154, %dma_wait3A_159] : memref<8x128xi32, #tpu.memory_space<vmem>> -> memref<1x128xi32, #tpu.memory_space<vmem>>
      %dma_wait3A_161 = tpu.memref_squeeze %dma_wait3A_160 : memref<1x128xi32, #tpu.memory_space<vmem>> -> memref<128xi32, #tpu.memory_space<vmem>>
      %dma_wait3A_162 = arith.constant 0 : i32
      %dma_wait3A_163 = arith.constant 0 : i32
      %dma_wait3A_164 = tpu.memref_slice %arg8[%dma_wait3A_162, %dma_wait3A_163] : memref<100096x16xf32, #tpu.memory_space<vmem_shared>> -> memref<100096x16xf32, #tpu.memory_space<vmem_shared>>
      tpu.wait_indirect_dma semaphore(%arg13 : memref<!tpu.dma_semaphore, #tpu.memory_space<semaphore_mem>>) src(%dma_wait3A_158 : memref<128x16xf32, #tpu.memory_space<vmem>>) dst(%dma_wait3A_164 : memref<100096x16xf32, #tpu.memory_space<vmem_shared>>)
      %dma_wait3A_165 = arith.constant 4 : i32
      %dma_wait3A_166 = arith.constant 4 : i32
      %dma_wait3A_167 = arith.constant 0 : i32
      %dma_wait3A_168 = arith.constant 0 : i32
      %dma_wait3A_169 = tpu.memref_slice %arg11[%dma_wait3A_165, %dma_wait3A_167, %dma_wait3A_168] : memref<8x128x16xf32, #tpu.memory_space<vmem>> -> memref<1x128x16xf32, #tpu.memory_space<vmem>>
      %dma_wait3A_170 = tpu.memref_squeeze %dma_wait3A_169 : memref<1x128x16xf32, #tpu.memory_space<vmem>> -> memref<128x16xf32, #tpu.memory_space<vmem>>
      %dma_wait3A_171 = arith.constant 0 : i32
      %dma_wait3A_172 = tpu.memref_slice %arg10[%dma_wait3A_166, %dma_wait3A_171] : memref<8x128xi32, #tpu.memory_space<vmem>> -> memref<1x128xi32, #tpu.memory_space<vmem>>
      %dma_wait3A_173 = tpu.memref_squeeze %dma_wait3A_172 : memref<1x128xi32, #tpu.memory_space<vmem>> -> memref<128xi32, #tpu.memory_space<vmem>>
      %dma_wait3A_174 = arith.constant 0 : i32
      %dma_wait3A_175 = arith.constant 0 : i32
      %dma_wait3A_176 = tpu.memref_slice %arg8[%dma_wait3A_174, %dma_wait3A_175] : memref<100096x16xf32, #tpu.memory_space<vmem_shared>> -> memref<100096x16xf32, #tpu.memory_space<vmem_shared>>
      tpu.wait_indirect_dma semaphore(%arg13 : memref<!tpu.dma_semaphore, #tpu.memory_space<semaphore_mem>>) src(%dma_wait3A_170 : memref<128x16xf32, #tpu.memory_space<vmem>>) dst(%dma_wait3A_176 : memref<100096x16xf32, #tpu.memory_space<vmem_shared>>)
      %dma_wait3A_177 = arith.constant 5 : i32
      %dma_wait3A_178 = arith.constant 5 : i32
      %dma_wait3A_179 = arith.constant 0 : i32
      %dma_wait3A_180 = arith.constant 0 : i32
      %dma_wait3A_181 = tpu.memref_slice %arg11[%dma_wait3A_177, %dma_wait3A_179, %dma_wait3A_180] : memref<8x128x16xf32, #tpu.memory_space<vmem>> -> memref<1x128x16xf32, #tpu.memory_space<vmem>>
      %dma_wait3A_182 = tpu.memref_squeeze %dma_wait3A_181 : memref<1x128x16xf32, #tpu.memory_space<vmem>> -> memref<128x16xf32, #tpu.memory_space<vmem>>
      %dma_wait3A_183 = arith.constant 0 : i32
      %dma_wait3A_184 = tpu.memref_slice %arg10[%dma_wait3A_178, %dma_wait3A_183] : memref<8x128xi32, #tpu.memory_space<vmem>> -> memref<1x128xi32, #tpu.memory_space<vmem>>
      %dma_wait3A_185 = tpu.memref_squeeze %dma_wait3A_184 : memref<1x128xi32, #tpu.memory_space<vmem>> -> memref<128xi32, #tpu.memory_space<vmem>>
      %dma_wait3A_186 = arith.constant 0 : i32
      %dma_wait3A_187 = arith.constant 0 : i32
      %dma_wait3A_188 = tpu.memref_slice %arg8[%dma_wait3A_186, %dma_wait3A_187] : memref<100096x16xf32, #tpu.memory_space<vmem_shared>> -> memref<100096x16xf32, #tpu.memory_space<vmem_shared>>
      tpu.wait_indirect_dma semaphore(%arg13 : memref<!tpu.dma_semaphore, #tpu.memory_space<semaphore_mem>>) src(%dma_wait3A_182 : memref<128x16xf32, #tpu.memory_space<vmem>>) dst(%dma_wait3A_188 : memref<100096x16xf32, #tpu.memory_space<vmem_shared>>)
      %dma_wait3A_189 = arith.constant 6 : i32
      %dma_wait3A_190 = arith.constant 6 : i32
      %dma_wait3A_191 = arith.constant 0 : i32
      %dma_wait3A_192 = arith.constant 0 : i32
      %dma_wait3A_193 = tpu.memref_slice %arg11[%dma_wait3A_189, %dma_wait3A_191, %dma_wait3A_192] : memref<8x128x16xf32, #tpu.memory_space<vmem>> -> memref<1x128x16xf32, #tpu.memory_space<vmem>>
      %dma_wait3A_194 = tpu.memref_squeeze %dma_wait3A_193 : memref<1x128x16xf32, #tpu.memory_space<vmem>> -> memref<128x16xf32, #tpu.memory_space<vmem>>
      %dma_wait3A_195 = arith.constant 0 : i32
      %dma_wait3A_196 = tpu.memref_slice %arg10[%dma_wait3A_190, %dma_wait3A_195] : memref<8x128xi32, #tpu.memory_space<vmem>> -> memref<1x128xi32, #tpu.memory_space<vmem>>
      %dma_wait3A_197 = tpu.memref_squeeze %dma_wait3A_196 : memref<1x128xi32, #tpu.memory_space<vmem>> -> memref<128xi32, #tpu.memory_space<vmem>>
      %dma_wait3A_198 = arith.constant 0 : i32
      %dma_wait3A_199 = arith.constant 0 : i32
      %dma_wait3A_200 = tpu.memref_slice %arg8[%dma_wait3A_198, %dma_wait3A_199] : memref<100096x16xf32, #tpu.memory_space<vmem_shared>> -> memref<100096x16xf32, #tpu.memory_space<vmem_shared>>
      tpu.wait_indirect_dma semaphore(%arg13 : memref<!tpu.dma_semaphore, #tpu.memory_space<semaphore_mem>>) src(%dma_wait3A_194 : memref<128x16xf32, #tpu.memory_space<vmem>>) dst(%dma_wait3A_200 : memref<100096x16xf32, #tpu.memory_space<vmem_shared>>)
      %dma_wait3A_201 = arith.constant 7 : i32
      %dma_wait3A_202 = arith.constant 7 : i32
      %dma_wait3A_203 = arith.constant 0 : i32
      %dma_wait3A_204 = arith.constant 0 : i32
      %dma_wait3A_205 = tpu.memref_slice %arg11[%dma_wait3A_201, %dma_wait3A_203, %dma_wait3A_204] : memref<8x128x16xf32, #tpu.memory_space<vmem>> -> memref<1x128x16xf32, #tpu.memory_space<vmem>>
      %dma_wait3A_206 = tpu.memref_squeeze %dma_wait3A_205 : memref<1x128x16xf32, #tpu.memory_space<vmem>> -> memref<128x16xf32, #tpu.memory_space<vmem>>
      %dma_wait3A_207 = arith.constant 0 : i32
      %dma_wait3A_208 = tpu.memref_slice %arg10[%dma_wait3A_202, %dma_wait3A_207] : memref<8x128xi32, #tpu.memory_space<vmem>> -> memref<1x128xi32, #tpu.memory_space<vmem>>
      %dma_wait3A_209 = tpu.memref_squeeze %dma_wait3A_208 : memref<1x128xi32, #tpu.memory_space<vmem>> -> memref<128xi32, #tpu.memory_space<vmem>>
      %dma_wait3A_210 = arith.constant 0 : i32
      %dma_wait3A_211 = arith.constant 0 : i32
      %dma_wait3A_212 = tpu.memref_slice %arg8[%dma_wait3A_210, %dma_wait3A_211] : memref<100096x16xf32, #tpu.memory_space<vmem_shared>> -> memref<100096x16xf32, #tpu.memory_space<vmem_shared>>
      tpu.wait_indirect_dma semaphore(%arg13 : memref<!tpu.dma_semaphore, #tpu.memory_space<semaphore_mem>>) src(%dma_wait3A_206 : memref<128x16xf32, #tpu.memory_space<vmem>>) dst(%dma_wait3A_212 : memref<100096x16xf32, #tpu.memory_space<vmem_shared>>)
    }
    %scan3A_5 = arith.constant 100 : i32
    %barrier3A_6 = arith.constant 0 : index
    tpu.barrier barrier_id(%barrier3A_6)
    %mul3A_7 = arith.constant 6256 : i32
    %mul3A_8 = arith.muli %arg1, %mul3A_7 : i32
    %mul3A_9 = arith.constant 6256 : i32
    %mul3A_10 = arith.muli %arg1, %mul3A_9 : i32
    "tpu.region"() ({
      %run_scoped3A = tpu.sem_alloc : memref<!tpu.dma_semaphore, #tpu.memory_space<semaphore_mem>>
      %dma_start3A = arith.constant 0 : i32
      %dma_start3A_11 = tpu.memref_slice %arg7[%arg0, %mul3A_10, %dma_start3A] : memref<2x100096x16xf32, #tpu.memory_space<hbm>> -> memref<1x6256x16xf32, #tpu.memory_space<hbm>>
      %dma_start3A_12 = tpu.memref_squeeze %dma_start3A_11 : memref<1x6256x16xf32, #tpu.memory_space<hbm>> -> memref<6256x16xf32, #tpu.memory_space<hbm>>
      %dma_start3A_13 = arith.constant 0 : i32
      %dma_start3A_14 = tpu.memref_slice %arg8[%mul3A_8, %dma_start3A_13] : memref<100096x16xf32, #tpu.memory_space<vmem_shared>> -> memref<6256x16xf32, #tpu.memory_space<vmem_shared>>
      tpu.enqueue_dma source(%dma_start3A_14 : memref<6256x16xf32, #tpu.memory_space<vmem_shared>>) target(%dma_start3A_12 : memref<6256x16xf32, #tpu.memory_space<hbm>>) target_semaphore(%run_scoped3A : memref<!tpu.dma_semaphore, #tpu.memory_space<semaphore_mem>>)
      %dma_wait3A = arith.constant 0 : i32
      %dma_wait3A_15 = tpu.memref_slice %arg7[%arg0, %mul3A_10, %dma_wait3A] : memref<2x100096x16xf32, #tpu.memory_space<hbm>> -> memref<1x6256x16xf32, #tpu.memory_space<hbm>>
      %dma_wait3A_16 = tpu.memref_squeeze %dma_wait3A_15 : memref<1x6256x16xf32, #tpu.memory_space<hbm>> -> memref<6256x16xf32, #tpu.memory_space<hbm>>
      %dma_wait3A_17 = arith.constant 0 : i32
      %dma_wait3A_18 = tpu.memref_slice %arg8[%mul3A_8, %dma_wait3A_17] : memref<100096x16xf32, #tpu.memory_space<vmem_shared>> -> memref<6256x16xf32, #tpu.memory_space<vmem_shared>>
      tpu.wait_dma2 semaphore(%run_scoped3A : memref<!tpu.dma_semaphore, #tpu.memory_space<semaphore_mem>>) src(%dma_wait3A_18 : memref<6256x16xf32, #tpu.memory_space<vmem_shared>>) dst(%dma_wait3A_16 : memref<6256x16xf32, #tpu.memory_space<hbm>>)
      tpu.yield
    }) : () -> ()
    return
  }
}

module attributes {stable_mosaic.version = 14 : i64} {
  func.func @_tc1_body(%arg0: i32, %arg1: memref<2x2000x16xf32, #tpu.memory_space<vmem>>, %arg2: memref<2000x16xf32, #tpu.memory_space<vmem>>, %arg3: memref<16x64xf32, #tpu.memory_space<vmem>>, %arg4: memref<16x64xf32, #tpu.memory_space<vmem>>, %arg5: memref<64xf32, #tpu.memory_space<vmem>>, %arg6: memref<64x32xf32, #tpu.memory_space<vmem>>, %arg7: memref<64x32xf32, #tpu.memory_space<vmem>>, %arg8: memref<2000x16xf32, #tpu.memory_space<vmem>>, %arg9: memref<2000x16xf32, #tpu.memory_space<vmem>>, %arg10: memref<2000x32xf32, #tpu.memory_space<vmem>>, %arg11: memref<2000x1xf32, #tpu.memory_space<vmem>>) attributes {dimension_semantics = [#tpu.dimension_semantics<arbitrary>], iteration_bounds = array<i64: 50>, scalar_prefetch = 0 : i64, scratch_operands = 0 : i64, tpu.core_type = #tpu.core_type<tc>, window_params = [{transform_indices = @transform_0, window_bounds = array<i64: 2, 2000, 16>}, {transform_indices = @transform_1, window_bounds = array<i64: 2000, 16>}, {pipeline_mode = #tpu.pipeline_mode<synchronous>, transform_indices = @transform_2, window_bounds = array<i64: 16, 64>}, {pipeline_mode = #tpu.pipeline_mode<synchronous>, transform_indices = @transform_3, window_bounds = array<i64: 16, 64>}, {pipeline_mode = #tpu.pipeline_mode<synchronous>, transform_indices = @transform_4, window_bounds = array<i64: 64>}, {pipeline_mode = #tpu.pipeline_mode<synchronous>, transform_indices = @transform_5, window_bounds = array<i64: 64, 32>}, {pipeline_mode = #tpu.pipeline_mode<synchronous>, transform_indices = @transform_6, window_bounds = array<i64: 64, 32>}, {transform_indices = @transform_7, window_bounds = array<i64: 2000, 16>}, {transform_indices = @transform_8, window_bounds = array<i64: 2000, 16>}, {transform_indices = @transform_9, window_bounds = array<i64: 2000, 32>}, {transform_indices = @transform_10, window_bounds = array<i64: 2000, 1>}]} {
    %get3A = arith.constant 0 : index
    %get3A_0 = arith.constant 0 : index
    %get3A_1 = arith.constant 0 : index
    %get3A_2 = vector.load %arg1[%get3A, %get3A_0, %get3A_1] : memref<2x2000x16xf32, #tpu.memory_space<vmem>>, vector<1x2000x16xf32>
    %get3A_3 = vector.shape_cast %get3A_2 : vector<1x2000x16xf32> to vector<2000x16xf32>
    %get3A_4 = arith.constant 1 : index
    %get3A_5 = arith.constant 0 : index
    %get3A_6 = arith.constant 0 : index
    %get3A_7 = vector.load %arg1[%get3A_4, %get3A_5, %get3A_6] : memref<2x2000x16xf32, #tpu.memory_space<vmem>>, vector<1x2000x16xf32>
    %get3A_8 = vector.shape_cast %get3A_7 : vector<1x2000x16xf32> to vector<2000x16xf32>
    %add3A = arith.addf %get3A_3, %get3A_8 : vector<2000x16xf32>
    %slice3A = vector.extract_strided_slice %add3A {offsets = [0, 11], sizes = [2000, 1], strides = [1, 1]} : vector<2000x16xf32> to vector<2000x1xf32>
    %jit3A = arith.constant 1.000000e+00 : f32
    %max3A = vector.broadcast %jit3A : f32 to vector<2000x1xf32>
    %max3A_9 = arith.maximumf %max3A, %slice3A : vector<2000x1xf32>
    %div3A = arith.constant 1.000000e+00 : f32
    %div3A_10 = vector.broadcast %div3A : f32 to vector<2000x1xf32>
    %div3A_11 = arith.divf %div3A_10, %max3A_9 : vector<2000x1xf32>
    %mul3A = vector.broadcast %div3A_11 : vector<2000x1xf32> to vector<2000x16xf32>
    %mul3A_12 = arith.mulf %add3A, %mul3A : vector<2000x16xf32>
    %get3A_13 = arith.constant 0 : index
    %get3A_14 = arith.constant 0 : index
    %get3A_15 = vector.load %arg3[%get3A_13, %get3A_14] : memref<16x64xf32, #tpu.memory_space<vmem>>, vector<16x64xf32>
    %dot_general3A = arith.constant dense<0.000000e+00> : vector<2000x64xf32>
    %dot_general3A_16 = tpu.matmul %mul3A_12, %get3A_15, %dot_general3A {dimension_numbers = #tpu.dot_dimension_numbers<[1], [0], [0], [1], [0, 0, 1, 1], [], []>, transpose_lhs_hint = false} : vector<2000x16xf32>, vector<16x64xf32>, vector<2000x64xf32> -> vector<2000x64xf32>
    %get3A_17 = arith.constant 0 : index
    %get3A_18 = arith.constant 0 : index
    %get3A_19 = vector.load %arg2[%get3A_17, %get3A_18] : memref<2000x16xf32, #tpu.memory_space<vmem>>, vector<2000x16xf32>
    %get3A_20 = arith.constant 0 : index
    %get3A_21 = arith.constant 0 : index
    %get3A_22 = vector.load %arg4[%get3A_20, %get3A_21] : memref<16x64xf32, #tpu.memory_space<vmem>>, vector<16x64xf32>
    %dot_general3A_23 = arith.constant dense<0.000000e+00> : vector<2000x64xf32>
    %dot_general3A_24 = tpu.matmul %get3A_19, %get3A_22, %dot_general3A_23 {dimension_numbers = #tpu.dot_dimension_numbers<[1], [0], [0], [1], [0, 0, 1, 1], [], []>, transpose_lhs_hint = false} : vector<2000x16xf32>, vector<16x64xf32>, vector<2000x64xf32> -> vector<2000x64xf32>
    %add3A_25 = arith.addf %dot_general3A_16, %dot_general3A_24 : vector<2000x64xf32>
    %get3A_26 = arith.constant 0 : index
    %get3A_27 = vector.load %arg5[%get3A_26] : memref<64xf32, #tpu.memory_space<vmem>>, vector<64xf32>
    %broadcast_in_dim3A = vector.shape_cast %get3A_27 : vector<64xf32> to vector<1x64xf32>
    %add3A_28 = vector.broadcast %broadcast_in_dim3A : vector<1x64xf32> to vector<2000x64xf32>
    %add3A_29 = arith.addf %add3A_25, %add3A_28 : vector<2000x64xf32>
    %max3A_30 = arith.constant 0.000000e+00 : f32
    %max3A_31 = vector.broadcast %max3A_30 : f32 to vector<2000x64xf32>
    %max3A_32 = arith.maximumf %add3A_29, %max3A_31 : vector<2000x64xf32>
    %get3A_33 = arith.constant 0 : index
    %get3A_34 = arith.constant 0 : index
    %get3A_35 = vector.load %arg6[%get3A_33, %get3A_34] : memref<64x32xf32, #tpu.memory_space<vmem>>, vector<64x32xf32>
    %dot_general3A_36 = arith.constant dense<0.000000e+00> : vector<2000x32xf32>
    %dot_general3A_37 = tpu.matmul %max3A_32, %get3A_35, %dot_general3A_36 {dimension_numbers = #tpu.dot_dimension_numbers<[1], [0], [0], [1], [0, 0, 1, 1], [], []>, transpose_lhs_hint = false} : vector<2000x64xf32>, vector<64x32xf32>, vector<2000x32xf32> -> vector<2000x32xf32>
    %slice3A_38 = vector.extract_strided_slice %dot_general3A_37 {offsets = [0, 0], sizes = [2000, 16], strides = [1, 1]} : vector<2000x32xf32> to vector<2000x16xf32>
    %swap3A = arith.constant 0 : index
    %swap3A_39 = arith.constant 0 : index
    %swap3A_40 = vector.load %arg8[%swap3A, %swap3A_39] : memref<2000x16xf32, #tpu.memory_space<vmem>>, vector<2000x16xf32>
    tpu.vector_store %arg8[%swap3A, %swap3A_39], %slice3A_38 {strides = array<i32>} : memref<2000x16xf32, #tpu.memory_space<vmem>>, vector<2000x16xf32>,
    %slice3A_41 = vector.extract_strided_slice %dot_general3A_37 {offsets = [0, 16], sizes = [2000, 16], strides = [1, 1]} : vector<2000x32xf32> to vector<2000x16xf32>
    %swap3A_42 = arith.constant 0 : index
    %swap3A_43 = arith.constant 0 : index
    %swap3A_44 = vector.load %arg9[%swap3A_42, %swap3A_43] : memref<2000x16xf32, #tpu.memory_space<vmem>>, vector<2000x16xf32>
    tpu.vector_store %arg9[%swap3A_42, %swap3A_43], %slice3A_41 {strides = array<i32>} : memref<2000x16xf32, #tpu.memory_space<vmem>>, vector<2000x16xf32>,
    %get3A_45 = arith.constant 0 : index
    %get3A_46 = arith.constant 0 : index
    %get3A_47 = vector.load %arg7[%get3A_45, %get3A_46] : memref<64x32xf32, #tpu.memory_space<vmem>>, vector<64x32xf32>
    %dot_general3A_48 = arith.constant dense<0.000000e+00> : vector<2000x32xf32>
    %dot_general3A_49 = tpu.matmul %max3A_32, %get3A_47, %dot_general3A_48 {dimension_numbers = #tpu.dot_dimension_numbers<[1], [0], [0], [1], [0, 0, 1, 1], [], []>, transpose_lhs_hint = false} : vector<2000x64xf32>, vector<64x32xf32>, vector<2000x32xf32> -> vector<2000x32xf32>
    %swap3A_50 = arith.constant 0 : index
    %swap3A_51 = arith.constant 0 : index
    %swap3A_52 = vector.load %arg10[%swap3A_50, %swap3A_51] : memref<2000x32xf32, #tpu.memory_space<vmem>>, vector<2000x32xf32>
    tpu.vector_store %arg10[%swap3A_50, %swap3A_51], %dot_general3A_49 {strides = array<i32>} : memref<2000x32xf32, #tpu.memory_space<vmem>>, vector<2000x32xf32>,
    %swap3A_53 = arith.constant 0 : index
    %swap3A_54 = arith.constant 0 : index
    %swap3A_55 = vector.load %arg11[%swap3A_53, %swap3A_54] : memref<2000x1xf32, #tpu.memory_space<vmem>>, vector<2000x1xf32>
    tpu.vector_store %arg11[%swap3A_53, %swap3A_54], %div3A_11 {strides = array<i32>} : memref<2000x1xf32, #tpu.memory_space<vmem>>, vector<2000x1xf32>,
    return
  }
  func.func @transform_0(%arg0: i32) -> (i32, i32, i32) {
    %c0_i32 = arith.constant 0 : i32
    %c0_i32_0 = arith.constant 0 : i32
    %c0_i32_1 = arith.constant 0 : i32
    return %c0_i32, %arg0, %c0_i32_0 : i32, i32, i32
  }
  func.func @transform_1(%arg0: i32) -> (i32, i32) {
    %c0_i32 = arith.constant 0 : i32
    %c0_i32_0 = arith.constant 0 : i32
    return %arg0, %c0_i32 : i32, i32
  }
  func.func @transform_2(%arg0: i32) -> (i32, i32) {
    %c0_i32 = arith.constant 0 : i32
    %c0_i32_0 = arith.constant 0 : i32
    %c0_i32_1 = arith.constant 0 : i32
    return %c0_i32, %c0_i32_0 : i32, i32
  }
  func.func @transform_3(%arg0: i32) -> (i32, i32) {
    %c0_i32 = arith.constant 0 : i32
    %c0_i32_0 = arith.constant 0 : i32
    %c0_i32_1 = arith.constant 0 : i32
    return %c0_i32, %c0_i32_0 : i32, i32
  }
  func.func @transform_4(%arg0: i32) -> i32 {
    %c0_i32 = arith.constant 0 : i32
    %c0_i32_0 = arith.constant 0 : i32
    return %c0_i32 : i32
  }
  func.func @transform_5(%arg0: i32) -> (i32, i32) {
    %c0_i32 = arith.constant 0 : i32
    %c0_i32_0 = arith.constant 0 : i32
    %c0_i32_1 = arith.constant 0 : i32
    return %c0_i32, %c0_i32_0 : i32, i32
  }
  func.func @transform_6(%arg0: i32) -> (i32, i32) {
    %c0_i32 = arith.constant 0 : i32
    %c0_i32_0 = arith.constant 0 : i32
    %c0_i32_1 = arith.constant 0 : i32
    return %c0_i32, %c0_i32_0 : i32, i32
  }
  func.func @transform_7(%arg0: i32) -> (i32, i32) {
    %c0_i32 = arith.constant 0 : i32
    %c0_i32_0 = arith.constant 0 : i32
    return %arg0, %c0_i32 : i32, i32
  }
  func.func @transform_8(%arg0: i32) -> (i32, i32) {
    %c0_i32 = arith.constant 0 : i32
    %c0_i32_0 = arith.constant 0 : i32
    return %arg0, %c0_i32 : i32, i32
  }
  func.func @transform_9(%arg0: i32) -> (i32, i32) {
    %c0_i32 = arith.constant 0 : i32
    %c0_i32_0 = arith.constant 0 : i32
    return %arg0, %c0_i32 : i32, i32
  }
  func.func @transform_10(%arg0: i32) -> (i32, i32) {
    %c0_i32 = arith.constant 0 : i32
    %c0_i32_0 = arith.constant 0 : i32
    return %arg0, %c0_i32 : i32, i32
  }
}

module attributes {stable_mosaic.version = 14 : i64} {
  func.func @_tc2_body(%arg0: i32, %arg1: memref<2x2000x16xf32, #tpu.memory_space<vmem>>, %arg2: memref<2000x32xf32, #tpu.memory_space<vmem>>, %arg3: memref<2000x1xf32, #tpu.memory_space<vmem>>, %arg4: memref<32xf32, #tpu.memory_space<vmem>>, %arg5: memref<32x3xf32, #tpu.memory_space<vmem>>, %arg6: memref<3xf32, #tpu.memory_space<vmem>>, %arg7: memref<2000x3xf32, #tpu.memory_space<vmem>>, %arg8: memref<2000x32xf32, #tpu.memory_space<vmem>>) attributes {dimension_semantics = [#tpu.dimension_semantics<arbitrary>], iteration_bounds = array<i64: 50>, scalar_prefetch = 0 : i64, scratch_operands = 0 : i64, tpu.core_type = #tpu.core_type<tc>, window_params = [{transform_indices = @transform_0, window_bounds = array<i64: 2, 2000, 16>}, {transform_indices = @transform_1, window_bounds = array<i64: 2000, 32>}, {transform_indices = @transform_2, window_bounds = array<i64: 2000, 1>}, {pipeline_mode = #tpu.pipeline_mode<synchronous>, transform_indices = @transform_3, window_bounds = array<i64: 32>}, {pipeline_mode = #tpu.pipeline_mode<synchronous>, transform_indices = @transform_4, window_bounds = array<i64: 32, 3>}, {pipeline_mode = #tpu.pipeline_mode<synchronous>, transform_indices = @transform_5, window_bounds = array<i64: 3>}, {transform_indices = @transform_6, window_bounds = array<i64: 2000, 3>}, {transform_indices = @transform_7, window_bounds = array<i64: 2000, 32>}]} {
    %get3A = arith.constant 0 : index
    %get3A_0 = arith.constant 0 : index
    %get3A_1 = arith.constant 0 : index
    %get3A_2 = vector.load %arg1[%get3A, %get3A_0, %get3A_1] : memref<2x2000x16xf32, #tpu.memory_space<vmem>>, vector<1x2000x16xf32>
    %get3A_3 = vector.shape_cast %get3A_2 : vector<1x2000x16xf32> to vector<2000x16xf32>
    %get3A_4 = arith.constant 1 : index
    %get3A_5 = arith.constant 0 : index
    %get3A_6 = arith.constant 0 : index
    %get3A_7 = vector.load %arg1[%get3A_4, %get3A_5, %get3A_6] : memref<2x2000x16xf32, #tpu.memory_space<vmem>>, vector<1x2000x16xf32>
    %get3A_8 = vector.shape_cast %get3A_7 : vector<1x2000x16xf32> to vector<2000x16xf32>
    %concatenate3A = tpu.concatenate %get3A_3, %get3A_8 in 1 : vector<2000x16xf32>, vector<2000x16xf32> -> vector<2000x32xf32>
    %get3A_9 = arith.constant 0 : index
    %get3A_10 = arith.constant 0 : index
    %get3A_11 = vector.load %arg3[%get3A_9, %get3A_10] : memref<2000x1xf32, #tpu.memory_space<vmem>>, vector<2000x1xf32>
    %mul3A = vector.broadcast %get3A_11 : vector<2000x1xf32> to vector<2000x32xf32>
    %mul3A_12 = arith.mulf %concatenate3A, %mul3A : vector<2000x32xf32>
    %get3A_13 = arith.constant 0 : index
    %get3A_14 = arith.constant 0 : index
    %get3A_15 = vector.load %arg2[%get3A_13, %get3A_14] : memref<2000x32xf32, #tpu.memory_space<vmem>>, vector<2000x32xf32>
    %add3A = arith.addf %mul3A_12, %get3A_15 : vector<2000x32xf32>
    %get3A_16 = arith.constant 0 : index
    %get3A_17 = vector.load %arg4[%get3A_16] : memref<32xf32, #tpu.memory_space<vmem>>, vector<32xf32>
    %broadcast_in_dim3A = vector.shape_cast %get3A_17 : vector<32xf32> to vector<1x32xf32>
    %add3A_18 = vector.broadcast %broadcast_in_dim3A : vector<1x32xf32> to vector<2000x32xf32>
    %add3A_19 = arith.addf %add3A, %add3A_18 : vector<2000x32xf32>
    %max3A = arith.constant 0.000000e+00 : f32
    %max3A_20 = vector.broadcast %max3A : f32 to vector<2000x32xf32>
    %max3A_21 = arith.maximumf %add3A_19, %max3A_20 : vector<2000x32xf32>
    %swap3A = arith.constant 0 : index
    %swap3A_22 = arith.constant 0 : index
    %swap3A_23 = vector.load %arg8[%swap3A, %swap3A_22] : memref<2000x32xf32, #tpu.memory_space<vmem>>, vector<2000x32xf32>
    tpu.vector_store %arg8[%swap3A, %swap3A_22], %max3A_21 {strides = array<i32>} : memref<2000x32xf32, #tpu.memory_space<vmem>>, vector<2000x32xf32>,
    %get3A_24 = arith.constant 0 : index
    %get3A_25 = arith.constant 0 : index
    %get3A_26 = vector.load %arg5[%get3A_24, %get3A_25] : memref<32x3xf32, #tpu.memory_space<vmem>>, vector<32x3xf32>
    %dot_general3A = arith.constant dense<0.000000e+00> : vector<2000x3xf32>
    %dot_general3A_27 = tpu.matmul %max3A_21, %get3A_26, %dot_general3A {dimension_numbers = #tpu.dot_dimension_numbers<[1], [0], [0], [1], [0, 0, 1, 1], [], []>, transpose_lhs_hint = false} : vector<2000x32xf32>, vector<32x3xf32>, vector<2000x3xf32> -> vector<2000x3xf32>
    %get3A_28 = arith.constant 0 : index
    %get3A_29 = vector.load %arg6[%get3A_28] : memref<3xf32, #tpu.memory_space<vmem>>, vector<3xf32>
    %broadcast_in_dim3A_30 = vector.shape_cast %get3A_29 : vector<3xf32> to vector<1x3xf32>
    %add3A_31 = vector.broadcast %broadcast_in_dim3A_30 : vector<1x3xf32> to vector<2000x3xf32>
    %add3A_32 = arith.addf %dot_general3A_27, %add3A_31 : vector<2000x3xf32>
    %swap3A_33 = arith.constant 0 : index
    %swap3A_34 = arith.constant 0 : index
    %swap3A_35 = vector.load %arg7[%swap3A_33, %swap3A_34] : memref<2000x3xf32, #tpu.memory_space<vmem>>, vector<2000x3xf32>
    tpu.vector_store %arg7[%swap3A_33, %swap3A_34], %add3A_32 {strides = array<i32>} : memref<2000x3xf32, #tpu.memory_space<vmem>>, vector<2000x3xf32>,
    return
  }
  func.func @transform_0(%arg0: i32) -> (i32, i32, i32) {
    %c0_i32 = arith.constant 0 : i32
    %c0_i32_0 = arith.constant 0 : i32
    %c0_i32_1 = arith.constant 0 : i32
    return %c0_i32, %arg0, %c0_i32_0 : i32, i32, i32
  }
  func.func @transform_1(%arg0: i32) -> (i32, i32) {
    %c0_i32 = arith.constant 0 : i32
    %c0_i32_0 = arith.constant 0 : i32
    return %arg0, %c0_i32 : i32, i32
  }
  func.func @transform_2(%arg0: i32) -> (i32, i32) {
    %c0_i32 = arith.constant 0 : i32
    %c0_i32_0 = arith.constant 0 : i32
    return %arg0, %c0_i32 : i32, i32
  }
  func.func @transform_3(%arg0: i32) -> i32 {
    %c0_i32 = arith.constant 0 : i32
    %c0_i32_0 = arith.constant 0 : i32
    return %c0_i32 : i32
  }
  func.func @transform_4(%arg0: i32) -> (i32, i32) {
    %c0_i32 = arith.constant 0 : i32
    %c0_i32_0 = arith.constant 0 : i32
    %c0_i32_1 = arith.constant 0 : i32
    return %c0_i32, %c0_i32_0 : i32, i32
  }
  func.func @transform_5(%arg0: i32) -> i32 {
    %c0_i32 = arith.constant 0 : i32
    %c0_i32_0 = arith.constant 0 : i32
    return %c0_i32 : i32
  }
  func.func @transform_6(%arg0: i32) -> (i32, i32) {
    %c0_i32 = arith.constant 0 : i32
    %c0_i32_0 = arith.constant 0 : i32
    return %arg0, %c0_i32 : i32, i32
  }
  func.func @transform_7(%arg0: i32) -> (i32, i32) {
    %c0_i32 = arith.constant 0 : i32
    %c0_i32_0 = arith.constant 0 : i32
    return %arg0, %c0_i32 : i32, i32
  }
}

</mosaic_0001>

<sc_bundles>
// kernel: kernel.6.cloned.1.call-start
scs
__scs_entry_jumppad:
0x0: {  	(pc) =	sbr.rel $0x88, $3  }
0x1: {  	(tag) =	ssettag $0x0;
	lr =	simm.s32 $0x1  }
0x2: {  	[smem:$0x3F97] =	sst lr;
	_ =	strace $0xD0000000  }
0x3: {  	_ = 	snop  }
0x4: {  	_ = 	snop  }
0x5: {  	_ = 	snop  }
0x6: {  	_ = 	snop  }
0x7: {  	_ = 	snop  }
__scs_overlays_trampoline_lowered:
0x8: {  	[smem:$0x3FA6] =	sst s0  }
0x9: {  	[smem:$0x3FA7] =	sst s1  }
0xa: {  	[smem:$0x3FA8] =	sst s2  }
0xb: {  	[smem:$0x3FA9] =	sst s3  }
0xc: {  	[smem:$0x3FAA] =	sst s4  }
0xd: {  	[smem:$0x3FAB] =	sst s5  }
0xe: {  	[smem:$0x3FAC] =	sst s6  }
0xf: {  	[smem:$0x3FAD] =	sst s7  }
0x10: {  	[smem:$0x3FAE] =	sst s8  }
0x11: {  	[smem:$0x3FAF] =	sst s9;
	s0 =	simm.s32 @!p0 $0x0  }
0x12: {  	s1 =	sld [smem:$0x3F95];
	s0 =	simm.s32 @p0 $0x1  }
0x13: {  	[smem:$0x3FB0] =	sst s0;
	s0 =	simm.s32 @!p1 $0x0  }
0x14: {  	s2 =	sld [smem:$0x3F94];
	s0 =	simm.s32 @p1 $0x1  }
0x15: {  	[smem:$0x3FB1] =	sst s0;
	s0 =	simm.s32 @!p2 $0x0  }
0x16: {  	s3 =	sld [smem:$0x3FDB];
	s0 =	simm.s32 @p2 $0x1  }
0x17: {  	s4 =	simm.s32 $0x1BF5;
	[smem:$0x3FB3] =	sst s0  }
0x18: {  	s0 =	sld [smem:$0x3F96];
	_ =	swait.ge [sflag:s4], $0x0  }
0x19: {  	s7 =	sld [smem:$0x3F97]  }
0x1a: {  	s8 =	sadd.s32 $0xFFFFE003, lr  }
0x1b: {  	s9 =	sadd.s32 $0xFFFFFEF7, lr;
	s5 =	simm.s32 $0xFFFFFFFF;
	p2 =	slt.u32 s8, $0xFFFFF086  }
0x1c: {  	p1 =	slt.u32 s9, $0xF7A;
	s5 =	simm.s32 @!p2 $0x0  }
0x1d: {  	s5 =	simm.s32 @p1 $0x1;
	p0 =	seq.s32 s7, s2  }
0x1e: {  	s7 =	smul.u32 @!p0 $0xF7A, s2;
	p2 =	seq.s32 @!p0 s5, $0x0  }
0x1f: {  	s9 =	smul.u32 $0xF7A, s1;
	s8 =	simm.s32 @!p0 $0x1BF5;
	p2 =	por !p2, p0  }
0x20: {  	[sflag:s8] =	ssyncset.s32 @!p0 $0xFFFFF086;
	s6 =	sadd.s32 @!p0 s3, s7;
	s7 =	simm.s32 @!p0 $0x108  }
0x21: {  	s3 =	sadd.s32 s3, s9;
	s6 =	sadd.s32 @!p0 $0x88, s6;
	s7 =	simm.s32 @p2 $0x1082  }
0x22: {  	[simem:s7], [sflag:s8] =	dma.local @!p0 [hbm:s6], $0xF7A  }
0x23: {  	s9 =	sor.u32 $0xD0000000, s2;
	s6 =	simm.s32 $0x108;
	_ =	swait.ge @!p0 [sflag:s8], $0x0  }
0x24: {  	s3 =	sadd.s32 $0x88, s3;
	s6 =	simm.s32 @!p1 $0x1082;
	[sflag:s4] =	ssyncset.s32 $0xFFFFF086  }
0x25: {  	[simem:s6], [sflag:s4] =	dma.local [hbm:s3], $0xF7A  }
0x26: {  	[smem:$0x3F97] =	sst s1;
	(tag) =	ssettag s2;
	_ =	strace s9  }
0x27: {  	s1 =	sld [smem:$0x3FA7]  }
0x28: {  	s2 =	sld [smem:$0x3FA8]  }
0x29: {  	s4 =	sld [smem:$0x3FAA]  }
0x2a: {  	p0 =	seq.s32 s5, $0x0;
	s5 =	sld [smem:$0x3FAB]  }
0x2b: {  	s6 =	sld [smem:$0x3FAC]  }
0x2c: {  	s7 =	sld [smem:$0x3FAD]  }
0x2d: {  	s3 =	simm.s32 $0x108;
	s8 =	sld [smem:$0x3FAE]  }
0x2e: {  	s3 =	simm.s32 @!p0 $0x1082;
	s9 =	sld [smem:$0x3FAF]  }
0x2f: {  	lr =	sadd.s32 s0, s3;
	s0 =	sld [smem:$0x3FA6]  }
0x30: {  	s3 =	sld [smem:$0x3FA9]  }
0x31: {  	[smem:$0x3FB2] =	sst s10  }
0x32: {  	s10 =	sld [smem:$0x3FB0];
	_ =	sdelay $0x3  }
0x33: {  	p0 =	seq.s32 s10, $0x1;
	s10 =	sld [smem:$0x3FB2];
	_ =	sdelay $0x3  }
0x34: {  	[smem:$0x3FB2] =	sst s10  }
0x35: {  	s10 =	sld [smem:$0x3FB1];
	_ =	sdelay $0x3  }
0x36: {  	p1 =	seq.s32 s10, $0x1;
	s10 =	sld [smem:$0x3FB2];
	_ =	sdelay $0x3  }
0x37: {  	[smem:$0x3FB2] =	sst s10  }
0x38: {  	s10 =	sld [smem:$0x3FB3]  }
0x39: {  	_ = 	snop;
	(pc) =	sbr.ind lr, $3  }
0x3a: {  	_ = 	snop  }
0x3b: {  	_ = 	snop  }
0x3c: {  	p2 =	seq.s32 s10, $0x1;
	s10 =	sld [smem:$0x3FB2]  }
0x3d: {  	_ =	shalt  }
0x3e: {  	_ =	shalt  }
0x3f: {  	_ =	shalt  }
0x40: {  	_ =	shalt  }
0x41: {  	_ =	shalt  }
0x42: {  	_ =	shalt  }
0x43: {  	_ =	shalt  }
0x44: {  	_ =	shalt  }
0x45: {  	_ =	shalt  }
0x46: {  	_ =	shalt  }
0x47: {  	_ =	shalt  }
0x48: {  	_ =	shalt  }
0x49: {  	_ =	shalt  }
0x4a: {  	_ =	shalt  }
0x4b: {  	_ =	shalt  }
0x4c: {  	_ =	shalt  }
0x4d: {  	_ =	shalt  }
0x4e: {  	_ =	shalt  }
0x4f: {  	_ =	shalt  }
0x50: {  	_ =	shalt  }
0x51: {  	_ =	shalt  }
0x52: {  	_ =	shalt  }
0x53: {  	_ =	shalt  }
0x54: {  	_ =	shalt  }
0x55: {  	_ =	shalt  }
0x56: {  	_ =	shalt  }
0x57: {  	_ =	shalt  }
0x58: {  	_ =	shalt  }
0x59: {  	_ =	shalt  }
0x5a: {  	_ =	shalt  }
0x5b: {  	_ =	shalt  }
0x5c: {  	_ =	shalt  }
0x5d: {  	_ =	shalt  }
0x5e: {  	_ =	shalt  }
0x5f: {  	_ =	shalt  }
0x60: {  	_ =	shalt  }
0x61: {  	_ =	shalt  }
0x62: {  	_ =	shalt  }
0x63: {  	_ =	shalt  }
0x64: {  	_ =	shalt  }
0x65: {  	_ =	shalt  }
0x66: {  	_ =	shalt  }
0x67: {  	_ =	shalt  }
0x68: {  	_ =	shalt  }
0x69: {  	_ =	shalt  }
0x6a: {  	_ =	shalt  }
0x6b: {  	_ =	shalt  }
0x6c: {  	_ =	shalt  }
0x6d: {  	_ =	shalt  }
0x6e: {  	_ =	shalt  }
0x6f: {  	_ =	shalt  }
0x70: {  	_ =	shalt  }
0x71: {  	_ =	shalt  }
0x72: {  	_ =	shalt  }
0x73: {  	_ =	shalt  }
0x74: {  	_ =	shalt  }
0x75: {  	_ =	shalt  }
0x76: {  	_ =	shalt  }
0x77: {  	_ =	shalt  }
0x78: {  	_ =	shalt  }
0x79: {  	_ =	shalt  }
0x7a: {  	_ =	shalt  }
0x7b: {  	_ =	shalt  }
0x7c: {  	_ =	shalt  }
0x7d: {  	_ =	shalt  }
0x7e: {  	_ =	shalt  }
0x7f: {  	_ =	shalt  }
0x80: {  	_ =	shalt  }
0x81: {  	_ =	shalt  }
0x82: {  	_ =	shalt  }
0x83: {  	_ =	shalt  }
0x84: {  	_ =	shalt  }
0x85: {  	_ =	shalt  }
0x86: {  	_ =	shalt  }
0x87: {  	_ =	shalt  }
.Lfunc_end0:
.L_simem_size_0:
called_computation_lowered:
.L_overlay_start_0:
0x88: {  	s2 =	sld [smem:$0x3FD9]  }
0x89: {  	s3 =	sld [smem:$0x3FFE];
	_ =	sdelay $0x1  }
0x8a: {  	s1 =	srdreg.scid  }
0x8b: {  	s0 =	sand.u32 $0x1, s1  }
0x8c: {  	s14 =	sshll.u32 s0, $0xA;
	s2 =	sadd.s32 s3, s2  }
0x8d: {  	s2 =	sadd.s32 s2, s14  }
0x8e: {  	[smem:$0x3FBE] =	sst s2  }
0x8f: {  	_ = 	snop  }
0x90: {  	s2 =	sld [smem:$0x3FD0];
	_ =	sdelay $0x2  }
0x91: {  	s15 =	simm.s32 $0xA;
	s4 =	simm.s32 $0x10  }
0x92: {  	[smem:s4], [sflag:s15] =	dma.local [hbm:s2], $0x1  }
0x93: {  	_ =	swait.eq [sflag:s15], $0x1  }
0x94: {  	[sflag:s15] =	ssyncset.done $0x0  }
0x95: {  	s16 =	sld [smem:$0x10];
	[sflag:s15] =	ssyncadd.s32 $0xFFFFFFFF  }
0x96: {  	s17 =	sld [smem:$0x11];
	(tm) =	ssettm $0x1  }
0x97: {  	s18 =	sld [smem:$0x3FFB];
	_ =	sdelay $0x3  }
0x98: {  	_ =	strace s18  }
0x99: {  	s4 =	sld [smem:$0x3FFC];
	_ =	sdelay $0x3  }
0x9a: {  	_ =	strace s4  }
0x9b: {  	s4 =	sld [smem:$0x3FFD];
	_ =	sdelay $0x3  }
0x9c: {  	_ =	strace s4  }
0x9d: {  	_ =	strace $0x8FFFFFFF  }
0x9e: {  	s19 =	sld [smem:$0x3FDB];
	_ =	sdelay $0x1  }
0x9f: {  	s5 =	simm.s32 $_scs_section_size  }
0xa0: {  	s6 =	simm.s32 $_size__tile_overlayer_lowered;
	s7 =	simm.s32 $_tile_overlayer_lowered  }
0xa1: {  	s22 =	simm.s32 $0x1BFF;
	s21 =	sshll.u32 s7, $0x1;
	s4 =	sadd.s32 s5, s19  }
0xa2: {  	s8 =	simm.s32 $0x0;
	s20 =	sshll.u32 s6, $0x1;
	s6 =	sadd.s32 s21, s4  }
0xa3: {  	[timem:s8], [sflag:s22] =	dma.local [hbm:s6], s20  }
0xa4: {  	_ =	swait.ge [sflag:s22], s20  }
0xa5: {  	s5 =	ssub.s32 $0x0, s20;
	[sflag:s22] =	ssyncset.done $0x0  }
0xa6: {  	[sflag:s22] =	ssyncadd.s32 s5;
	_ =	sdelay $0x1  }
0xa7: {  	s23 =	simm.s32 $0x1B8B  }
0xa8: {  	_ =	swait.ge [sflag:s23], $0x1  }
0xa9: {  	[sflag:s23] =	ssyncset.done $0x0  }
0xaa: {  	s25 =	simm.s32 $0x1B8E;
	s24 =	sld [smem:$0x3FFE];
	[sflag:s23] =	ssyncadd.s32 $0xFFFFFFFF  }
0xab: {  	s26 =	simm.s32 $execute0_lowered;
	[smem:$0x3FD2] =	sst s25  }
0xac: {  	s6 =	sshll.u32 s26, $0x1;
	_ =	strace $0x80000046;
	[dreg:$0x1] =	wrdreg $0xFFFFFFFF  }
0xad: {  	s28 =	simm.s32 $_size_execute0_lowered;
	s4 =	sadd.s32 s4, s6;
	[dreg:$0x0] =	wrdreg $0x0  }
0xae: {  	s6 =	sshll.u32 s28, $0x1;
	[dreg:$0x2] =	wrdreg s4  }
0xaf: {  	[dreg:$0x3] =	wrdreg s6  }
0xb0: {  	[dreg:$0x4] =	wrdreg $0xC0  }
0xb1: {  	_ =	task [dreg:s8], $0x5FFFF  }
0xb2: {  	[dreg:$0x1] =	wrdreg $0xFFFFFFFF  }
0xb3: {  	[dreg:$0x0] =	wrdreg $0x60  }
0xb4: {  	[dreg:$0x2] =	wrdreg s24  }
0xb5: {  	[dreg:$0x3] =	wrdreg s16  }
0xb6: {  	[dreg:$0x4] =	wrdreg s17  }
0xb7: {  	[dreg:$0x5] =	wrdreg $0x0  }
0xb8: {  	[dreg:$0x6] =	wrdreg $0x9  }
0xb9: {  	_ =	task.clear_ibuf [dreg:s8], $0x7FFFF;
	_ =	strace $0x90000046  }
0xba: {  	s29 =	simm.s32 $0x9;
	_ =	strace $0x80000048  }
0xbb: {  	_ =	swait.ge [sflag:s29], $0x1  }
0xbc: {  	[sflag:s29] =	ssyncadd.s32 $0xFFFFFFFF  }
0xbd: {  	_ =	strace $0x90000048  }
0xbe: {  	_ =	sfence  }
0xbf: {  	s30 =	sld [smem:$0x0];
	_ =	sdelay $0x2  }
0xc0: {  	s31 =	sshll.u32 s1, $0xD;
	s1 =	sshrl.u32 s1, $0x2  }
0xc1: {  	s3 =	sand.u32 $0x4000, s31;
	s1 =	sadd.s32 s1, s30  }
0xc2: {  	s0 =	sor.u32 s3, s0;
	s1 =	sshll.u32 s1, $0x11  }
0xc3: {  	s0 =	sor.u32 s1, s0  }
0xc4: {  	s0 =	sadd.s32 $0x8F2B, s0  }
0xc5: {  	[sflag:s0] =	ssyncadd.remote.s32 $0x1  }
0xc6: {  	_ =	sfence.sel $0xFFFF  }
0xc7: {  	[dreg:$0x0] =	wrdreg $0xFFFFFFFF;
	(pc) =	sbr.abs _section_cstart, $3  }
0xc8: {  	[dreg:$0x1] =	wrdreg $0xFFFFFFFF  }
0xc9: {  	_ =	task.clear_ibuf [dreg:s8], $0x2FFFF;
	_ =	strace $0x9FFFFFFF  }
0xca: {  	(tm) =	ssettm $0x7FFFFFFF  }
0xcb: {  	_ =	shalt  }
tec
execute0_lowered:
.L_overlay_start_1:
0x0: {  	(tag) =	ssettag $0x1  }
0x1: {  	s0 =	rddreg [dreg:$0x0]  }
0x2: {  	s1 =	rddreg [dreg:$0x2]  }
0x3: {  	s3 =	rddreg [dreg:$0x3]  }
0x4: {  	s2 =	srdreg.scid;
	s10 =	stileid.u32;
	s4 =	simm.s32 $0x0  }
0x5: {  	s11 =	simm.s32 $0x18700;
	s12 =	simm.s32 $0x18B00;
	s13 =	simm.s32 $0x80  }
0x6: {  	s14 =	simm.s32 $0x18F00;
	s23 =	simm.s32 $0x18780;
	s15 =	simm.s32 $0x19700  }
0x7: {  	s24 =	simm.s32 $0x18800;
	s16 =	simm.s32 $0x19F00;
	s25 =	simm.s32 $0x18880  }
0x8: {  	s17 =	simm.s32 $0x1A700;
	s26 =	simm.s32 $0x18900;
	s28 =	simm.s32 $0x18C00  }
0x9: {  	s29 =	simm.s32 $0x18C80;
	s30 =	simm.s32 $0x18D00;
	s31 =	simm.s32 $0x18D80  }
0xa: {  	s2 =	sand.u32 $0x1, s2;
	s5 =	smul.u32 $0x19000, s10;
	[smem:$0x7FF] =	sst s4  }
0xb: {  	s7 =	smul.u32 $0x18700, s10;
	_ =	strace $0x80000047;
	[dreg:$0x7] =	wrdreg s23  }
0xc: {  	s20 =	sshll.u32 s10, $0x6;
	s10 =	simm.s32 $0x3;
	[dreg:$0x8] =	wrdreg s24  }
0xd: {  	s6 =	smul.u32 $0xC800, s2;
	s18 =	ssub.s32 $0x2, s2;
	[dreg:$0x9] =	wrdreg s25  }
0xe: {  	s2 =	smul.u32 $0x187000, s2;
	[dreg:$0xa] =	wrdreg s26;
	s23 =	simm.s32 $0x18A80  }
0xf: {  	s24 =	simm.s32 $0x1C700;
	s25 =	simm.s32 $0x1;
	s26 =	simm.s32 $0x18B80  }
0x10: {  	s9 =	sshrl.u32 s18, $0x1;
	s19 =	sadd.s32 s7, s3;
	s5 =	sadd.s32 s6, s5  }
0x11: {  	s6 =	ssub.s32 s18, s9;
	s2 =	sadd.s32 s7, s2;
	s9 =	sor.u32 $0x1C03, s20  }
0x12: {  	s7 =	sshrl.u32 s19, $0x3;
	s18 =	simm.s32 $0x1AF00;
	s19 =	simm.s32 $0x18980  }
0x13: {  	s20 =	simm.s32 $0x1B700;
	s8 =	sshrl.u32 s5, $0x3;
	s5 =	sadd.s32 $0x188000, s0  }
0x14: {  	s2 =	sshrl.u32 s2, $0x3;
	s22 =	smax.u32 s6, $0x1;
	[dreg:$0xb] =	wrdreg s9  }
0x15: {  	[dreg:$0xe] =	wrdreg s7;
	s0 =	sadd.s32 s8, s0;
	s1 =	sadd.s32 s1, s2  }
0x16: {  	[dreg:$0xd] =	wrdreg s22;
	s22 =	simm.s32 $0x1BF00;
	s2 =	simm.s32 $0x18E80  }
0x17: {  	s8 =	simm.s32 $0x0;
	s21 =	sadd.s32 $0x1B8E00, s0;
	[dreg:$0xc] =	wrdreg s1  }
0x18: {  	s0 =	sadd.s32 $0x1EAE00, s0;
	s1 =	simm.s32 $0x2;
	[dreg:$0x5] =	wrdreg s21  }
0x19: {  	[dreg:$0x6] =	wrdreg s0;
	s21 =	simm.s32 $0x18A00;
	s0 =	simm.s32 $0x18E00  }
.LBB2_1:
0x1a: {  	[dreg:$0xf] =	wrdreg s8  }
0x1b: {  	s6 =	rddreg [dreg:$0x1]  }
0x1c: {  	[spmem:s7], [sflag:s9] =	dma.local [hbm:s6], $0x30E0  }
0x1d: {  	_ =	swait.ge [sflag:s10], $0x30E0  }
0x1e: {  	[sflag:s10] =	ssyncset.done $0x0  }
0x1f: {  	[sflag:s10] =	ssyncadd.s32 $0xFFFFCF20  }
0x20: {  	[bflag:$0x0] =	sbarrier.arrive $0xFFFF  }
0x21: {  	s9 =	rddreg [dreg:$0x6]  }
0x22: {  	s6 =	sadd.s32 $0x0, s9  }
0x23: {  	[tilespmem:s11], [sflag:$0x3] =	stream.linear.gather [hbm4b:s6+s4], $0x400, $0x38;
	[tilespmem:$0x1CF00] =	vst v63  }
0x24: {  	_ =	swait.ge [sflag:s10], $0x400  }
0x25: {  	s7 =	rddreg [dreg:$0x5];
	[sflag:s10] =	ssyncset.done $0x0  }
0x26: {  	[sflag:s10] =	ssyncadd.s32 $0xFFFFFC00;
	s6 =	sadd.s32 $0x0, s7  }
0x27: {  	[tilespmem:s12], [sflag:$0x3] =	stream.linear.gather [hbm4b:s6+s4], $0x400, $0x38;
	[tilespmem:$0x1CF00] =	vst v63  }
0x28: {  	_ =	swait.ge [sflag:s10], $0x400  }
0x29: {  	[sflag:s10] =	ssyncset.done $0x0  }
0x2a: {  	[sflag:s10] =	ssyncadd.s32 $0xFFFFFC00  }
0x2b: {  	[tilespmem:s14], [sflag:$0x1] =	stream.indirect.gather [hbm4b:s5+s13], $0x10, s11, s13, $0xb8;
	[tilespmem:$0x1CF00] =	vst v63  }
0x2c: {  	s8 =	rddreg [dreg:$0x7]  }
0x2d: {  	[tilespmem:s15], [sflag:$0x1] =	stream.indirect.gather [hbm4b:s5+s13], $0x10, s8, s13, $0xb8;
	[tilespmem:$0x1CF00] =	vst v63  }
0x2e: {  	s9 =	rddreg [dreg:$0x8]  }
0x2f: {  	[tilespmem:s16], [sflag:$0x1] =	stream.indirect.gather [hbm4b:s5+s13], $0x10, s9, s13, $0xb8;
	[tilespmem:$0x1CF00] =	vst v63  }
0x30: {  	s7 =	rddreg [dreg:$0x9]  }
0x31: {  	[tilespmem:s17], [sflag:$0x1] =	stream.indirect.gather [hbm4b:s5+s13], $0x10, s7, s13, $0xb8;
	[tilespmem:$0x1CF00] =	vst v63  }
0x32: {  	s9 =	rddreg [dreg:$0xa]  }
0x33: {  	[tilespmem:s18], [sflag:$0x1] =	stream.indirect.gather [hbm4b:s5+s13], $0x10, s9, s13, $0xb8;
	[tilespmem:$0x1CF00] =	vst v63  }
0x34: {  	_ = 	snop  }
0x35: {  	[tilespmem:s20], [sflag:$0x1] =	stream.indirect.gather [hbm4b:s5+s13], $0x10, s19, s13, $0xb8;
	[tilespmem:$0x1CF00] =	vst v63  }
0x36: {  	_ = 	snop  }
0x37: {  	[tilespmem:s22], [sflag:$0x1] =	stream.indirect.gather [hbm4b:s5+s13], $0x10, s21, s13, $0xb8;
	[tilespmem:$0x1CF00] =	vst v63  }
0x38: {  	_ = 	snop  }
0x39: {  	[tilespmem:s24], [sflag:$0x1] =	stream.indirect.gather [hbm4b:s5+s13], $0x10, s23, s13, $0xb8;
	[tilespmem:$0x1CF00] =	vst v63  }
0x3a: {  	_ =	swait.ge [sflag:s25], $0x800  }
0x3b: {  	[sflag:s25] =	ssyncset.done $0x0  }
0x3c: {  	[sflag:s25] =	ssyncadd.s32 $0xFFFFF800  }
0x3d: {  	_ =	swait.ge [sflag:s25], $0x800  }
0x3e: {  	[sflag:s25] =	ssyncset.done $0x0  }
0x3f: {  	[sflag:s25] =	ssyncadd.s32 $0xFFFFF800  }
0x40: {  	_ =	swait.ge [sflag:s25], $0x800  }
0x41: {  	[sflag:s25] =	ssyncset.done $0x0  }
0x42: {  	[sflag:s25] =	ssyncadd.s32 $0xFFFFF800  }
0x43: {  	_ =	swait.ge [sflag:s25], $0x800  }
0x44: {  	[sflag:s25] =	ssyncset.done $0x0  }
0x45: {  	[sflag:s25] =	ssyncadd.s32 $0xFFFFF800  }
0x46: {  	_ =	swait.ge [sflag:s25], $0x800  }
0x47: {  	[sflag:s25] =	ssyncset.done $0x0  }
0x48: {  	[sflag:s25] =	ssyncadd.s32 $0xFFFFF800  }
0x49: {  	_ =	swait.ge [sflag:s25], $0x800  }
0x4a: {  	[sflag:s25] =	ssyncset.done $0x0  }
0x4b: {  	[sflag:s25] =	ssyncadd.s32 $0xFFFFF800  }
0x4c: {  	_ =	swait.ge [sflag:s25], $0x800  }
0x4d: {  	[sflag:s25] =	ssyncset.done $0x0  }
0x4e: {  	[sflag:s25] =	ssyncadd.s32 $0xFFFFF800  }
0x4f: {  	_ =	swait.ge [sflag:s25], $0x800  }
0x50: {  	[sflag:s25] =	ssyncset.done $0x0  }
0x51: {  	[sflag:s25] =	ssyncadd.s32 $0xFFFFF800  }
0x52: {  	[spmem:s3] =	stream.indirect.scatter.add.f32 [tilespmem:s14], [sflag:$0x2], $0x10, s12, s13, $0xb8;
	[tilespmem:$0x1CF00] =	vst v63  }
0x53: {  	_ = 	snop  }
0x54: {  	[spmem:s3] =	stream.indirect.scatter.add.f32 [tilespmem:s15], [sflag:$0x2], $0x10, s26, s13, $0xb8;
	[tilespmem:$0x1CF00] =	vst v63  }
0x55: {  	_ = 	snop  }
0x56: {  	[spmem:s3] =	stream.indirect.scatter.add.f32 [tilespmem:s16], [sflag:$0x2], $0x10, s28, s13, $0xb8;
	[tilespmem:$0x1CF00] =	vst v63  }
0x57: {  	_ = 	snop  }
0x58: {  	[spmem:s3] =	stream.indirect.scatter.add.f32 [tilespmem:s17], [sflag:$0x2], $0x10, s29, s13, $0xb8;
	[tilespmem:$0x1CF00] =	vst v63  }
0x59: {  	_ = 	snop  }
0x5a: {  	[spmem:s3] =	stream.indirect.scatter.add.f32 [tilespmem:s18], [sflag:$0x2], $0x10, s30, s13, $0xb8;
	[tilespmem:$0x1CF00] =	vst v63  }
0x5b: {  	_ = 	snop  }
0x5c: {  	[spmem:s3] =	stream.indirect.scatter.add.f32 [tilespmem:s20], [sflag:$0x2], $0x10, s31, s13, $0xb8;
	[tilespmem:$0x1CF00] =	vst v63  }
0x5d: {  	_ = 	snop  }
0x5e: {  	[spmem:s3] =	stream.indirect.scatter.add.f32 [tilespmem:s22], [sflag:$0x2], $0x10, s0, s13, $0xb8;
	[tilespmem:$0x1CF00] =	vst v63  }
0x5f: {  	_ = 	snop  }
0x60: {  	[spmem:s3] =	stream.indirect.scatter.add.f32 [tilespmem:s24], [sflag:$0x2], $0x10, s2, s13, $0xb8;
	[tilespmem:$0x1CF00] =	vst v63  }
0x61: {  	_ =	swait.ge [sflag:s1], $0x800  }
0x62: {  	[sflag:s1] =	ssyncset.done $0x0  }
0x63: {  	[sflag:s1] =	ssyncadd.s32 $0xFFFFF800  }
0x64: {  	_ =	swait.ge [sflag:s1], $0x800  }
0x65: {  	[sflag:s1] =	ssyncset.done $0x0  }
0x66: {  	[sflag:s1] =	ssyncadd.s32 $0xFFFFF800  }
0x67: {  	_ =	swait.ge [sflag:s1], $0x800  }
0x68: {  	[sflag:s1] =	ssyncset.done $0x0  }
0x69: {  	[sflag:s1] =	ssyncadd.s32 $0xFFFFF800  }
0x6a: {  	_ =	swait.ge [sflag:s1], $0x800  }
0x6b: {  	[sflag:s1] =	ssyncset.done $0x0  }
0x6c: {  	[sflag:s1] =	ssyncadd.s32 $0xFFFFF800  }
0x6d: {  	_ =	swait.ge [sflag:s1], $0x800  }
0x6e: {  	[sflag:s1] =	ssyncset.done $0x0  }
0x6f: {  	[sflag:s1] =	ssyncadd.s32 $0xFFFFF800  }
0x70: {  	_ =	swait.ge [sflag:s1], $0x800  }
0x71: {  	[sflag:s1] =	ssyncset.done $0x0  }
0x72: {  	[sflag:s1] =	ssyncadd.s32 $0xFFFFF800  }
0x73: {  	_ =	swait.ge [sflag:s1], $0x800  }
0x74: {  	[sflag:s1] =	ssyncset.done $0x0  }
0x75: {  	[sflag:s1] =	ssyncadd.s32 $0xFFFFF800  }
0x76: {  	s6 =	simm.s32 $0x100;
	_ =	swait.ge [sflag:s1], $0x800  }
0x77: {  	s8 =	simm.s32 $0x80;
	s9 =	rddreg [dreg:$0x6];
	[sflag:s1] =	ssyncset.done $0x0  }
.LBB2_2:
0x78: {  	[sflag:s1] =	ssyncadd.s32 $0xFFFFF800;
	s9 =	sadd.s32 s8, s9  }
0x79: {  	[tilespmem:s11], [sflag:$0x3] =	stream.linear.gather [hbm4b:s9+s4], $0x400, $0x38;
	[tilespmem:$0x1CF00] =	vst v63  }
0x7a: {  	_ =	swait.ge [sflag:s10], $0x400  }
0x7b: {  	s9 =	rddreg [dreg:$0x5];
	[sflag:s10] =	ssyncset.done $0x0  }
0x7c: {  	[sflag:s10] =	ssyncadd.s32 $0xFFFFFC00;
	s9 =	sadd.s32 s8, s9  }
0x7d: {  	[tilespmem:s12], [sflag:$0x3] =	stream.linear.gather [hbm4b:s9+s4], $0x400, $0x38;
	[tilespmem:$0x1CF00] =	vst v63  }
0x7e: {  	_ =	swait.ge [sflag:s10], $0x400  }
0x7f: {  	[sflag:s10] =	ssyncset.done $0x0  }
0x80: {  	s7 =	smov.u32 s6;
	[sflag:s10] =	ssyncadd.s32 $0xFFFFFC00  }
0x81: {  	[tilespmem:s14], [sflag:$0x1] =	stream.indirect.gather [hbm4b:s5+s13], $0x10, s11, s13, $0xb8;
	[tilespmem:$0x1CF00] =	vst v63  }
0x82: {  	s8 =	smov.u32 s7;
	s7 =	rddreg [dreg:$0x7]  }
0x83: {  	[tilespmem:s15], [sflag:$0x1] =	stream.indirect.gather [hbm4b:s5+s13], $0x10, s7, s13, $0xb8;
	[tilespmem:$0x1CF00] =	vst v63  }
0x84: {  	s9 =	rddreg [dreg:$0x8]  }
0x85: {  	[tilespmem:s16], [sflag:$0x1] =	stream.indirect.gather [hbm4b:s5+s13], $0x10, s9, s13, $0xb8;
	[tilespmem:$0x1CF00] =	vst v63  }
0x86: {  	s7 =	rddreg [dreg:$0x9]  }
0x87: {  	[tilespmem:s17], [sflag:$0x1] =	stream.indirect.gather [hbm4b:s5+s13], $0x10, s7, s13, $0xb8;
	[tilespmem:$0x1CF00] =	vst v63  }
0x88: {  	s9 =	rddreg [dreg:$0xa]  }
0x89: {  	[tilespmem:s18], [sflag:$0x1] =	stream.indirect.gather [hbm4b:s5+s13], $0x10, s9, s13, $0xb8;
	[tilespmem:$0x1CF00] =	vst v63  }
0x8a: {  	_ = 	snop  }
0x8b: {  	[tilespmem:s20], [sflag:$0x1] =	stream.indirect.gather [hbm4b:s5+s13], $0x10, s19, s13, $0xb8;
	[tilespmem:$0x1CF00] =	vst v63  }
0x8c: {  	_ = 	snop  }
0x8d: {  	[tilespmem:s22], [sflag:$0x1] =	stream.indirect.gather [hbm4b:s5+s13], $0x10, s21, s13, $0xb8;
	[tilespmem:$0x1CF00] =	vst v63  }
0x8e: {  	_ = 	snop  }
0x8f: {  	[tilespmem:s24], [sflag:$0x1] =	stream.indirect.gather [hbm4b:s5+s13], $0x10, s23, s13, $0xb8;
	[tilespmem:$0x1CF00] =	vst v63  }
0x90: {  	_ =	swait.ge [sflag:s25], $0x800  }
0x91: {  	[sflag:s25] =	ssyncset.done $0x0  }
0x92: {  	[sflag:s25] =	ssyncadd.s32 $0xFFFFF800  }
0x93: {  	_ =	swait.ge [sflag:s25], $0x800  }
0x94: {  	[sflag:s25] =	ssyncset.done $0x0  }
0x95: {  	[sflag:s25] =	ssyncadd.s32 $0xFFFFF800  }
0x96: {  	_ =	swait.ge [sflag:s25], $0x800  }
0x97: {  	[sflag:s25] =	ssyncset.done $0x0  }
0x98: {  	[sflag:s25] =	ssyncadd.s32 $0xFFFFF800  }
0x99: {  	_ =	swait.ge [sflag:s25], $0x800  }
0x9a: {  	[sflag:s25] =	ssyncset.done $0x0  }
0x9b: {  	[sflag:s25] =	ssyncadd.s32 $0xFFFFF800  }
0x9c: {  	_ =	swait.ge [sflag:s25], $0x800  }
0x9d: {  	[sflag:s25] =	ssyncset.done $0x0  }
0x9e: {  	[sflag:s25] =	ssyncadd.s32 $0xFFFFF800  }
0x9f: {  	_ =	swait.ge [sflag:s25], $0x800  }
0xa0: {  	[sflag:s25] =	ssyncset.done $0x0  }
0xa1: {  	[sflag:s25] =	ssyncadd.s32 $0xFFFFF800  }
0xa2: {  	_ =	swait.ge [sflag:s25], $0x800  }
0xa3: {  	[sflag:s25] =	ssyncset.done $0x0  }
0xa4: {  	[sflag:s25] =	ssyncadd.s32 $0xFFFFF800  }
0xa5: {  	_ =	swait.ge [sflag:s25], $0x800  }
0xa6: {  	[sflag:s25] =	ssyncset.done $0x0  }
0xa7: {  	[sflag:s25] =	ssyncadd.s32 $0xFFFFF800  }
0xa8: {  	[spmem:s3] =	stream.indirect.scatter.add.f32 [tilespmem:s14], [sflag:$0x2], $0x10, s12, s13, $0xb8;
	[tilespmem:$0x1CF00] =	vst v63  }
0xa9: {  	_ = 	snop  }
0xaa: {  	[spmem:s3] =	stream.indirect.scatter.add.f32 [tilespmem:s15], [sflag:$0x2], $0x10, s26, s13, $0xb8;
	[tilespmem:$0x1CF00] =	vst v63  }
0xab: {  	_ = 	snop  }
0xac: {  	[spmem:s3] =	stream.indirect.scatter.add.f32 [tilespmem:s16], [sflag:$0x2], $0x10, s28, s13, $0xb8;
	[tilespmem:$0x1CF00] =	vst v63  }
0xad: {  	_ = 	snop  }
0xae: {  	[spmem:s3] =	stream.indirect.scatter.add.f32 [tilespmem:s17], [sflag:$0x2], $0x10, s29, s13, $0xb8;
	[tilespmem:$0x1CF00] =	vst v63  }
0xaf: {  	_ = 	snop  }
0xb0: {  	[spmem:s3] =	stream.indirect.scatter.add.f32 [tilespmem:s18], [sflag:$0x2], $0x10, s30, s13, $0xb8;
	[tilespmem:$0x1CF00] =	vst v63  }
0xb1: {  	_ = 	snop  }
0xb2: {  	[spmem:s3] =	stream.indirect.scatter.add.f32 [tilespmem:s20], [sflag:$0x2], $0x10, s31, s13, $0xb8;
	[tilespmem:$0x1CF00] =	vst v63  }
0xb3: {  	_ = 	snop  }
0xb4: {  	[spmem:s3] =	stream.indirect.scatter.add.f32 [tilespmem:s22], [sflag:$0x2], $0x10, s0, s13, $0xb8;
	[tilespmem:$0x1CF00] =	vst v63  }
0xb5: {  	_ = 	snop  }
0xb6: {  	[spmem:s3] =	stream.indirect.scatter.add.f32 [tilespmem:s24], [sflag:$0x2], $0x10, s2, s13, $0xb8;
	[tilespmem:$0x1CF00] =	vst v63  }
0xb7: {  	_ =	swait.ge [sflag:s1], $0x800  }
0xb8: {  	[sflag:s1] =	ssyncset.done $0x0  }
0xb9: {  	[sflag:s1] =	ssyncadd.s32 $0xFFFFF800  }
0xba: {  	_ =	swait.ge [sflag:s1], $0x800  }
0xbb: {  	[sflag:s1] =	ssyncset.done $0x0  }
0xbc: {  	[sflag:s1] =	ssyncadd.s32 $0xFFFFF800  }
0xbd: {  	_ =	swait.ge [sflag:s1], $0x800  }
0xbe: {  	[sflag:s1] =	ssyncset.done $0x0  }
0xbf: {  	[sflag:s1] =	ssyncadd.s32 $0xFFFFF800  }
0xc0: {  	_ =	swait.ge [sflag:s1], $0x800  }
0xc1: {  	[sflag:s1] =	ssyncset.done $0x0  }
0xc2: {  	[sflag:s1] =	ssyncadd.s32 $0xFFFFF800  }
0xc3: {  	_ =	swait.ge [sflag:s1], $0x800  }
0xc4: {  	[sflag:s1] =	ssyncset.done $0x0  }
0xc5: {  	[sflag:s1] =	ssyncadd.s32 $0xFFFFF800  }
0xc6: {  	_ =	swait.ge [sflag:s1], $0x800  }
0xc7: {  	[sflag:s1] =	ssyncset.done $0x0  }
0xc8: {  	p0 =	sne.s32 s6, $0x1880;
	[sflag:s1] =	ssyncadd.s32 $0xFFFFF800  }
.Ltmp0:
0xc9: {  	_ =	swait.ge [sflag:s1], $0x800;
	(pc) =	sbr.rel @p0 .LBB2_2-.Ltmp0, $4  }
0xca: {  	[sflag:s1] =	ssyncset.done $0x0  }
0xcb: {  	[sflag:s1] =	ssyncadd.s32 $0xFFFFF800  }
0xcc: {  	_ =	swait.ge [sflag:s1], $0x800  }
0xcd: {  	s6 =	sadd.s32 $0x80, s6;
	s9 =	rddreg [dreg:$0x6];
	[sflag:s1] =	ssyncset.done $0x0  }
0xce: {  	[sflag:s1] =	ssyncadd.s32 $0xFFFFF800;
	s6 =	sadd.s32 s8, s9  }
0xcf: {  	[tilespmem:s11], [sflag:$0x3] =	stream.linear.gather [hbm4b:s6+s4], $0x400, $0x38;
	[tilespmem:$0x1CF00] =	vst v63  }
0xd0: {  	_ =	swait.ge [sflag:s10], $0x400  }
0xd1: {  	s7 =	rddreg [dreg:$0x5];
	[sflag:s10] =	ssyncset.done $0x0  }
0xd2: {  	[sflag:s10] =	ssyncadd.s32 $0xFFFFFC00;
	s6 =	sadd.s32 s8, s7  }
0xd3: {  	[tilespmem:s12], [sflag:$0x3] =	stream.linear.gather [hbm4b:s6+s4], $0x400, $0x38;
	[tilespmem:$0x1CF00] =	vst v63  }
0xd4: {  	_ =	swait.ge [sflag:s10], $0x400  }
0xd5: {  	[sflag:s10] =	ssyncset.done $0x0  }
0xd6: {  	[sflag:s10] =	ssyncadd.s32 $0xFFFFFC00  }
0xd7: {  	[tilespmem:s14], [sflag:$0x1] =	stream.indirect.gather [hbm4b:s5+s13], $0x10, s11, s13, $0xb8;
	[tilespmem:$0x1CF00] =	vst v63  }
0xd8: {  	s9 =	rddreg [dreg:$0x7]  }
0xd9: {  	[tilespmem:s15], [sflag:$0x1] =	stream.indirect.gather [hbm4b:s5+s13], $0x10, s9, s13, $0xb8;
	[tilespmem:$0x1CF00] =	vst v63  }
0xda: {  	s7 =	rddreg [dreg:$0x8]  }
0xdb: {  	[tilespmem:s16], [sflag:$0x1] =	stream.indirect.gather [hbm4b:s5+s13], $0x10, s7, s13, $0xb8;
	[tilespmem:$0x1CF00] =	vst v63  }
0xdc: {  	s8 =	rddreg [dreg:$0x9]  }
0xdd: {  	[tilespmem:s17], [sflag:$0x1] =	stream.indirect.gather [hbm4b:s5+s13], $0x10, s8, s13, $0xb8;
	[tilespmem:$0x1CF00] =	vst v63  }
0xde: {  	s9 =	rddreg [dreg:$0xa]  }
0xdf: {  	[tilespmem:s18], [sflag:$0x1] =	stream.indirect.gather [hbm4b:s5+s13], $0x10, s9, s13, $0xb8;
	[tilespmem:$0x1CF00] =	vst v63  }
0xe0: {  	_ = 	snop  }
0xe1: {  	[tilespmem:s20], [sflag:$0x1] =	stream.indirect.gather [hbm4b:s5+s13], $0x10, s19, s13, $0xb8;
	[tilespmem:$0x1CF00] =	vst v63  }
0xe2: {  	_ = 	snop  }
0xe3: {  	[tilespmem:s22], [sflag:$0x1] =	stream.indirect.gather [hbm4b:s5+s13], $0x10, s21, s13, $0xb8;
	[tilespmem:$0x1CF00] =	vst v63  }
0xe4: {  	_ = 	snop  }
0xe5: {  	[tilespmem:s24], [sflag:$0x1] =	stream.indirect.gather [hbm4b:s5+s13], $0x10, s23, s13, $0xb8;
	[tilespmem:$0x1CF00] =	vst v63  }
0xe6: {  	_ =	swait.ge [sflag:s25], $0x800  }
0xe7: {  	[sflag:s25] =	ssyncset.done $0x0  }
0xe8: {  	[sflag:s25] =	ssyncadd.s32 $0xFFFFF800  }
0xe9: {  	_ =	swait.ge [sflag:s25], $0x800  }
0xea: {  	[sflag:s25] =	ssyncset.done $0x0  }
0xeb: {  	[sflag:s25] =	ssyncadd.s32 $0xFFFFF800  }
0xec: {  	_ =	swait.ge [sflag:s25], $0x800  }
0xed: {  	[sflag:s25] =	ssyncset.done $0x0  }
0xee: {  	[sflag:s25] =	ssyncadd.s32 $0xFFFFF800  }
0xef: {  	_ =	swait.ge [sflag:s25], $0x800  }
0xf0: {  	[sflag:s25] =	ssyncset.done $0x0  }
0xf1: {  	[sflag:s25] =	ssyncadd.s32 $0xFFFFF800  }
0xf2: {  	_ =	swait.ge [sflag:s25], $0x800  }
0xf3: {  	[sflag:s25] =	ssyncset.done $0x0  }
0xf4: {  	[sflag:s25] =	ssyncadd.s32 $0xFFFFF800  }
0xf5: {  	_ =	swait.ge [sflag:s25], $0x800  }
0xf6: {  	[sflag:s25] =	ssyncset.done $0x0  }
0xf7: {  	[sflag:s25] =	ssyncadd.s32 $0xFFFFF800  }
0xf8: {  	_ =	swait.ge [sflag:s25], $0x800  }
0xf9: {  	[sflag:s25] =	ssyncset.done $0x0  }
0xfa: {  	[sflag:s25] =	ssyncadd.s32 $0xFFFFF800  }
0xfb: {  	_ =	swait.ge [sflag:s25], $0x800  }
0xfc: {  	[sflag:s25] =	ssyncset.done $0x0  }
0xfd: {  	[sflag:s25] =	ssyncadd.s32 $0xFFFFF800  }
0xfe: {  	[spmem:s3] =	stream.indirect.scatter.add.f32 [tilespmem:s14], [sflag:$0x2], $0x10, s12, s13, $0xb8;
	[tilespmem:$0x1CF00] =	vst v63  }
0xff: {  	_ = 	snop  }
0x100: {  	[spmem:s3] =	stream.indirect.scatter.add.f32 [tilespmem:s15], [sflag:$0x2], $0x10, s26, s13, $0xb8;
	[tilespmem:$0x1CF00] =	vst v63  }
0x101: {  	_ = 	snop  }
0x102: {  	[spmem:s3] =	stream.indirect.scatter.add.f32 [tilespmem:s16], [sflag:$0x2], $0x10, s28, s13, $0xb8;
	[tilespmem:$0x1CF00] =	vst v63  }
0x103: {  	_ = 	snop  }
0x104: {  	[spmem:s3] =	stream.indirect.scatter.add.f32 [tilespmem:s17], [sflag:$0x2], $0x10, s29, s13, $0xb8;
	[tilespmem:$0x1CF00] =	vst v63  }
0x105: {  	_ = 	snop  }
0x106: {  	[spmem:s3] =	stream.indirect.scatter.add.f32 [tilespmem:s18], [sflag:$0x2], $0x10, s30, s13, $0xb8;
	[tilespmem:$0x1CF00] =	vst v63  }
0x107: {  	_ = 	snop  }
0x108: {  	[spmem:s3] =	stream.indirect.scatter.add.f32 [tilespmem:s20], [sflag:$0x2], $0x10, s31, s13, $0xb8;
	[tilespmem:$0x1CF00] =	vst v63  }
0x109: {  	_ = 	snop  }
0x10a: {  	[spmem:s3] =	stream.indirect.scatter.add.f32 [tilespmem:s22], [sflag:$0x2], $0x10, s0, s13, $0xb8;
	[tilespmem:$0x1CF00] =	vst v63  }
0x10b: {  	_ = 	snop  }
0x10c: {  	[spmem:s3] =	stream.indirect.scatter.add.f32 [tilespmem:s24], [sflag:$0x2], $0x10, s2, s13, $0xb8;
	[tilespmem:$0x1CF00] =	vst v63  }
0x10d: {  	_ =	swait.ge [sflag:s1], $0x800  }
0x10e: {  	[sflag:s1] =	ssyncset.done $0x0  }
0x10f: {  	[sflag:s1] =	ssyncadd.s32 $0xFFFFF800  }
0x110: {  	_ =	swait.ge [sflag:s1], $0x800  }
0x111: {  	[sflag:s1] =	ssyncset.done $0x0  }
0x112: {  	[sflag:s1] =	ssyncadd.s32 $0xFFFFF800  }
0x113: {  	_ =	swait.ge [sflag:s1], $0x800  }
0x114: {  	[sflag:s1] =	ssyncset.done $0x0  }
0x115: {  	[sflag:s1] =	ssyncadd.s32 $0xFFFFF800  }
0x116: {  	_ =	swait.ge [sflag:s1], $0x800  }
0x117: {  	[sflag:s1] =	ssyncset.done $0x0  }
0x118: {  	[sflag:s1] =	ssyncadd.s32 $0xFFFFF800  }
0x119: {  	_ =	swait.ge [sflag:s1], $0x800  }
0x11a: {  	[sflag:s1] =	ssyncset.done $0x0  }
0x11b: {  	[sflag:s1] =	ssyncadd.s32 $0xFFFFF800  }
0x11c: {  	_ =	swait.ge [sflag:s1], $0x800  }
0x11d: {  	[sflag:s1] =	ssyncset.done $0x0  }
0x11e: {  	[sflag:s1] =	ssyncadd.s32 $0xFFFFF800  }
0x11f: {  	_ =	swait.ge [sflag:s1], $0x800  }
0x120: {  	[sflag:s1] =	ssyncset.done $0x0  }
0x121: {  	[sflag:s1] =	ssyncadd.s32 $0xFFFFF800  }
0x122: {  	_ =	swait.ge [sflag:s1], $0x800  }
0x123: {  	[sflag:s1] =	ssyncset.done $0x0  }
0x124: {  	[sflag:s1] =	ssyncadd.s32 $0xFFFFF800  }
0x125: {  	[bflag:$0x0] =	sbarrier.arrive $0xFFFF  }
0x126: {  	s9 =	rddreg [dreg:$0xb]  }
0x127: {  	s8 =	rddreg [dreg:$0xc]  }
0x128: {  	s7 =	rddreg [dreg:$0xe]  }
0x129: {  	[hbm:s8], [sflag:s9] =	dma.local [spmem:s7], $0x30E0  }
0x12a: {  	_ =	swait.ge [sflag:s10], $0x30E0  }
0x12b: {  	s6 =	rddreg [dreg:$0xf]  }
0x12c: {  	s8 =	sadd.s32 $0x1, s6;
	s6 =	rddreg [dreg:$0xd]  }
0x12d: {  	p0 =	sne.s32 s8, s6  }
.Ltmp1:
0x12e: {  	_ = 	snop;
	(pc) =	sbr.rel @p0 .LBB2_1-.Ltmp1, $3  }
0x12f: {  	_ =	sdelay $0x1  }
0x130: {  	[sflag:s10] =	ssyncset.done $0x0  }
0x131: {  	[sflag:s10] =	ssyncadd.s32 $0xFFFFCF20  }
0x132: {  	_ =	sfence.sel $0x180000  }
0x133: {  	[bflag:$0x0] =	sbarrier.arrive $0xFFFF  }
0x134: {  	_ =	strace $0x90000047  }
0x135: {  	s0 =	stileid.u32;
	[bflag:$0x2] =	sbarrier.arrive $0xFFFF  }
0x136: {  	p0 =	sne.s32 s0, $0x0;
	s0 =	rddreg [dreg:$0x4]  }
0x137: {  	s0 =	sadd.s32 @!p0 $0x100000, s0  }
0x138: {  	[sflag:s0] =	ssyncadd.tile.s32 @!p0 $0x1;
	_ =	shalt  }
.Lfunc_end2:
_tile_overlayer_lowered:
.L_overlay_start_2:
0x139: {  	(tag) =	ssettag $0x2  }
0x13a: {  	s0 =	rddreg [dreg:$0x0];
	s2 =	stileid.u32  }
0x13b: {  	s1 =	rddreg [dreg:$0x1];
	p0 =	sne.s32 s2, $0x0  }
0x13c: {  	s3 =	rddreg [dreg:$0x2];
	[bflag:$0x3] =	sbarrier.arrive $0xFFFF;
	s2 =	simm.s32 @!p0 $0x1C03  }
0x13d: {  	[timem:s3], [sflag:s2] =	dma.local @!p0 [hbm:s0], s1  }
0x13e: {  	s0 =	simm.s32 @!p0 $0x3  }
0x13f: {  	_ =	swait.ge @!p0 [sflag:s0], s1  }
0x140: {  	s1 =	ssub.s32 @!p0 $0x0, s1;
	[sflag:s0] =	ssyncset.done @!p0 $0x0  }
0x141: {  	[sflag:s0] =	ssyncadd.s32 @!p0 s1  }
0x142: {  	[bflag:$0x3] =	sbarrier.arrive $0xFFFF  }
0x143: {  	_ =	shalt  }

// kernel: kernel.9.cloned.1.call-start
scs
__scs_entry_jumppad:
0x0: {  	(pc) =	sbr.rel $0x88, $3  }
0x1: {  	(tag) =	ssettag $0x0;
	lr =	simm.s32 $0x1  }
0x2: {  	[smem:$0x3F97] =	sst lr;
	_ =	strace $0xD0000000  }
0x3: {  	_ = 	snop  }
0x4: {  	_ = 	snop  }
0x5: {  	_ = 	snop  }
0x6: {  	_ = 	snop  }
0x7: {  	_ = 	snop  }
__scs_overlays_trampoline_lowered:
0x8: {  	[smem:$0x3FA6] =	sst s0  }
0x9: {  	[smem:$0x3FA7] =	sst s1  }
0xa: {  	[smem:$0x3FA8] =	sst s2  }
0xb: {  	[smem:$0x3FA9] =	sst s3  }
0xc: {  	[smem:$0x3FAA] =	sst s4  }
0xd: {  	[smem:$0x3FAB] =	sst s5  }
0xe: {  	[smem:$0x3FAC] =	sst s6  }
0xf: {  	[smem:$0x3FAD] =	sst s7  }
0x10: {  	[smem:$0x3FAE] =	sst s8  }
0x11: {  	[smem:$0x3FAF] =	sst s9;
	s0 =	simm.s32 @!p0 $0x0  }
0x12: {  	s1 =	sld [smem:$0x3F95];
	s0 =	simm.s32 @p0 $0x1  }
0x13: {  	[smem:$0x3FB0] =	sst s0;
	s0 =	simm.s32 @!p1 $0x0  }
0x14: {  	s2 =	sld [smem:$0x3F94];
	s0 =	simm.s32 @p1 $0x1  }
0x15: {  	[smem:$0x3FB1] =	sst s0;
	s0 =	simm.s32 @!p2 $0x0  }
0x16: {  	s3 =	sld [smem:$0x3FDB];
	s0 =	simm.s32 @p2 $0x1  }
0x17: {  	s4 =	simm.s32 $0x1BF5;
	[smem:$0x3FB3] =	sst s0  }
0x18: {  	s0 =	sld [smem:$0x3F96];
	_ =	swait.ge [sflag:s4], $0x0  }
0x19: {  	s7 =	sld [smem:$0x3F97]  }
0x1a: {  	s8 =	sadd.s32 $0xFFFFE003, lr  }
0x1b: {  	s9 =	sadd.s32 $0xFFFFFEF7, lr;
	s5 =	simm.s32 $0xFFFFFFFF;
	p2 =	slt.u32 s8, $0xFFFFF086  }
0x1c: {  	p1 =	slt.u32 s9, $0xF7A;
	s5 =	simm.s32 @!p2 $0x0  }
0x1d: {  	s5 =	simm.s32 @p1 $0x1;
	p0 =	seq.s32 s7, s2  }
0x1e: {  	s7 =	smul.u32 @!p0 $0xF7A, s2;
	p2 =	seq.s32 @!p0 s5, $0x0  }
0x1f: {  	s9 =	smul.u32 $0xF7A, s1;
	s8 =	simm.s32 @!p0 $0x1BF5;
	p2 =	por !p2, p0  }
0x20: {  	[sflag:s8] =	ssyncset.s32 @!p0 $0xFFFFF086;
	s6 =	sadd.s32 @!p0 s3, s7;
	s7 =	simm.s32 @!p0 $0x108  }
0x21: {  	s3 =	sadd.s32 s3, s9;
	s6 =	sadd.s32 @!p0 $0x88, s6;
	s7 =	simm.s32 @p2 $0x1082  }
0x22: {  	[simem:s7], [sflag:s8] =	dma.local @!p0 [hbm:s6], $0xF7A  }
0x23: {  	s9 =	sor.u32 $0xD0000000, s2;
	s6 =	simm.s32 $0x108;
	_ =	swait.ge @!p0 [sflag:s8], $0x0  }
0x24: {  	s3 =	sadd.s32 $0x88, s3;
	s6 =	simm.s32 @!p1 $0x1082;
	[sflag:s4] =	ssyncset.s32 $0xFFFFF086  }
0x25: {  	[simem:s6], [sflag:s4] =	dma.local [hbm:s3], $0xF7A  }
0x26: {  	[smem:$0x3F97] =	sst s1;
	(tag) =	ssettag s2;
	_ =	strace s9  }
0x27: {  	s1 =	sld [smem:$0x3FA7]  }
0x28: {  	s2 =	sld [smem:$0x3FA8]  }
0x29: {  	s4 =	sld [smem:$0x3FAA]  }
0x2a: {  	p0 =	seq.s32 s5, $0x0;
	s5 =	sld [smem:$0x3FAB]  }
0x2b: {  	s6 =	sld [smem:$0x3FAC]  }
0x2c: {  	s7 =	sld [smem:$0x3FAD]  }
0x2d: {  	s3 =	simm.s32 $0x108;
	s8 =	sld [smem:$0x3FAE]  }
0x2e: {  	s3 =	simm.s32 @!p0 $0x1082;
	s9 =	sld [smem:$0x3FAF]  }
0x2f: {  	lr =	sadd.s32 s0, s3;
	s0 =	sld [smem:$0x3FA6]  }
0x30: {  	s3 =	sld [smem:$0x3FA9]  }
0x31: {  	[smem:$0x3FB2] =	sst s10  }
0x32: {  	s10 =	sld [smem:$0x3FB0];
	_ =	sdelay $0x3  }
0x33: {  	p0 =	seq.s32 s10, $0x1;
	s10 =	sld [smem:$0x3FB2];
	_ =	sdelay $0x3  }
0x34: {  	[smem:$0x3FB2] =	sst s10  }
0x35: {  	s10 =	sld [smem:$0x3FB1];
	_ =	sdelay $0x3  }
0x36: {  	p1 =	seq.s32 s10, $0x1;
	s10 =	sld [smem:$0x3FB2];
	_ =	sdelay $0x3  }
0x37: {  	[smem:$0x3FB2] =	sst s10  }
0x38: {  	s10 =	sld [smem:$0x3FB3]  }
0x39: {  	_ = 	snop;
	(pc) =	sbr.ind lr, $3  }
0x3a: {  	_ = 	snop  }
0x3b: {  	_ = 	snop  }
0x3c: {  	p2 =	seq.s32 s10, $0x1;
	s10 =	sld [smem:$0x3FB2]  }
0x3d: {  	_ =	shalt  }
0x3e: {  	_ =	shalt  }
0x3f: {  	_ =	shalt  }
0x40: {  	_ =	shalt  }
0x41: {  	_ =	shalt  }
0x42: {  	_ =	shalt  }
0x43: {  	_ =	shalt  }
0x44: {  	_ =	shalt  }
0x45: {  	_ =	shalt  }
0x46: {  	_ =	shalt  }
0x47: {  	_ =	shalt  }
0x48: {  	_ =	shalt  }
0x49: {  	_ =	shalt  }
0x4a: {  	_ =	shalt  }
0x4b: {  	_ =	shalt  }
0x4c: {  	_ =	shalt  }
0x4d: {  	_ =	shalt  }
0x4e: {  	_ =	shalt  }
0x4f: {  	_ =	shalt  }
0x50: {  	_ =	shalt  }
0x51: {  	_ =	shalt  }
0x52: {  	_ =	shalt  }
0x53: {  	_ =	shalt  }
0x54: {  	_ =	shalt  }
0x55: {  	_ =	shalt  }
0x56: {  	_ =	shalt  }
0x57: {  	_ =	shalt  }
0x58: {  	_ =	shalt  }
0x59: {  	_ =	shalt  }
0x5a: {  	_ =	shalt  }
0x5b: {  	_ =	shalt  }
0x5c: {  	_ =	shalt  }
0x5d: {  	_ =	shalt  }
0x5e: {  	_ =	shalt  }
0x5f: {  	_ =	shalt  }
0x60: {  	_ =	shalt  }
0x61: {  	_ =	shalt  }
0x62: {  	_ =	shalt  }
0x63: {  	_ =	shalt  }
0x64: {  	_ =	shalt  }
0x65: {  	_ =	shalt  }
0x66: {  	_ =	shalt  }
0x67: {  	_ =	shalt  }
0x68: {  	_ =	shalt  }
0x69: {  	_ =	shalt  }
0x6a: {  	_ =	shalt  }
0x6b: {  	_ =	shalt  }
0x6c: {  	_ =	shalt  }
0x6d: {  	_ =	shalt  }
0x6e: {  	_ =	shalt  }
0x6f: {  	_ =	shalt  }
0x70: {  	_ =	shalt  }
0x71: {  	_ =	shalt  }
0x72: {  	_ =	shalt  }
0x73: {  	_ =	shalt  }
0x74: {  	_ =	shalt  }
0x75: {  	_ =	shalt  }
0x76: {  	_ =	shalt  }
0x77: {  	_ =	shalt  }
0x78: {  	_ =	shalt  }
0x79: {  	_ =	shalt  }
0x7a: {  	_ =	shalt  }
0x7b: {  	_ =	shalt  }
0x7c: {  	_ =	shalt  }
0x7d: {  	_ =	shalt  }
0x7e: {  	_ =	shalt  }
0x7f: {  	_ =	shalt  }
0x80: {  	_ =	shalt  }
0x81: {  	_ =	shalt  }
0x82: {  	_ =	shalt  }
0x83: {  	_ =	shalt  }
0x84: {  	_ =	shalt  }
0x85: {  	_ =	shalt  }
0x86: {  	_ =	shalt  }
0x87: {  	_ =	shalt  }
.Lfunc_end0:
.L_simem_size_0:
called_computation.1_lowered:
.L_overlay_start_0:
0x88: {  	s2 =	sld [smem:$0x3FD9]  }
0x89: {  	s3 =	sld [smem:$0x3FFE];
	_ =	sdelay $0x1  }
0x8a: {  	s1 =	srdreg.scid  }
0x8b: {  	s0 =	sand.u32 $0x1, s1  }
0x8c: {  	s14 =	sshll.u32 s0, $0xA;
	s2 =	sadd.s32 s3, s2  }
0x8d: {  	s2 =	sadd.s32 s2, s14  }
0x8e: {  	[smem:$0x3FBE] =	sst s2  }
0x8f: {  	_ = 	snop  }
0x90: {  	s2 =	sld [smem:$0x3FD0];
	_ =	sdelay $0x2  }
0x91: {  	s15 =	simm.s32 $0xA;
	s4 =	simm.s32 $0x10  }
0x92: {  	[smem:s4], [sflag:s15] =	dma.local [hbm:s2], $0x1  }
0x93: {  	_ =	swait.eq [sflag:s15], $0x1  }
0x94: {  	[sflag:s15] =	ssyncset.done $0x0  }
0x95: {  	s16 =	sld [smem:$0x10];
	[sflag:s15] =	ssyncadd.s32 $0xFFFFFFFF  }
0x96: {  	s17 =	sld [smem:$0x11];
	(tm) =	ssettm $0x1  }
0x97: {  	s18 =	sld [smem:$0x3FFB];
	_ =	sdelay $0x3  }
0x98: {  	_ =	strace s18  }
0x99: {  	s4 =	sld [smem:$0x3FFC];
	_ =	sdelay $0x3  }
0x9a: {  	_ =	strace s4  }
0x9b: {  	s4 =	sld [smem:$0x3FFD];
	_ =	sdelay $0x3  }
0x9c: {  	_ =	strace s4  }
0x9d: {  	_ =	strace $0x8FFFFFFF  }
0x9e: {  	s19 =	sld [smem:$0x3FDB];
	_ =	sdelay $0x1  }
0x9f: {  	s5 =	simm.s32 $_scs_section_size  }
0xa0: {  	s6 =	simm.s32 $_size__tile_overlayer_lowered;
	s7 =	simm.s32 $_tile_overlayer_lowered  }
0xa1: {  	s22 =	simm.s32 $0x1BFF;
	s21 =	sshll.u32 s7, $0x1;
	s4 =	sadd.s32 s5, s19  }
0xa2: {  	s8 =	simm.s32 $0x0;
	s20 =	sshll.u32 s6, $0x1;
	s6 =	sadd.s32 s21, s4  }
0xa3: {  	[timem:s8], [sflag:s22] =	dma.local [hbm:s6], s20  }
0xa4: {  	_ =	swait.ge [sflag:s22], s20  }
0xa5: {  	s5 =	ssub.s32 $0x0, s20;
	[sflag:s22] =	ssyncset.done $0x0  }
0xa6: {  	[sflag:s22] =	ssyncadd.s32 s5;
	_ =	sdelay $0x1  }
0xa7: {  	s23 =	simm.s32 $0x1B8B  }
0xa8: {  	_ =	swait.ge [sflag:s23], $0x1  }
0xa9: {  	[sflag:s23] =	ssyncset.done $0x0  }
0xaa: {  	s25 =	simm.s32 $0x1B8E;
	s24 =	sld [smem:$0x3FFE];
	[sflag:s23] =	ssyncadd.s32 $0xFFFFFFFF  }
0xab: {  	s26 =	simm.s32 $execute0_lowered;
	[smem:$0x3FD2] =	sst s25  }
0xac: {  	s6 =	sshll.u32 s26, $0x1;
	_ =	strace $0x80000049;
	[dreg:$0x1] =	wrdreg $0xFFFFFFFF  }
0xad: {  	s28 =	simm.s32 $_size_execute0_lowered;
	s4 =	sadd.s32 s4, s6;
	[dreg:$0x0] =	wrdreg $0x0  }
0xae: {  	s6 =	sshll.u32 s28, $0x1;
	[dreg:$0x2] =	wrdreg s4  }
0xaf: {  	[dreg:$0x3] =	wrdreg s6  }
0xb0: {  	[dreg:$0x4] =	wrdreg $0xC0  }
0xb1: {  	_ =	task [dreg:s8], $0x5FFFF  }
0xb2: {  	[dreg:$0x1] =	wrdreg $0xFFFFFFFF  }
0xb3: {  	[dreg:$0x0] =	wrdreg $0x60  }
0xb4: {  	[dreg:$0x2] =	wrdreg s24  }
0xb5: {  	[dreg:$0x3] =	wrdreg s16  }
0xb6: {  	[dreg:$0x4] =	wrdreg s17  }
0xb7: {  	[dreg:$0x5] =	wrdreg $0x0  }
0xb8: {  	[dreg:$0x6] =	wrdreg $0x9  }
0xb9: {  	_ =	task.clear_ibuf [dreg:s8], $0x7FFFF;
	_ =	strace $0x90000049  }
0xba: {  	s29 =	simm.s32 $0x9;
	_ =	strace $0x8000004B  }
0xbb: {  	_ =	swait.ge [sflag:s29], $0x1  }
0xbc: {  	[sflag:s29] =	ssyncadd.s32 $0xFFFFFFFF  }
0xbd: {  	_ =	strace $0x9000004B  }
0xbe: {  	_ =	sfence  }
0xbf: {  	s30 =	sld [smem:$0x0];
	_ =	sdelay $0x2  }
0xc0: {  	s31 =	sshll.u32 s1, $0xD;
	s1 =	sshrl.u32 s1, $0x2  }
0xc1: {  	s3 =	sand.u32 $0x4000, s31;
	s1 =	sadd.s32 s1, s30  }
0xc2: {  	s0 =	sor.u32 s3, s0;
	s1 =	sshll.u32 s1, $0x11  }
0xc3: {  	s0 =	sor.u32 s1, s0  }
0xc4: {  	s0 =	sadd.s32 $0x8F2B, s0  }
0xc5: {  	[sflag:s0] =	ssyncadd.remote.s32 $0x1  }
0xc6: {  	_ =	sfence.sel $0xFFFF  }
0xc7: {  	[dreg:$0x0] =	wrdreg $0xFFFFFFFF;
	(pc) =	sbr.abs _section_cstart, $3  }
0xc8: {  	[dreg:$0x1] =	wrdreg $0xFFFFFFFF  }
0xc9: {  	_ =	task.clear_ibuf [dreg:s8], $0x2FFFF;
	_ =	strace $0x9FFFFFFF  }
0xca: {  	(tm) =	ssettm $0x7FFFFFFF  }
0xcb: {  	_ =	shalt  }
tec
execute0_lowered:
.L_overlay_start_1:
0x0: {  	(tag) =	ssettag $0x1  }
0x1: {  	s0 =	rddreg [dreg:$0x0]  }
0x2: {  	s1 =	rddreg [dreg:$0x2]  }
0x3: {  	s3 =	rddreg [dreg:$0x3]  }
0x4: {  	s10 =	stileid.u32;
	s5 =	srdreg.scid;
	s4 =	simm.s32 $0x0  }
0x5: {  	s11 =	simm.s32 $0x18700;
	s12 =	simm.s32 $0x18B00;
	s13 =	simm.s32 $0x80  }
0x6: {  	s14 =	simm.s32 $0x18F00;
	s23 =	simm.s32 $0x18780;
	s15 =	simm.s32 $0x19700  }
0x7: {  	s24 =	simm.s32 $0x18800;
	s16 =	simm.s32 $0x19F00;
	s25 =	simm.s32 $0x18880  }
0x8: {  	s17 =	simm.s32 $0x1A700;
	s26 =	simm.s32 $0x18900;
	s18 =	simm.s32 $0x1AF00  }
0x9: {  	s19 =	simm.s32 $0x18980;
	s28 =	simm.s32 $0x18C00;
	s29 =	simm.s32 $0x18C80  }
0xa: {  	s30 =	simm.s32 $0x18D00;
	s31 =	simm.s32 $0x18D80;
	s2 =	smul.u32 $0x3200, s10  }
0xb: {  	s5 =	sand.u32 $0x1, s5;
	s6 =	smul.u32 $0x18700, s10;
	[smem:$0x7FF] =	sst s4  }
0xc: {  	s20 =	sshll.u32 s10, $0x6;
	_ =	strace $0x8000004A;
	[dreg:$0x7] =	wrdreg s23  }
0xd: {  	s10 =	simm.s32 $0x3;
	s7 =	ssub.s32 $0x2, s5;
	[dreg:$0x8] =	wrdreg s24  }
0xe: {  	s8 =	smul.u32 $0x187000, s5;
	p0 =	seq.s32 s5, $0x1;
	[dreg:$0x9] =	wrdreg s25  }
0xf: {  	[dreg:$0xa] =	wrdreg s26;
	s23 =	simm.s32 $0x18A80;
	s24 =	simm.s32 $0x1C700  }
0x10: {  	s25 =	simm.s32 $0x1;
	s26 =	simm.s32 $0x18B80;
	s9 =	sshrl.u32 s7, $0x1  }
0x11: {  	s2 =	sadd.s32 s2, s0;
	s7 =	ssub.s32 s7, s9;
	s8 =	sadd.s32 s6, s8  }
0x12: {  	s6 =	sadd.s32 s6, s3;
	s9 =	sor.u32 $0x1C03, s20;
	s22 =	sadd.s32 $0x1B8E00, s2  }
0x13: {  	s2 =	sadd.s32 $0x1EAE00, s2;
	s20 =	simm.s32 $0x1B700;
	[dreg:$0x5] =	wrdreg s22  }
0x14: {  	s8 =	sshrl.u32 s8, $0x3;
	s21 =	smax.u32 s7, $0x1;
	[dreg:$0x6] =	wrdreg s2  }
0x15: {  	s6 =	sshrl.u32 s6, $0x3;
	s22 =	simm.s32 $0x1BF00;
	[dreg:$0xb] =	wrdreg s9  }
0x16: {  	s2 =	simm.s32 $0x2;
	s1 =	sadd.s32 s1, s8;
	[dreg:$0xd] =	wrdreg s21  }
0x17: {  	s7 =	simm.s32 $0x0;
	[dreg:$0xc] =	wrdreg s1;
	s1 =	simm.s32 $0x1600  }
0x18: {  	s21 =	simm.s32 $0x18A00;
	[dreg:$0xe] =	wrdreg s6;
	s1 =	simm.s32 @!p0 $0x32400  }
0x19: {  	s8 =	sadd.s32 s1, s0;
	s0 =	simm.s32 $0x18E00;
	s1 =	simm.s32 $0x18E80  }
.LBB2_1:
0x1a: {  	[dreg:$0xf] =	wrdreg s7  }
0x1b: {  	s5 =	rddreg [dreg:$0x1]  }
0x1c: {  	[spmem:s6], [sflag:s9] =	dma.local [hbm:s5], $0x30E0  }
0x1d: {  	_ =	swait.ge [sflag:s10], $0x30E0  }
0x1e: {  	[sflag:s10] =	ssyncset.done $0x0  }
0x1f: {  	[sflag:s10] =	ssyncadd.s32 $0xFFFFCF20  }
0x20: {  	[bflag:$0x0] =	sbarrier.arrive $0xFFFF  }
0x21: {  	s9 =	rddreg [dreg:$0x6]  }
0x22: {  	s5 =	sadd.s32 $0x0, s9  }
0x23: {  	[tilespmem:s11], [sflag:$0x3] =	stream.linear.gather [hbm4b:s5+s4], $0x400, $0x38;
	[tilespmem:$0x1CF00] =	vst v63  }
0x24: {  	_ =	swait.ge [sflag:s10], $0x400  }
0x25: {  	s6 =	rddreg [dreg:$0x5];
	[sflag:s10] =	ssyncset.done $0x0  }
0x26: {  	[sflag:s10] =	ssyncadd.s32 $0xFFFFFC00;
	s5 =	sadd.s32 $0x0, s6  }
0x27: {  	[tilespmem:s12], [sflag:$0x3] =	stream.linear.gather [hbm4b:s5+s4], $0x400, $0x38;
	[tilespmem:$0x1CF00] =	vst v63  }
0x28: {  	_ =	swait.ge [sflag:s10], $0x400  }
0x29: {  	[sflag:s10] =	ssyncset.done $0x0  }
0x2a: {  	[sflag:s10] =	ssyncadd.s32 $0xFFFFFC00  }
0x2b: {  	[tilespmem:s14], [sflag:$0x1] =	stream.indirect.gather [hbm4b:s8+s13], $0x10, s11, s13, $0xb8;
	[tilespmem:$0x1CF00] =	vst v63  }
0x2c: {  	s7 =	rddreg [dreg:$0x7]  }
0x2d: {  	[tilespmem:s15], [sflag:$0x1] =	stream.indirect.gather [hbm4b:s8+s13], $0x10, s7, s13, $0xb8;
	[tilespmem:$0x1CF00] =	vst v63  }
0x2e: {  	s9 =	rddreg [dreg:$0x8]  }
0x2f: {  	[tilespmem:s16], [sflag:$0x1] =	stream.indirect.gather [hbm4b:s8+s13], $0x10, s9, s13, $0xb8;
	[tilespmem:$0x1CF00] =	vst v63  }
0x30: {  	s6 =	rddreg [dreg:$0x9]  }
0x31: {  	[tilespmem:s17], [sflag:$0x1] =	stream.indirect.gather [hbm4b:s8+s13], $0x10, s6, s13, $0xb8;
	[tilespmem:$0x1CF00] =	vst v63  }
0x32: {  	s9 =	rddreg [dreg:$0xa]  }
0x33: {  	[tilespmem:s18], [sflag:$0x1] =	stream.indirect.gather [hbm4b:s8+s13], $0x10, s9, s13, $0xb8;
	[tilespmem:$0x1CF00] =	vst v63  }
0x34: {  	_ = 	snop  }
0x35: {  	[tilespmem:s20], [sflag:$0x1] =	stream.indirect.gather [hbm4b:s8+s13], $0x10, s19, s13, $0xb8;
	[tilespmem:$0x1CF00] =	vst v63  }
0x36: {  	_ = 	snop  }
0x37: {  	[tilespmem:s22], [sflag:$0x1] =	stream.indirect.gather [hbm4b:s8+s13], $0x10, s21, s13, $0xb8;
	[tilespmem:$0x1CF00] =	vst v63  }
0x38: {  	_ = 	snop  }
0x39: {  	[tilespmem:s24], [sflag:$0x1] =	stream.indirect.gather [hbm4b:s8+s13], $0x10, s23, s13, $0xb8;
	[tilespmem:$0x1CF00] =	vst v63  }
0x3a: {  	_ =	swait.ge [sflag:s25], $0x800  }
0x3b: {  	[sflag:s25] =	ssyncset.done $0x0  }
0x3c: {  	[sflag:s25] =	ssyncadd.s32 $0xFFFFF800  }
0x3d: {  	_ =	swait.ge [sflag:s25], $0x800  }
0x3e: {  	[sflag:s25] =	ssyncset.done $0x0  }
0x3f: {  	[sflag:s25] =	ssyncadd.s32 $0xFFFFF800  }
0x40: {  	_ =	swait.ge [sflag:s25], $0x800  }
0x41: {  	[sflag:s25] =	ssyncset.done $0x0  }
0x42: {  	[sflag:s25] =	ssyncadd.s32 $0xFFFFF800  }
0x43: {  	_ =	swait.ge [sflag:s25], $0x800  }
0x44: {  	[sflag:s25] =	ssyncset.done $0x0  }
0x45: {  	[sflag:s25] =	ssyncadd.s32 $0xFFFFF800  }
0x46: {  	_ =	swait.ge [sflag:s25], $0x800  }
0x47: {  	[sflag:s25] =	ssyncset.done $0x0  }
0x48: {  	[sflag:s25] =	ssyncadd.s32 $0xFFFFF800  }
0x49: {  	_ =	swait.ge [sflag:s25], $0x800  }
0x4a: {  	[sflag:s25] =	ssyncset.done $0x0  }
0x4b: {  	[sflag:s25] =	ssyncadd.s32 $0xFFFFF800  }
0x4c: {  	_ =	swait.ge [sflag:s25], $0x800  }
0x4d: {  	[sflag:s25] =	ssyncset.done $0x0  }
0x4e: {  	[sflag:s25] =	ssyncadd.s32 $0xFFFFF800  }
0x4f: {  	_ =	swait.ge [sflag:s25], $0x800  }
0x50: {  	[sflag:s25] =	ssyncset.done $0x0  }
0x51: {  	[sflag:s25] =	ssyncadd.s32 $0xFFFFF800  }
0x52: {  	[spmem:s3] =	stream.indirect.scatter.add.f32 [tilespmem:s14], [sflag:$0x2], $0x10, s12, s13, $0xb8;
	[tilespmem:$0x1CF00] =	vst v63  }
0x53: {  	_ = 	snop  }
0x54: {  	[spmem:s3] =	stream.indirect.scatter.add.f32 [tilespmem:s15], [sflag:$0x2], $0x10, s26, s13, $0xb8;
	[tilespmem:$0x1CF00] =	vst v63  }
0x55: {  	_ = 	snop  }
0x56: {  	[spmem:s3] =	stream.indirect.scatter.add.f32 [tilespmem:s16], [sflag:$0x2], $0x10, s28, s13, $0xb8;
	[tilespmem:$0x1CF00] =	vst v63  }
0x57: {  	_ = 	snop  }
0x58: {  	[spmem:s3] =	stream.indirect.scatter.add.f32 [tilespmem:s17], [sflag:$0x2], $0x10, s29, s13, $0xb8;
	[tilespmem:$0x1CF00] =	vst v63  }
0x59: {  	_ = 	snop  }
0x5a: {  	[spmem:s3] =	stream.indirect.scatter.add.f32 [tilespmem:s18], [sflag:$0x2], $0x10, s30, s13, $0xb8;
	[tilespmem:$0x1CF00] =	vst v63  }
0x5b: {  	_ = 	snop  }
0x5c: {  	[spmem:s3] =	stream.indirect.scatter.add.f32 [tilespmem:s20], [sflag:$0x2], $0x10, s31, s13, $0xb8;
	[tilespmem:$0x1CF00] =	vst v63  }
0x5d: {  	_ = 	snop  }
0x5e: {  	[spmem:s3] =	stream.indirect.scatter.add.f32 [tilespmem:s22], [sflag:$0x2], $0x10, s0, s13, $0xb8;
	[tilespmem:$0x1CF00] =	vst v63  }
0x5f: {  	_ = 	snop  }
0x60: {  	[spmem:s3] =	stream.indirect.scatter.add.f32 [tilespmem:s24], [sflag:$0x2], $0x10, s1, s13, $0xb8;
	[tilespmem:$0x1CF00] =	vst v63  }
0x61: {  	_ =	swait.ge [sflag:s2], $0x800  }
0x62: {  	[sflag:s2] =	ssyncset.done $0x0  }
0x63: {  	[sflag:s2] =	ssyncadd.s32 $0xFFFFF800  }
0x64: {  	_ =	swait.ge [sflag:s2], $0x800  }
0x65: {  	[sflag:s2] =	ssyncset.done $0x0  }
0x66: {  	[sflag:s2] =	ssyncadd.s32 $0xFFFFF800  }
0x67: {  	_ =	swait.ge [sflag:s2], $0x800  }
0x68: {  	[sflag:s2] =	ssyncset.done $0x0  }
0x69: {  	[sflag:s2] =	ssyncadd.s32 $0xFFFFF800  }
0x6a: {  	_ =	swait.ge [sflag:s2], $0x800  }
0x6b: {  	[sflag:s2] =	ssyncset.done $0x0  }
0x6c: {  	[sflag:s2] =	ssyncadd.s32 $0xFFFFF800  }
0x6d: {  	_ =	swait.ge [sflag:s2], $0x800  }
0x6e: {  	[sflag:s2] =	ssyncset.done $0x0  }
0x6f: {  	[sflag:s2] =	ssyncadd.s32 $0xFFFFF800  }
0x70: {  	_ =	swait.ge [sflag:s2], $0x800  }
0x71: {  	[sflag:s2] =	ssyncset.done $0x0  }
0x72: {  	[sflag:s2] =	ssyncadd.s32 $0xFFFFF800  }
0x73: {  	_ =	swait.ge [sflag:s2], $0x800  }
0x74: {  	[sflag:s2] =	ssyncset.done $0x0  }
0x75: {  	[sflag:s2] =	ssyncadd.s32 $0xFFFFF800  }
0x76: {  	s5 =	simm.s32 $0x100;
	_ =	swait.ge [sflag:s2], $0x800  }
0x77: {  	s7 =	simm.s32 $0x80;
	s9 =	rddreg [dreg:$0x6];
	[sflag:s2] =	ssyncset.done $0x0  }
.LBB2_2:
0x78: {  	[sflag:s2] =	ssyncadd.s32 $0xFFFFF800;
	s9 =	sadd.s32 s7, s9  }
0x79: {  	[tilespmem:s11], [sflag:$0x3] =	stream.linear.gather [hbm4b:s9+s4], $0x400, $0x38;
	[tilespmem:$0x1CF00] =	vst v63  }
0x7a: {  	_ =	swait.ge [sflag:s10], $0x400  }
0x7b: {  	s9 =	rddreg [dreg:$0x5];
	[sflag:s10] =	ssyncset.done $0x0  }
0x7c: {  	[sflag:s10] =	ssyncadd.s32 $0xFFFFFC00;
	s9 =	sadd.s32 s7, s9  }
0x7d: {  	[tilespmem:s12], [sflag:$0x3] =	stream.linear.gather [hbm4b:s9+s4], $0x400, $0x38;
	[tilespmem:$0x1CF00] =	vst v63  }
0x7e: {  	_ =	swait.ge [sflag:s10], $0x400  }
0x7f: {  	[sflag:s10] =	ssyncset.done $0x0  }
0x80: {  	s6 =	smov.u32 s5;
	[sflag:s10] =	ssyncadd.s32 $0xFFFFFC00  }
0x81: {  	[tilespmem:s14], [sflag:$0x1] =	stream.indirect.gather [hbm4b:s8+s13], $0x10, s11, s13, $0xb8;
	[tilespmem:$0x1CF00] =	vst v63  }
0x82: {  	s7 =	smov.u32 s6;
	s6 =	rddreg [dreg:$0x7]  }
0x83: {  	[tilespmem:s15], [sflag:$0x1] =	stream.indirect.gather [hbm4b:s8+s13], $0x10, s6, s13, $0xb8;
	[tilespmem:$0x1CF00] =	vst v63  }
0x84: {  	s9 =	rddreg [dreg:$0x8]  }
0x85: {  	[tilespmem:s16], [sflag:$0x1] =	stream.indirect.gather [hbm4b:s8+s13], $0x10, s9, s13, $0xb8;
	[tilespmem:$0x1CF00] =	vst v63  }
0x86: {  	s6 =	rddreg [dreg:$0x9]  }
0x87: {  	[tilespmem:s17], [sflag:$0x1] =	stream.indirect.gather [hbm4b:s8+s13], $0x10, s6, s13, $0xb8;
	[tilespmem:$0x1CF00] =	vst v63  }
0x88: {  	s9 =	rddreg [dreg:$0xa]  }
0x89: {  	[tilespmem:s18], [sflag:$0x1] =	stream.indirect.gather [hbm4b:s8+s13], $0x10, s9, s13, $0xb8;
	[tilespmem:$0x1CF00] =	vst v63  }
0x8a: {  	_ = 	snop  }
0x8b: {  	[tilespmem:s20], [sflag:$0x1] =	stream.indirect.gather [hbm4b:s8+s13], $0x10, s19, s13, $0xb8;
	[tilespmem:$0x1CF00] =	vst v63  }
0x8c: {  	_ = 	snop  }
0x8d: {  	[tilespmem:s22], [sflag:$0x1] =	stream.indirect.gather [hbm4b:s8+s13], $0x10, s21, s13, $0xb8;
	[tilespmem:$0x1CF00] =	vst v63  }
0x8e: {  	_ = 	snop  }
0x8f: {  	[tilespmem:s24], [sflag:$0x1] =	stream.indirect.gather [hbm4b:s8+s13], $0x10, s23, s13, $0xb8;
	[tilespmem:$0x1CF00] =	vst v63  }
0x90: {  	_ =	swait.ge [sflag:s25], $0x800  }
0x91: {  	[sflag:s25] =	ssyncset.done $0x0  }
0x92: {  	[sflag:s25] =	ssyncadd.s32 $0xFFFFF800  }
0x93: {  	_ =	swait.ge [sflag:s25], $0x800  }
0x94: {  	[sflag:s25] =	ssyncset.done $0x0  }
0x95: {  	[sflag:s25] =	ssyncadd.s32 $0xFFFFF800  }
0x96: {  	_ =	swait.ge [sflag:s25], $0x800  }
0x97: {  	[sflag:s25] =	ssyncset.done $0x0  }
0x98: {  	[sflag:s25] =	ssyncadd.s32 $0xFFFFF800  }
0x99: {  	_ =	swait.ge [sflag:s25], $0x800  }
0x9a: {  	[sflag:s25] =	ssyncset.done $0x0  }
0x9b: {  	[sflag:s25] =	ssyncadd.s32 $0xFFFFF800  }
0x9c: {  	_ =	swait.ge [sflag:s25], $0x800  }
0x9d: {  	[sflag:s25] =	ssyncset.done $0x0  }
0x9e: {  	[sflag:s25] =	ssyncadd.s32 $0xFFFFF800  }
0x9f: {  	_ =	swait.ge [sflag:s25], $0x800  }
0xa0: {  	[sflag:s25] =	ssyncset.done $0x0  }
0xa1: {  	[sflag:s25] =	ssyncadd.s32 $0xFFFFF800  }
0xa2: {  	_ =	swait.ge [sflag:s25], $0x800  }
0xa3: {  	[sflag:s25] =	ssyncset.done $0x0  }
0xa4: {  	[sflag:s25] =	ssyncadd.s32 $0xFFFFF800  }
0xa5: {  	_ =	swait.ge [sflag:s25], $0x800  }
0xa6: {  	[sflag:s25] =	ssyncset.done $0x0  }
0xa7: {  	[sflag:s25] =	ssyncadd.s32 $0xFFFFF800  }
0xa8: {  	[spmem:s3] =	stream.indirect.scatter.add.f32 [tilespmem:s14], [sflag:$0x2], $0x10, s12, s13, $0xb8;
	[tilespmem:$0x1CF00] =	vst v63  }
0xa9: {  	_ = 	snop  }
0xaa: {  	[spmem:s3] =	stream.indirect.scatter.add.f32 [tilespmem:s15], [sflag:$0x2], $0x10, s26, s13, $0xb8;
	[tilespmem:$0x1CF00] =	vst v63  }
0xab: {  	_ = 	snop  }
0xac: {  	[spmem:s3] =	stream.indirect.scatter.add.f32 [tilespmem:s16], [sflag:$0x2], $0x10, s28, s13, $0xb8;
	[tilespmem:$0x1CF00] =	vst v63  }
0xad: {  	_ = 	snop  }
0xae: {  	[spmem:s3] =	stream.indirect.scatter.add.f32 [tilespmem:s17], [sflag:$0x2], $0x10, s29, s13, $0xb8;
	[tilespmem:$0x1CF00] =	vst v63  }
0xaf: {  	_ = 	snop  }
0xb0: {  	[spmem:s3] =	stream.indirect.scatter.add.f32 [tilespmem:s18], [sflag:$0x2], $0x10, s30, s13, $0xb8;
	[tilespmem:$0x1CF00] =	vst v63  }
0xb1: {  	_ = 	snop  }
0xb2: {  	[spmem:s3] =	stream.indirect.scatter.add.f32 [tilespmem:s20], [sflag:$0x2], $0x10, s31, s13, $0xb8;
	[tilespmem:$0x1CF00] =	vst v63  }
0xb3: {  	_ = 	snop  }
0xb4: {  	[spmem:s3] =	stream.indirect.scatter.add.f32 [tilespmem:s22], [sflag:$0x2], $0x10, s0, s13, $0xb8;
	[tilespmem:$0x1CF00] =	vst v63  }
0xb5: {  	_ = 	snop  }
0xb6: {  	[spmem:s3] =	stream.indirect.scatter.add.f32 [tilespmem:s24], [sflag:$0x2], $0x10, s1, s13, $0xb8;
	[tilespmem:$0x1CF00] =	vst v63  }
0xb7: {  	_ =	swait.ge [sflag:s2], $0x800  }
0xb8: {  	[sflag:s2] =	ssyncset.done $0x0  }
0xb9: {  	[sflag:s2] =	ssyncadd.s32 $0xFFFFF800  }
0xba: {  	_ =	swait.ge [sflag:s2], $0x800  }
0xbb: {  	[sflag:s2] =	ssyncset.done $0x0  }
0xbc: {  	[sflag:s2] =	ssyncadd.s32 $0xFFFFF800  }
0xbd: {  	_ =	swait.ge [sflag:s2], $0x800  }
0xbe: {  	[sflag:s2] =	ssyncset.done $0x0  }
0xbf: {  	[sflag:s2] =	ssyncadd.s32 $0xFFFFF800  }
0xc0: {  	_ =	swait.ge [sflag:s2], $0x800  }
0xc1: {  	[sflag:s2] =	ssyncset.done $0x0  }
0xc2: {  	[sflag:s2] =	ssyncadd.s32 $0xFFFFF800  }
0xc3: {  	_ =	swait.ge [sflag:s2], $0x800  }
0xc4: {  	[sflag:s2] =	ssyncset.done $0x0  }
0xc5: {  	[sflag:s2] =	ssyncadd.s32 $0xFFFFF800  }
0xc6: {  	_ =	swait.ge [sflag:s2], $0x800  }
0xc7: {  	[sflag:s2] =	ssyncset.done $0x0  }
0xc8: {  	p0 =	sne.s32 s5, $0x3180;
	[sflag:s2] =	ssyncadd.s32 $0xFFFFF800  }
.Ltmp0:
0xc9: {  	_ =	swait.ge [sflag:s2], $0x800;
	(pc) =	sbr.rel @p0 .LBB2_2-.Ltmp0, $4  }
0xca: {  	[sflag:s2] =	ssyncset.done $0x0  }
0xcb: {  	[sflag:s2] =	ssyncadd.s32 $0xFFFFF800  }
0xcc: {  	_ =	swait.ge [sflag:s2], $0x800  }
0xcd: {  	s5 =	sadd.s32 $0x80, s5;
	s9 =	rddreg [dreg:$0x6];
	[sflag:s2] =	ssyncset.done $0x0  }
0xce: {  	[sflag:s2] =	ssyncadd.s32 $0xFFFFF800;
	s5 =	sadd.s32 s7, s9  }
0xcf: {  	[tilespmem:s11], [sflag:$0x3] =	stream.linear.gather [hbm4b:s5+s4], $0x400, $0x38;
	[tilespmem:$0x1CF00] =	vst v63  }
0xd0: {  	_ =	swait.ge [sflag:s10], $0x400  }
0xd1: {  	s6 =	rddreg [dreg:$0x5];
	[sflag:s10] =	ssyncset.done $0x0  }
0xd2: {  	[sflag:s10] =	ssyncadd.s32 $0xFFFFFC00;
	s5 =	sadd.s32 s7, s6  }
0xd3: {  	[tilespmem:s12], [sflag:$0x3] =	stream.linear.gather [hbm4b:s5+s4], $0x400, $0x38;
	[tilespmem:$0x1CF00] =	vst v63  }
0xd4: {  	_ =	swait.ge [sflag:s10], $0x400  }
0xd5: {  	[sflag:s10] =	ssyncset.done $0x0  }
0xd6: {  	[sflag:s10] =	ssyncadd.s32 $0xFFFFFC00  }
0xd7: {  	[tilespmem:s14], [sflag:$0x1] =	stream.indirect.gather [hbm4b:s8+s13], $0x10, s11, s13, $0xb8;
	[tilespmem:$0x1CF00] =	vst v63  }
0xd8: {  	s9 =	rddreg [dreg:$0x7]  }
0xd9: {  	[tilespmem:s15], [sflag:$0x1] =	stream.indirect.gather [hbm4b:s8+s13], $0x10, s9, s13, $0xb8;
	[tilespmem:$0x1CF00] =	vst v63  }
0xda: {  	s6 =	rddreg [dreg:$0x8]  }
0xdb: {  	[tilespmem:s16], [sflag:$0x1] =	stream.indirect.gather [hbm4b:s8+s13], $0x10, s6, s13, $0xb8;
	[tilespmem:$0x1CF00] =	vst v63  }
0xdc: {  	s7 =	rddreg [dreg:$0x9]  }
0xdd: {  	[tilespmem:s17], [sflag:$0x1] =	stream.indirect.gather [hbm4b:s8+s13], $0x10, s7, s13, $0xb8;
	[tilespmem:$0x1CF00] =	vst v63  }
0xde: {  	s9 =	rddreg [dreg:$0xa]  }
0xdf: {  	[tilespmem:s18], [sflag:$0x1] =	stream.indirect.gather [hbm4b:s8+s13], $0x10, s9, s13, $0xb8;
	[tilespmem:$0x1CF00] =	vst v63  }
0xe0: {  	_ = 	snop  }
0xe1: {  	[tilespmem:s20], [sflag:$0x1] =	stream.indirect.gather [hbm4b:s8+s13], $0x10, s19, s13, $0xb8;
	[tilespmem:$0x1CF00] =	vst v63  }
0xe2: {  	_ = 	snop  }
0xe3: {  	[tilespmem:s22], [sflag:$0x1] =	stream.indirect.gather [hbm4b:s8+s13], $0x10, s21, s13, $0xb8;
	[tilespmem:$0x1CF00] =	vst v63  }
0xe4: {  	_ = 	snop  }
0xe5: {  	[tilespmem:s24], [sflag:$0x1] =	stream.indirect.gather [hbm4b:s8+s13], $0x10, s23, s13, $0xb8;
	[tilespmem:$0x1CF00] =	vst v63  }
0xe6: {  	_ =	swait.ge [sflag:s25], $0x800  }
0xe7: {  	[sflag:s25] =	ssyncset.done $0x0  }
0xe8: {  	[sflag:s25] =	ssyncadd.s32 $0xFFFFF800  }
0xe9: {  	_ =	swait.ge [sflag:s25], $0x800  }
0xea: {  	[sflag:s25] =	ssyncset.done $0x0  }
0xeb: {  	[sflag:s25] =	ssyncadd.s32 $0xFFFFF800  }
0xec: {  	_ =	swait.ge [sflag:s25], $0x800  }
0xed: {  	[sflag:s25] =	ssyncset.done $0x0  }
0xee: {  	[sflag:s25] =	ssyncadd.s32 $0xFFFFF800  }
0xef: {  	_ =	swait.ge [sflag:s25], $0x800  }
0xf0: {  	[sflag:s25] =	ssyncset.done $0x0  }
0xf1: {  	[sflag:s25] =	ssyncadd.s32 $0xFFFFF800  }
0xf2: {  	_ =	swait.ge [sflag:s25], $0x800  }
0xf3: {  	[sflag:s25] =	ssyncset.done $0x0  }
0xf4: {  	[sflag:s25] =	ssyncadd.s32 $0xFFFFF800  }
0xf5: {  	_ =	swait.ge [sflag:s25], $0x800  }
0xf6: {  	[sflag:s25] =	ssyncset.done $0x0  }
0xf7: {  	[sflag:s25] =	ssyncadd.s32 $0xFFFFF800  }
0xf8: {  	_ =	swait.ge [sflag:s25], $0x800  }
0xf9: {  	[sflag:s25] =	ssyncset.done $0x0  }
0xfa: {  	[sflag:s25] =	ssyncadd.s32 $0xFFFFF800  }
0xfb: {  	_ =	swait.ge [sflag:s25], $0x800  }
0xfc: {  	[sflag:s25] =	ssyncset.done $0x0  }
0xfd: {  	[sflag:s25] =	ssyncadd.s32 $0xFFFFF800  }
0xfe: {  	[spmem:s3] =	stream.indirect.scatter.add.f32 [tilespmem:s14], [sflag:$0x2], $0x10, s12, s13, $0xb8;
	[tilespmem:$0x1CF00] =	vst v63  }
0xff: {  	_ = 	snop  }
0x100: {  	[spmem:s3] =	stream.indirect.scatter.add.f32 [tilespmem:s15], [sflag:$0x2], $0x10, s26, s13, $0xb8;
	[tilespmem:$0x1CF00] =	vst v63  }
0x101: {  	_ = 	snop  }
0x102: {  	[spmem:s3] =	stream.indirect.scatter.add.f32 [tilespmem:s16], [sflag:$0x2], $0x10, s28, s13, $0xb8;
	[tilespmem:$0x1CF00] =	vst v63  }
0x103: {  	_ = 	snop  }
0x104: {  	[spmem:s3] =	stream.indirect.scatter.add.f32 [tilespmem:s17], [sflag:$0x2], $0x10, s29, s13, $0xb8;
	[tilespmem:$0x1CF00] =	vst v63  }
0x105: {  	_ = 	snop  }
0x106: {  	[spmem:s3] =	stream.indirect.scatter.add.f32 [tilespmem:s18], [sflag:$0x2], $0x10, s30, s13, $0xb8;
	[tilespmem:$0x1CF00] =	vst v63  }
0x107: {  	_ = 	snop  }
0x108: {  	[spmem:s3] =	stream.indirect.scatter.add.f32 [tilespmem:s20], [sflag:$0x2], $0x10, s31, s13, $0xb8;
	[tilespmem:$0x1CF00] =	vst v63  }
0x109: {  	_ = 	snop  }
0x10a: {  	[spmem:s3] =	stream.indirect.scatter.add.f32 [tilespmem:s22], [sflag:$0x2], $0x10, s0, s13, $0xb8;
	[tilespmem:$0x1CF00] =	vst v63  }
0x10b: {  	_ = 	snop  }
0x10c: {  	[spmem:s3] =	stream.indirect.scatter.add.f32 [tilespmem:s24], [sflag:$0x2], $0x10, s1, s13, $0xb8;
	[tilespmem:$0x1CF00] =	vst v63  }
0x10d: {  	_ =	swait.ge [sflag:s2], $0x800  }
0x10e: {  	[sflag:s2] =	ssyncset.done $0x0  }
0x10f: {  	[sflag:s2] =	ssyncadd.s32 $0xFFFFF800  }
0x110: {  	_ =	swait.ge [sflag:s2], $0x800  }
0x111: {  	[sflag:s2] =	ssyncset.done $0x0  }
0x112: {  	[sflag:s2] =	ssyncadd.s32 $0xFFFFF800  }
0x113: {  	_ =	swait.ge [sflag:s2], $0x800  }
0x114: {  	[sflag:s2] =	ssyncset.done $0x0  }
0x115: {  	[sflag:s2] =	ssyncadd.s32 $0xFFFFF800  }
0x116: {  	_ =	swait.ge [sflag:s2], $0x800  }
0x117: {  	[sflag:s2] =	ssyncset.done $0x0  }
0x118: {  	[sflag:s2] =	ssyncadd.s32 $0xFFFFF800  }
0x119: {  	_ =	swait.ge [sflag:s2], $0x800  }
0x11a: {  	[sflag:s2] =	ssyncset.done $0x0  }
0x11b: {  	[sflag:s2] =	ssyncadd.s32 $0xFFFFF800  }
0x11c: {  	_ =	swait.ge [sflag:s2], $0x800  }
0x11d: {  	[sflag:s2] =	ssyncset.done $0x0  }
0x11e: {  	[sflag:s2] =	ssyncadd.s32 $0xFFFFF800  }
0x11f: {  	_ =	swait.ge [sflag:s2], $0x800  }
0x120: {  	[sflag:s2] =	ssyncset.done $0x0  }
0x121: {  	[sflag:s2] =	ssyncadd.s32 $0xFFFFF800  }
0x122: {  	_ =	swait.ge [sflag:s2], $0x800  }
0x123: {  	[sflag:s2] =	ssyncset.done $0x0  }
0x124: {  	[sflag:s2] =	ssyncadd.s32 $0xFFFFF800  }
0x125: {  	[bflag:$0x0] =	sbarrier.arrive $0xFFFF  }
0x126: {  	s9 =	rddreg [dreg:$0xb]  }
0x127: {  	s7 =	rddreg [dreg:$0xc]  }
0x128: {  	s6 =	rddreg [dreg:$0xe]  }
0x129: {  	[hbm:s7], [sflag:s9] =	dma.local [spmem:s6], $0x30E0  }
0x12a: {  	_ =	swait.ge [sflag:s10], $0x30E0  }
0x12b: {  	s5 =	rddreg [dreg:$0xf]  }
0x12c: {  	s7 =	sadd.s32 $0x1, s5;
	s5 =	rddreg [dreg:$0xd]  }
0x12d: {  	p0 =	sne.s32 s7, s5  }
.Ltmp1:
0x12e: {  	_ = 	snop;
	(pc) =	sbr.rel @p0 .LBB2_1-.Ltmp1, $3  }
0x12f: {  	_ =	sdelay $0x1  }
0x130: {  	[sflag:s10] =	ssyncset.done $0x0  }
0x131: {  	[sflag:s10] =	ssyncadd.s32 $0xFFFFCF20  }
0x132: {  	_ =	sfence.sel $0x180000  }
0x133: {  	[bflag:$0x0] =	sbarrier.arrive $0xFFFF  }
0x134: {  	_ =	strace $0x9000004A  }
0x135: {  	s0 =	stileid.u32;
	[bflag:$0x2] =	sbarrier.arrive $0xFFFF  }
0x136: {  	p0 =	sne.s32 s0, $0x0;
	s0 =	rddreg [dreg:$0x4]  }
0x137: {  	s0 =	sadd.s32 @!p0 $0x100000, s0  }
0x138: {  	[sflag:s0] =	ssyncadd.tile.s32 @!p0 $0x1;
	_ =	shalt  }
.Lfunc_end2:
_tile_overlayer_lowered:
.L_overlay_start_2:
0x139: {  	(tag) =	ssettag $0x2  }
0x13a: {  	s0 =	rddreg [dreg:$0x0];
	s2 =	stileid.u32  }
0x13b: {  	s1 =	rddreg [dreg:$0x1];
	p0 =	sne.s32 s2, $0x0  }
0x13c: {  	s3 =	rddreg [dreg:$0x2];
	[bflag:$0x3] =	sbarrier.arrive $0xFFFF;
	s2 =	simm.s32 @!p0 $0x1C03  }
0x13d: {  	[timem:s3], [sflag:s2] =	dma.local @!p0 [hbm:s0], s1  }
0x13e: {  	s0 =	simm.s32 @!p0 $0x3  }
0x13f: {  	_ =	swait.ge @!p0 [sflag:s0], s1  }
0x140: {  	s1 =	ssub.s32 @!p0 $0x0, s1;
	[sflag:s0] =	ssyncset.done @!p0 $0x0  }
0x141: {  	[sflag:s0] =	ssyncadd.s32 @!p0 s1  }
0x142: {  	[bflag:$0x3] =	sbarrier.arrive $0xFFFF  }
0x143: {  	_ =	shalt  }

</sc_bundles>
